<compile_context>
chip_gen: v7x
topology: tpu7x:2x2x1
jax: 0.10.2.dev20260603
libtpu: 0.0.44.dev20260713+nightly
codegen_flags: <defaults>
</compile_context>

<pallas_src>
import functools

import jax
import jax.numpy as jnp
from jax import lax
from jax.experimental import pallas as pl
from jax.experimental.pallas import tpu as pltpu
from jax.experimental.pallas import tpu_sc as plsc

NC, NS, L = 2, 16, 16
OH = OW = 512
P = 65536
KS = 4
NPLANES = 192
PER_SC = NPLANES // NC
CHUNK = P // NS
NROW = (CHUNK * KS) // 128
STRIPE = (OH * OW) // NS
_RND = 8388608.0


def _make_sc_call():
    mesh = plsc.VectorSubcoreMesh(
        core_axis_name="c", subcore_axis_name="s", num_cores=NC, num_subcores=NS
    )

    @functools.partial(
        pl.kernel,
        out_type=jax.ShapeDtypeStruct((NPLANES, OH * OW), jnp.float32),
        mesh=mesh,
        scratch_types=[
            pltpu.VMEM((NROW, 128), jnp.int32),
            pltpu.VMEM((2, CHUNK), jnp.float32),
            pltpu.VMEM((CHUNK,), jnp.float32),
            pltpu.VMEM((CHUNK,), jnp.float32),
            pltpu.VMEM((CHUNK,), jnp.float32),
            pltpu.VMEM((STRIPE,), jnp.float32),
            pltpu.VMEM_SHARED((OH * OW,), jnp.float32),
            pltpu.VMEM_SHARED((OH * OW,), jnp.float32),
            pltpu.VMEM_SHARED((OH * OW,), jnp.float32),
            pltpu.SemaphoreType.DMA,
            pltpu.SemaphoreType.DMA,
            pltpu.SemaphoreType.DMA,
            pltpu.SemaphoreType.DMA,
            pltpu.SemaphoreType.DMA,
            pltpu.SemaphoreType.DMA,
            pltpu.SemaphoreType.DMA,
        ],
    )
    def sc_kernel(
        x_hbm, smx_hbm, smy_hbm, out_hbm,
        idx, xraw, xs0, xs1, xs2, zbuf, acc0, acc1, acc2,
        semsc0, semsc1, semsc2, semo0, semo1, semo2, semx,
    ):
        xss = [xs0, xs1, xs2]
        accs = [acc0, acc1, acc2]
        semsc = [semsc0, semsc1, semsc2]
        semo = [semo0, semo1, semo2]
        c = lax.axis_index("c")
        s = lax.axis_index("s")
        pix0 = s * CHUNK
        stripe0 = s * STRIPE

        for k in range(KS):
            pltpu.sync_copy(smx_hbm.at[k, pl.ds(pix0, CHUNK)], xraw.at[0])
            pltpu.sync_copy(smy_hbm.at[k, pl.ds(pix0, CHUNK)], xraw.at[1])

            def idx_body(i, _, k=k):
                vx = xraw[0, pl.ds(i * L, L)]
                vy = xraw[1, pl.ds(i * L, L)]
                vx = jnp.minimum(jnp.maximum(vx, 0.0), OW - 1.0)
                vy = jnp.minimum(jnp.maximum(vy, 0.0), OH - 1.0)
                vx = (vx + _RND) - _RND
                vy = (vy + _RND) - _RND
                v = (vy * float(OW) + vx).astype(jnp.int32)
                row = k * (NROW // KS) + lax.div(i, 8)
                idx[row, pl.ds(lax.rem(i, 8) * L, L)] = v
                return 0

            lax.fori_loop(0, CHUNK // L, idx_body, 0)

        def z_body(i, _):
            zbuf[pl.ds(i * L, L)] = jnp.zeros((L,), jnp.float32)
            return 0

        lax.fori_loop(0, STRIPE // L, z_body, 0)
        for a in range(3):
            pltpu.sync_copy(zbuf, accs[a].at[pl.ds(stripe0, STRIPE)])

        def load_scale(p_loc, b):
            bc = c * PER_SC + jnp.minimum(p_loc, PER_SC - 1)
            pltpu.async_copy(
                x_hbm.at[bc, pl.ds(pix0, CHUNK)], xraw.at[0], semx
            ).wait()

            xb = xss[b]

            def s_body(i, _):
                xb[pl.ds(i * L, L)] = xraw[0, pl.ds(i * L, L)] * (1.0 / KS)
                return 0

            lax.fori_loop(0, CHUNK // L, s_body, 0)

        def fire(a):
            def f_body(r, _):
                src = xss[a].at[pl.ds(lax.rem(r, NROW // KS) * 128, 128)]
                pltpu.async_copy(src, accs[a].at[idx.at[r]], semsc[a], add=True)
                return 0

            lax.fori_loop(0, NROW, f_body, 0, unroll=4)

        def drain_scatters(a):
            def w_body(r, _):
                pltpu.make_async_copy(
                    xss[a].at[pl.ds(lax.rem(r, NROW // KS) * 128, 128)],
                    accs[a].at[idx.at[r]],
                    semsc[a],
                ).wait()
                return 0

            lax.fori_loop(0, NROW, w_body, 0, unroll=4)

        def copy_out(p_loc, a):
            bc = c * PER_SC + p_loc
            pltpu.async_copy(
                accs[a].at[pl.ds(stripe0, STRIPE)],
                out_hbm.at[bc, pl.ds(stripe0, STRIPE)],
                semo[a],
            )

        def drain_copy_out(a):
            pltpu.make_async_copy(
                accs[a].at[pl.ds(stripe0, STRIPE)],
                out_hbm.at[0, pl.ds(stripe0, STRIPE)],
                semo[a],
            ).wait()

        def rezero(a):
            pltpu.sync_copy(zbuf, accs[a].at[pl.ds(stripe0, STRIPE)])

        plsc.subcore_barrier()

        load_scale(jnp.int32(0), 0)
        fire(0)
        load_scale(jnp.int32(1), 1)
        drain_scatters(0)
        plsc.subcore_barrier()
        copy_out(jnp.int32(0), 0)
        fire(1)
        load_scale(jnp.int32(2), 2)

        def steady(p, a):
            fire(a)
            drain_copy_out((a + 1) % 3)
            rezero((a + 1) % 3)
            drain_scatters((a + 2) % 3)
            plsc.subcore_barrier()
            copy_out(p - 1, (a + 2) % 3)
            load_scale(p + 1, (a + 1) % 3)

        def tri_body(q, _):
            for j in range(3):
                p = q * 3 + 2 + j
                steady(p, (2 + j) % 3)
            return 0

        lax.fori_loop(0, (PER_SC - 2 - 1) // 3, tri_body, 0)

        steady(jnp.int32(95), 2)

        drain_scatters(95 % 3)
        plsc.subcore_barrier()
        copy_out(jnp.int32(95), 95 % 3)
        drain_copy_out(1)
        drain_copy_out(2)

    return sc_kernel


_sc_call = _make_sc_call()


def kernel(x, oh, ow, sample_map):
    B, C, IH, IW = x.shape
    x2 = x.reshape(NPLANES, P)
    smk = sample_map.reshape(P, KS, 2).transpose(1, 0, 2)
    smx = smk[..., 0]
    smy = smk[..., 1]
    out = _sc_call(x2, smx, smy)
    return out.reshape(B, C, OH, OW)

# --- scband reference (transcript-rebuilt; emitter-appended) ---
"""Pipeline reference for scband-mapped-avg-unpool-34282428956674 (READ-ONLY COPY).

The authoritative reference and input builder live on the scoring server;
editing this copy changes nothing except your own understanding.
"""

import jax, jax.numpy as jnp
import numpy as np


def setup_inputs(seed: int = 0) -> dict:
    key = jax.random.key(seed)
    k1, k2 = jax.random.split(key)
    B, C, IH, IW = 2, 96, 256, 256
    K = 4
    oh, ow = 512, 512
    x = jax.random.normal(k1, (B, C, IH, IW), dtype=jnp.float32)
    sm = jax.random.uniform(k2, (IH, IW, K, 2), dtype=jnp.float32)
    # sample_map holds (x, y) coordinates into the output grid
    sample_map = sm * jnp.array([ow - 1, oh - 1], dtype=jnp.float32)
    return {"x": x, "oh": oh, "ow": ow, "sample_map": sample_map}


def reference(x, oh, ow, sample_map):
    # MappedAvgUnpool with nearest interpolation (interp=0):
    # each input pixel (ih, iw) scatters x[b,c,ih,iw]/K to the K output
    # locations given by sample_map[ih, iw, k] = (x_coord, y_coord),
    # rounded to the nearest output pixel (adjoint of mapped_avg_pool).
    B, C, IH, IW = x.shape
    K = sample_map.shape[2]
    OH, OW = 512, 512  # static output grid size; oh/ow always carry these values
    coords = sample_map.reshape(-1, 2)  # [IH*IW*K, 2]
    xi = jnp.clip(jnp.rint(coords[:, 0]).astype(jnp.int32), 0, ow - 1)
    yi = jnp.clip(jnp.rint(coords[:, 1]).astype(jnp.int32), 0, oh - 1)
    flat_idx = yi * ow + xi  # [IH*IW*K]
    vals = jnp.repeat(x.reshape(B, C, IH * IW), K, axis=2) / float(K)
    out = jnp.zeros((B, C, OH * OW), dtype=x.dtype).at[:, :, flat_idx].add(vals)
    return out.reshape(B, C, OH, OW)

if __name__ == "__main__":
    import jax
    _d = setup_inputs()
    print(jax.jit(kernel)(*tuple(_d.values())))

</pallas_src>

<mosaic_0001>
#map = affine_map<(d0, d1) -> (0, 0)>
module attributes {stable_mosaic.version = 14 : i64} {
  func.func @sc_kernel(%arg0: i32, %arg1: i32, %arg2: memref<192x65536xf32, #tpu.memory_space<hbm>>, %arg3: memref<4x65536xf32, #tpu.memory_space<hbm>>, %arg4: memref<4x65536xf32, #tpu.memory_space<hbm>>, %arg5: memref<192x262144xf32, #tpu.memory_space<hbm>>, %arg6: memref<128x128xi32, #tpu.memory_space<vmem>>, %arg7: memref<2x4096xf32, #tpu.memory_space<vmem>>, %arg8: memref<4096xf32, #tpu.memory_space<vmem>>, %arg9: memref<4096xf32, #tpu.memory_space<vmem>>, %arg10: memref<4096xf32, #tpu.memory_space<vmem>>, %arg11: memref<16384xf32, #tpu.memory_space<vmem>>, %arg12: memref<262144xf32, #tpu.memory_space<vmem_shared>>, %arg13: memref<262144xf32, #tpu.memory_space<vmem_shared>>, %arg14: memref<262144xf32, #tpu.memory_space<vmem_shared>>, %arg15: memref<!tpu.dma_semaphore, #tpu.memory_space<semaphore_mem>>, %arg16: memref<!tpu.dma_semaphore, #tpu.memory_space<semaphore_mem>>, %arg17: memref<!tpu.dma_semaphore, #tpu.memory_space<semaphore_mem>>, %arg18: memref<!tpu.dma_semaphore, #tpu.memory_space<semaphore_mem>>, %arg19: memref<!tpu.dma_semaphore, #tpu.memory_space<semaphore_mem>>, %arg20: memref<!tpu.dma_semaphore, #tpu.memory_space<semaphore_mem>>, %arg21: memref<!tpu.dma_semaphore, #tpu.memory_space<semaphore_mem>>) attributes {dimension_semantics = [#tpu.dimension_semantics<core_parallel>, #tpu.dimension_semantics<subcore_parallel>], iteration_bounds = array<i64: 2, 16>, scalar_prefetch = 0 : i64, scratch_operands = 16 : i64, tpu.core_type = #tpu.core_type<sc_vector_subcore>, window_params = [{transform_indices = #map}, {transform_indices = #map}, {transform_indices = #map}, {transform_indices = #map}]} {
    %mul3A = arith.constant 4096 : i32
    %mul3A_0 = arith.muli %arg1, %mul3A : i32
    %mul3A_1 = arith.constant 16384 : i32
    %mul3A_2 = arith.muli %arg1, %mul3A_1 : i32
    %run_scoped3A = arith.constant 0 : i32
    %run_scoped3A_3 = arith.constant 0 : i32
    "tpu.region"() ({
      %run_scoped3A_276 = tpu.sem_alloc : memref<!tpu.dma_semaphore, #tpu.memory_space<semaphore_mem>>
      %dma_start3A_277 = arith.constant 0 : i32
      %dma_start3A_278 = tpu.memref_slice %arg7[%run_scoped3A_3, %dma_start3A_277] : memref<2x4096xf32, #tpu.memory_space<vmem>> -> memref<1x4096xf32, #tpu.memory_space<vmem>>
      %dma_start3A_279 = tpu.memref_squeeze %dma_start3A_278 : memref<1x4096xf32, #tpu.memory_space<vmem>> -> memref<4096xf32, #tpu.memory_space<vmem>>
      %dma_start3A_280 = tpu.memref_slice %arg3[%run_scoped3A, %mul3A_0] : memref<4x65536xf32, #tpu.memory_space<hbm>> -> memref<1x4096xf32, #tpu.memory_space<hbm>>
      %dma_start3A_281 = tpu.memref_squeeze %dma_start3A_280 : memref<1x4096xf32, #tpu.memory_space<hbm>> -> memref<4096xf32, #tpu.memory_space<hbm>>
      %dma_start3A_282 = arith.constant 0 : i32
      %dma_start3A_283 = tpu.memref_slice %arg7[%run_scoped3A_3, %dma_start3A_282] : memref<2x4096xf32, #tpu.memory_space<vmem>> -> memref<1x4096xf32, #tpu.memory_space<vmem>>
      %dma_start3A_284 = tpu.memref_squeeze %dma_start3A_283 : memref<1x4096xf32, #tpu.memory_space<vmem>> -> memref<4096xf32, #tpu.memory_space<vmem>>
      %dma_start3A_285 = tpu.memref_slice %arg3[%run_scoped3A, %mul3A_0] : memref<4x65536xf32, #tpu.memory_space<hbm>> -> memref<1x4096xf32, #tpu.memory_space<hbm>>
      %dma_start3A_286 = tpu.memref_squeeze %dma_start3A_285 : memref<1x4096xf32, #tpu.memory_space<hbm>> -> memref<4096xf32, #tpu.memory_space<hbm>>
      tpu.enqueue_dma source(%dma_start3A_286 : memref<4096xf32, #tpu.memory_space<hbm>>) target(%dma_start3A_284 : memref<4096xf32, #tpu.memory_space<vmem>>) target_semaphore(%run_scoped3A_276 : memref<!tpu.dma_semaphore, #tpu.memory_space<semaphore_mem>>)
      %dma_wait3A_287 = arith.constant 0 : i32
      %dma_wait3A_288 = tpu.memref_slice %arg7[%run_scoped3A_3, %dma_wait3A_287] : memref<2x4096xf32, #tpu.memory_space<vmem>> -> memref<1x4096xf32, #tpu.memory_space<vmem>>
      %dma_wait3A_289 = tpu.memref_squeeze %dma_wait3A_288 : memref<1x4096xf32, #tpu.memory_space<vmem>> -> memref<4096xf32, #tpu.memory_space<vmem>>
      %dma_wait3A_290 = tpu.memref_slice %arg3[%run_scoped3A, %mul3A_0] : memref<4x65536xf32, #tpu.memory_space<hbm>> -> memref<1x4096xf32, #tpu.memory_space<hbm>>
      %dma_wait3A_291 = tpu.memref_squeeze %dma_wait3A_290 : memref<1x4096xf32, #tpu.memory_space<hbm>> -> memref<4096xf32, #tpu.memory_space<hbm>>
      %dma_wait3A_292 = arith.constant 0 : i32
      %dma_wait3A_293 = tpu.memref_slice %arg7[%run_scoped3A_3, %dma_wait3A_292] : memref<2x4096xf32, #tpu.memory_space<vmem>> -> memref<1x4096xf32, #tpu.memory_space<vmem>>
      %dma_wait3A_294 = tpu.memref_squeeze %dma_wait3A_293 : memref<1x4096xf32, #tpu.memory_space<vmem>> -> memref<4096xf32, #tpu.memory_space<vmem>>
      %dma_wait3A_295 = tpu.memref_slice %arg3[%run_scoped3A, %mul3A_0] : memref<4x65536xf32, #tpu.memory_space<hbm>> -> memref<1x4096xf32, #tpu.memory_space<hbm>>
      %dma_wait3A_296 = tpu.memref_squeeze %dma_wait3A_295 : memref<1x4096xf32, #tpu.memory_space<hbm>> -> memref<4096xf32, #tpu.memory_space<hbm>>
      tpu.wait_dma2 semaphore(%run_scoped3A_276 : memref<!tpu.dma_semaphore, #tpu.memory_space<semaphore_mem>>) src(%dma_wait3A_296 : memref<4096xf32, #tpu.memory_space<hbm>>) dst(%dma_wait3A_294 : memref<4096xf32, #tpu.memory_space<vmem>>)
      tpu.yield
    }) : () -> ()
    %run_scoped3A_4 = arith.constant 0 : i32
    %run_scoped3A_5 = arith.constant 1 : i32
    "tpu.region"() ({
      %run_scoped3A_276 = tpu.sem_alloc : memref<!tpu.dma_semaphore, #tpu.memory_space<semaphore_mem>>
      %dma_start3A_277 = arith.constant 0 : i32
      %dma_start3A_278 = tpu.memref_slice %arg7[%run_scoped3A_5, %dma_start3A_277] : memref<2x4096xf32, #tpu.memory_space<vmem>> -> memref<1x4096xf32, #tpu.memory_space<vmem>>
      %dma_start3A_279 = tpu.memref_squeeze %dma_start3A_278 : memref<1x4096xf32, #tpu.memory_space<vmem>> -> memref<4096xf32, #tpu.memory_space<vmem>>
      %dma_start3A_280 = tpu.memref_slice %arg4[%run_scoped3A_4, %mul3A_0] : memref<4x65536xf32, #tpu.memory_space<hbm>> -> memref<1x4096xf32, #tpu.memory_space<hbm>>
      %dma_start3A_281 = tpu.memref_squeeze %dma_start3A_280 : memref<1x4096xf32, #tpu.memory_space<hbm>> -> memref<4096xf32, #tpu.memory_space<hbm>>
      %dma_start3A_282 = arith.constant 0 : i32
      %dma_start3A_283 = tpu.memref_slice %arg7[%run_scoped3A_5, %dma_start3A_282] : memref<2x4096xf32, #tpu.memory_space<vmem>> -> memref<1x4096xf32, #tpu.memory_space<vmem>>
      %dma_start3A_284 = tpu.memref_squeeze %dma_start3A_283 : memref<1x4096xf32, #tpu.memory_space<vmem>> -> memref<4096xf32, #tpu.memory_space<vmem>>
      %dma_start3A_285 = tpu.memref_slice %arg4[%run_scoped3A_4, %mul3A_0] : memref<4x65536xf32, #tpu.memory_space<hbm>> -> memref<1x4096xf32, #tpu.memory_space<hbm>>
      %dma_start3A_286 = tpu.memref_squeeze %dma_start3A_285 : memref<1x4096xf32, #tpu.memory_space<hbm>> -> memref<4096xf32, #tpu.memory_space<hbm>>
      tpu.enqueue_dma source(%dma_start3A_286 : memref<4096xf32, #tpu.memory_space<hbm>>) target(%dma_start3A_284 : memref<4096xf32, #tpu.memory_space<vmem>>) target_semaphore(%run_scoped3A_276 : memref<!tpu.dma_semaphore, #tpu.memory_space<semaphore_mem>>)
      %dma_wait3A_287 = arith.constant 0 : i32
      %dma_wait3A_288 = tpu.memref_slice %arg7[%run_scoped3A_5, %dma_wait3A_287] : memref<2x4096xf32, #tpu.memory_space<vmem>> -> memref<1x4096xf32, #tpu.memory_space<vmem>>
      %dma_wait3A_289 = tpu.memref_squeeze %dma_wait3A_288 : memref<1x4096xf32, #tpu.memory_space<vmem>> -> memref<4096xf32, #tpu.memory_space<vmem>>
      %dma_wait3A_290 = tpu.memref_slice %arg4[%run_scoped3A_4, %mul3A_0] : memref<4x65536xf32, #tpu.memory_space<hbm>> -> memref<1x4096xf32, #tpu.memory_space<hbm>>
      %dma_wait3A_291 = tpu.memref_squeeze %dma_wait3A_290 : memref<1x4096xf32, #tpu.memory_space<hbm>> -> memref<4096xf32, #tpu.memory_space<hbm>>
      %dma_wait3A_292 = arith.constant 0 : i32
      %dma_wait3A_293 = tpu.memref_slice %arg7[%run_scoped3A_5, %dma_wait3A_292] : memref<2x4096xf32, #tpu.memory_space<vmem>> -> memref<1x4096xf32, #tpu.memory_space<vmem>>
      %dma_wait3A_294 = tpu.memref_squeeze %dma_wait3A_293 : memref<1x4096xf32, #tpu.memory_space<vmem>> -> memref<4096xf32, #tpu.memory_space<vmem>>
      %dma_wait3A_295 = tpu.memref_slice %arg4[%run_scoped3A_4, %mul3A_0] : memref<4x65536xf32, #tpu.memory_space<hbm>> -> memref<1x4096xf32, #tpu.memory_space<hbm>>
      %dma_wait3A_296 = tpu.memref_squeeze %dma_wait3A_295 : memref<1x4096xf32, #tpu.memory_space<hbm>> -> memref<4096xf32, #tpu.memory_space<hbm>>
      tpu.wait_dma2 semaphore(%run_scoped3A_276 : memref<!tpu.dma_semaphore, #tpu.memory_space<semaphore_mem>>) src(%dma_wait3A_296 : memref<4096xf32, #tpu.memory_space<hbm>>) dst(%dma_wait3A_294 : memref<4096xf32, #tpu.memory_space<vmem>>)
      tpu.yield
    }) : () -> ()
    %scan3A = arith.constant 0 : i32
    %scan3A_6 = arith.constant 0 : i32
    %scan3A_7 = arith.constant 256 : i32
    %scan3A_8 = arith.addi %scan3A_6, %scan3A_7 : i32
    %scan3A_9 = arith.constant 1 : i32
    %scan3A_10 = scf.for %scan3A_276 = %scan3A_6 to %scan3A_8 step %scan3A_9 iter_args(%scan3A_277 = %scan3A) -> (i32)  : i32 {
      %mul3A_278 = arith.constant 16 : i32
      %mul3A_279 = arith.muli %scan3A_276, %mul3A_278 : i32
      %get3A = arith.constant 0 : i32
      %get3A_280 = arith.index_cast %get3A : i32 to index
      %get3A_281 = arith.index_cast %mul3A_279 : i32 to index
      %get3A_282 = tpu.vector_load %arg7[%get3A_280, %get3A_281] {strides = array<i32>} : memref<2x4096xf32, #tpu.memory_space<vmem>>, vector<1x16xf32>,
      %get3A_283 = vector.shape_cast %get3A_282 : vector<1x16xf32> to vector<16xf32>
      %mul3A_284 = arith.constant 16 : i32
      %mul3A_285 = arith.muli %scan3A_276, %mul3A_284 : i32
      %get3A_286 = arith.constant 1 : i32
      %get3A_287 = arith.index_cast %get3A_286 : i32 to index
      %get3A_288 = arith.index_cast %mul3A_285 : i32 to index
      %get3A_289 = tpu.vector_load %arg7[%get3A_287, %get3A_288] {strides = array<i32>} : memref<2x4096xf32, #tpu.memory_space<vmem>>, vector<1x16xf32>,
      %get3A_290 = vector.shape_cast %get3A_289 : vector<1x16xf32> to vector<16xf32>
      %max3A = arith.constant 0.000000e+00 : f32
      %max3A_291 = vector.broadcast %max3A : f32 to vector<16xf32>
      %max3A_292 = arith.maximumf %get3A_283, %max3A_291 : vector<16xf32>
      %min3A_293 = arith.constant 5.110000e+02 : f32
      %min3A_294 = vector.broadcast %min3A_293 : f32 to vector<16xf32>
      %min3A_295 = arith.minimumf %max3A_292, %min3A_294 : vector<16xf32>
      %max3A_296 = arith.constant 0.000000e+00 : f32
      %max3A_297 = vector.broadcast %max3A_296 : f32 to vector<16xf32>
      %max3A_298 = arith.maximumf %get3A_290, %max3A_297 : vector<16xf32>
      %min3A_299 = arith.constant 5.110000e+02 : f32
      %min3A_300 = vector.broadcast %min3A_299 : f32 to vector<16xf32>
      %min3A_301 = arith.minimumf %max3A_298, %min3A_300 : vector<16xf32>
      %add3A_302 = arith.constant 0x4B000000 : f32
      %add3A_303 = vector.broadcast %add3A_302 : f32 to vector<16xf32>
      %add3A_304 = arith.addf %min3A_295, %add3A_303 : vector<16xf32>
      %sub3A_305 = arith.constant 0x4B000000 : f32
      %sub3A_306 = vector.broadcast %sub3A_305 : f32 to vector<16xf32>
      %sub3A_307 = arith.subf %add3A_304, %sub3A_306 : vector<16xf32>
      %add3A_308 = arith.constant 0x4B000000 : f32
      %add3A_309 = vector.broadcast %add3A_308 : f32 to vector<16xf32>
      %add3A_310 = arith.addf %min3A_301, %add3A_309 : vector<16xf32>
      %sub3A_311 = arith.constant 0x4B000000 : f32
      %sub3A_312 = vector.broadcast %sub3A_311 : f32 to vector<16xf32>
      %sub3A_313 = arith.subf %add3A_310, %sub3A_312 : vector<16xf32>
      %mul3A_314 = arith.constant 5.120000e+02 : f32
      %mul3A_315 = vector.broadcast %mul3A_314 : f32 to vector<16xf32>
      %mul3A_316 = arith.mulf %sub3A_313, %mul3A_315 : vector<16xf32>
      %add3A_317 = arith.addf %mul3A_316, %sub3A_307 : vector<16xf32>
      %convert_element_type3A = arith.fptosi %add3A_317 : vector<16xf32> to vector<16xi32>
      %div3A = arith.constant 8 : i32
      %div3A_318 = arith.divsi %scan3A_276, %div3A : i32
      %add3A_319 = arith.constant 0 : i32
      %add3A_320 = arith.addi %add3A_319, %div3A_318 : i32
      %rem3A = arith.constant 8 : i32
      %rem3A_321 = arith.remsi %scan3A_276, %rem3A : i32
      %mul3A_322 = arith.constant 16 : i32
      %mul3A_323 = arith.muli %rem3A_321, %mul3A_322 : i32
      %swap3A = arith.index_cast %add3A_320 : i32 to index
      %swap3A_324 = arith.index_cast %mul3A_323 : i32 to index
      %swap3A_325 = tpu.vector_load %arg6[%swap3A, %swap3A_324] {strides = array<i32>} : memref<128x128xi32, #tpu.memory_space<vmem>>, vector<1x16xi32>,
      %swap3A_326 = vector.shape_cast %swap3A_325 : vector<1x16xi32> to vector<16xi32>
      %swap3A_327 = vector.shape_cast %convert_element_type3A : vector<16xi32> to vector<1x16xi32>
      tpu.vector_store %arg6[%swap3A, %swap3A_324], %swap3A_327 {strides = array<i32>} : memref<128x128xi32, #tpu.memory_space<vmem>>, vector<1x16xi32>,
      %scan3A_328 = arith.constant 0 : i32
      scf.yield %scan3A_328 : i32
    }
    %scan3A_11 = arith.constant 256 : i32
    %run_scoped3A_12 = arith.constant 1 : i32
    %run_scoped3A_13 = arith.constant 0 : i32
    "tpu.region"() ({
      %run_scoped3A_276 = tpu.sem_alloc : memref<!tpu.dma_semaphore, #tpu.memory_space<semaphore_mem>>
      %dma_start3A_277 = arith.constant 0 : i32
      %dma_start3A_278 = tpu.memref_slice %arg7[%run_scoped3A_13, %dma_start3A_277] : memref<2x4096xf32, #tpu.memory_space<vmem>> -> memref<1x4096xf32, #tpu.memory_space<vmem>>
      %dma_start3A_279 = tpu.memref_squeeze %dma_start3A_278 : memref<1x4096xf32, #tpu.memory_space<vmem>> -> memref<4096xf32, #tpu.memory_space<vmem>>
      %dma_start3A_280 = tpu.memref_slice %arg3[%run_scoped3A_12, %mul3A_0] : memref<4x65536xf32, #tpu.memory_space<hbm>> -> memref<1x4096xf32, #tpu.memory_space<hbm>>
      %dma_start3A_281 = tpu.memref_squeeze %dma_start3A_280 : memref<1x4096xf32, #tpu.memory_space<hbm>> -> memref<4096xf32, #tpu.memory_space<hbm>>
      %dma_start3A_282 = arith.constant 0 : i32
      %dma_start3A_283 = tpu.memref_slice %arg7[%run_scoped3A_13, %dma_start3A_282] : memref<2x4096xf32, #tpu.memory_space<vmem>> -> memref<1x4096xf32, #tpu.memory_space<vmem>>
      %dma_start3A_284 = tpu.memref_squeeze %dma_start3A_283 : memref<1x4096xf32, #tpu.memory_space<vmem>> -> memref<4096xf32, #tpu.memory_space<vmem>>
      %dma_start3A_285 = tpu.memref_slice %arg3[%run_scoped3A_12, %mul3A_0] : memref<4x65536xf32, #tpu.memory_space<hbm>> -> memref<1x4096xf32, #tpu.memory_space<hbm>>
      %dma_start3A_286 = tpu.memref_squeeze %dma_start3A_285 : memref<1x4096xf32, #tpu.memory_space<hbm>> -> memref<4096xf32, #tpu.memory_space<hbm>>
      tpu.enqueue_dma source(%dma_start3A_286 : memref<4096xf32, #tpu.memory_space<hbm>>) target(%dma_start3A_284 : memref<4096xf32, #tpu.memory_space<vmem>>) target_semaphore(%run_scoped3A_276 : memref<!tpu.dma_semaphore, #tpu.memory_space<semaphore_mem>>)
      %dma_wait3A_287 = arith.constant 0 : i32
      %dma_wait3A_288 = tpu.memref_slice %arg7[%run_scoped3A_13, %dma_wait3A_287] : memref<2x4096xf32, #tpu.memory_space<vmem>> -> memref<1x4096xf32, #tpu.memory_space<vmem>>
      %dma_wait3A_289 = tpu.memref_squeeze %dma_wait3A_288 : memref<1x4096xf32, #tpu.memory_space<vmem>> -> memref<4096xf32, #tpu.memory_space<vmem>>
      %dma_wait3A_290 = tpu.memref_slice %arg3[%run_scoped3A_12, %mul3A_0] : memref<4x65536xf32, #tpu.memory_space<hbm>> -> memref<1x4096xf32, #tpu.memory_space<hbm>>
      %dma_wait3A_291 = tpu.memref_squeeze %dma_wait3A_290 : memref<1x4096xf32, #tpu.memory_space<hbm>> -> memref<4096xf32, #tpu.memory_space<hbm>>
      %dma_wait3A_292 = arith.constant 0 : i32
      %dma_wait3A_293 = tpu.memref_slice %arg7[%run_scoped3A_13, %dma_wait3A_292] : memref<2x4096xf32, #tpu.memory_space<vmem>> -> memref<1x4096xf32, #tpu.memory_space<vmem>>
      %dma_wait3A_294 = tpu.memref_squeeze %dma_wait3A_293 : memref<1x4096xf32, #tpu.memory_space<vmem>> -> memref<4096xf32, #tpu.memory_space<vmem>>
      %dma_wait3A_295 = tpu.memref_slice %arg3[%run_scoped3A_12, %mul3A_0] : memref<4x65536xf32, #tpu.memory_space<hbm>> -> memref<1x4096xf32, #tpu.memory_space<hbm>>
      %dma_wait3A_296 = tpu.memref_squeeze %dma_wait3A_295 : memref<1x4096xf32, #tpu.memory_space<hbm>> -> memref<4096xf32, #tpu.memory_space<hbm>>
      tpu.wait_dma2 semaphore(%run_scoped3A_276 : memref<!tpu.dma_semaphore, #tpu.memory_space<semaphore_mem>>) src(%dma_wait3A_296 : memref<4096xf32, #tpu.memory_space<hbm>>) dst(%dma_wait3A_294 : memref<4096xf32, #tpu.memory_space<vmem>>)
      tpu.yield
    }) : () -> ()
    %run_scoped3A_14 = arith.constant 1 : i32
    %run_scoped3A_15 = arith.constant 1 : i32
    "tpu.region"() ({
      %run_scoped3A_276 = tpu.sem_alloc : memref<!tpu.dma_semaphore, #tpu.memory_space<semaphore_mem>>
      %dma_start3A_277 = arith.constant 0 : i32
      %dma_start3A_278 = tpu.memref_slice %arg7[%run_scoped3A_15, %dma_start3A_277] : memref<2x4096xf32, #tpu.memory_space<vmem>> -> memref<1x4096xf32, #tpu.memory_space<vmem>>
      %dma_start3A_279 = tpu.memref_squeeze %dma_start3A_278 : memref<1x4096xf32, #tpu.memory_space<vmem>> -> memref<4096xf32, #tpu.memory_space<vmem>>
      %dma_start3A_280 = tpu.memref_slice %arg4[%run_scoped3A_14, %mul3A_0] : memref<4x65536xf32, #tpu.memory_space<hbm>> -> memref<1x4096xf32, #tpu.memory_space<hbm>>
      %dma_start3A_281 = tpu.memref_squeeze %dma_start3A_280 : memref<1x4096xf32, #tpu.memory_space<hbm>> -> memref<4096xf32, #tpu.memory_space<hbm>>
      %dma_start3A_282 = arith.constant 0 : i32
      %dma_start3A_283 = tpu.memref_slice %arg7[%run_scoped3A_15, %dma_start3A_282] : memref<2x4096xf32, #tpu.memory_space<vmem>> -> memref<1x4096xf32, #tpu.memory_space<vmem>>
      %dma_start3A_284 = tpu.memref_squeeze %dma_start3A_283 : memref<1x4096xf32, #tpu.memory_space<vmem>> -> memref<4096xf32, #tpu.memory_space<vmem>>
      %dma_start3A_285 = tpu.memref_slice %arg4[%run_scoped3A_14, %mul3A_0] : memref<4x65536xf32, #tpu.memory_space<hbm>> -> memref<1x4096xf32, #tpu.memory_space<hbm>>
      %dma_start3A_286 = tpu.memref_squeeze %dma_start3A_285 : memref<1x4096xf32, #tpu.memory_space<hbm>> -> memref<4096xf32, #tpu.memory_space<hbm>>
      tpu.enqueue_dma source(%dma_start3A_286 : memref<4096xf32, #tpu.memory_space<hbm>>) target(%dma_start3A_284 : memref<4096xf32, #tpu.memory_space<vmem>>) target_semaphore(%run_scoped3A_276 : memref<!tpu.dma_semaphore, #tpu.memory_space<semaphore_mem>>)
      %dma_wait3A_287 = arith.constant 0 : i32
      %dma_wait3A_288 = tpu.memref_slice %arg7[%run_scoped3A_15, %dma_wait3A_287] : memref<2x4096xf32, #tpu.memory_space<vmem>> -> memref<1x4096xf32, #tpu.memory_space<vmem>>
      %dma_wait3A_289 = tpu.memref_squeeze %dma_wait3A_288 : memref<1x4096xf32, #tpu.memory_space<vmem>> -> memref<4096xf32, #tpu.memory_space<vmem>>
      %dma_wait3A_290 = tpu.memref_slice %arg4[%run_scoped3A_14, %mul3A_0] : memref<4x65536xf32, #tpu.memory_space<hbm>> -> memref<1x4096xf32, #tpu.memory_space<hbm>>
      %dma_wait3A_291 = tpu.memref_squeeze %dma_wait3A_290 : memref<1x4096xf32, #tpu.memory_space<hbm>> -> memref<4096xf32, #tpu.memory_space<hbm>>
      %dma_wait3A_292 = arith.constant 0 : i32
      %dma_wait3A_293 = tpu.memref_slice %arg7[%run_scoped3A_15, %dma_wait3A_292] : memref<2x4096xf32, #tpu.memory_space<vmem>> -> memref<1x4096xf32, #tpu.memory_space<vmem>>
      %dma_wait3A_294 = tpu.memref_squeeze %dma_wait3A_293 : memref<1x4096xf32, #tpu.memory_space<vmem>> -> memref<4096xf32, #tpu.memory_space<vmem>>
      %dma_wait3A_295 = tpu.memref_slice %arg4[%run_scoped3A_14, %mul3A_0] : memref<4x65536xf32, #tpu.memory_space<hbm>> -> memref<1x4096xf32, #tpu.memory_space<hbm>>
      %dma_wait3A_296 = tpu.memref_squeeze %dma_wait3A_295 : memref<1x4096xf32, #tpu.memory_space<hbm>> -> memref<4096xf32, #tpu.memory_space<hbm>>
      tpu.wait_dma2 semaphore(%run_scoped3A_276 : memref<!tpu.dma_semaphore, #tpu.memory_space<semaphore_mem>>) src(%dma_wait3A_296 : memref<4096xf32, #tpu.memory_space<hbm>>) dst(%dma_wait3A_294 : memref<4096xf32, #tpu.memory_space<vmem>>)
      tpu.yield
    }) : () -> ()
    %scan3A_16 = arith.constant 0 : i32
    %scan3A_17 = arith.constant 0 : i32
    %scan3A_18 = arith.constant 256 : i32
    %scan3A_19 = arith.addi %scan3A_17, %scan3A_18 : i32
    %scan3A_20 = arith.constant 1 : i32
    %scan3A_21 = scf.for %scan3A_276 = %scan3A_17 to %scan3A_19 step %scan3A_20 iter_args(%scan3A_277 = %scan3A_16) -> (i32)  : i32 {
      %mul3A_278 = arith.constant 16 : i32
      %mul3A_279 = arith.muli %scan3A_276, %mul3A_278 : i32
      %get3A = arith.constant 0 : i32
      %get3A_280 = arith.index_cast %get3A : i32 to index
      %get3A_281 = arith.index_cast %mul3A_279 : i32 to index
      %get3A_282 = tpu.vector_load %arg7[%get3A_280, %get3A_281] {strides = array<i32>} : memref<2x4096xf32, #tpu.memory_space<vmem>>, vector<1x16xf32>,
      %get3A_283 = vector.shape_cast %get3A_282 : vector<1x16xf32> to vector<16xf32>
      %mul3A_284 = arith.constant 16 : i32
      %mul3A_285 = arith.muli %scan3A_276, %mul3A_284 : i32
      %get3A_286 = arith.constant 1 : i32
      %get3A_287 = arith.index_cast %get3A_286 : i32 to index
      %get3A_288 = arith.index_cast %mul3A_285 : i32 to index
      %get3A_289 = tpu.vector_load %arg7[%get3A_287, %get3A_288] {strides = array<i32>} : memref<2x4096xf32, #tpu.memory_space<vmem>>, vector<1x16xf32>,
      %get3A_290 = vector.shape_cast %get3A_289 : vector<1x16xf32> to vector<16xf32>
      %max3A = arith.constant 0.000000e+00 : f32
      %max3A_291 = vector.broadcast %max3A : f32 to vector<16xf32>
      %max3A_292 = arith.maximumf %get3A_283, %max3A_291 : vector<16xf32>
      %min3A_293 = arith.constant 5.110000e+02 : f32
      %min3A_294 = vector.broadcast %min3A_293 : f32 to vector<16xf32>
      %min3A_295 = arith.minimumf %max3A_292, %min3A_294 : vector<16xf32>
      %max3A_296 = arith.constant 0.000000e+00 : f32
      %max3A_297 = vector.broadcast %max3A_296 : f32 to vector<16xf32>
      %max3A_298 = arith.maximumf %get3A_290, %max3A_297 : vector<16xf32>
      %min3A_299 = arith.constant 5.110000e+02 : f32
      %min3A_300 = vector.broadcast %min3A_299 : f32 to vector<16xf32>
      %min3A_301 = arith.minimumf %max3A_298, %min3A_300 : vector<16xf32>
      %add3A_302 = arith.constant 0x4B000000 : f32
      %add3A_303 = vector.broadcast %add3A_302 : f32 to vector<16xf32>
      %add3A_304 = arith.addf %min3A_295, %add3A_303 : vector<16xf32>
      %sub3A_305 = arith.constant 0x4B000000 : f32
      %sub3A_306 = vector.broadcast %sub3A_305 : f32 to vector<16xf32>
      %sub3A_307 = arith.subf %add3A_304, %sub3A_306 : vector<16xf32>
      %add3A_308 = arith.constant 0x4B000000 : f32
      %add3A_309 = vector.broadcast %add3A_308 : f32 to vector<16xf32>
      %add3A_310 = arith.addf %min3A_301, %add3A_309 : vector<16xf32>
      %sub3A_311 = arith.constant 0x4B000000 : f32
      %sub3A_312 = vector.broadcast %sub3A_311 : f32 to vector<16xf32>
      %sub3A_313 = arith.subf %add3A_310, %sub3A_312 : vector<16xf32>
      %mul3A_314 = arith.constant 5.120000e+02 : f32
      %mul3A_315 = vector.broadcast %mul3A_314 : f32 to vector<16xf32>
      %mul3A_316 = arith.mulf %sub3A_313, %mul3A_315 : vector<16xf32>
      %add3A_317 = arith.addf %mul3A_316, %sub3A_307 : vector<16xf32>
      %convert_element_type3A = arith.fptosi %add3A_317 : vector<16xf32> to vector<16xi32>
      %div3A = arith.constant 8 : i32
      %div3A_318 = arith.divsi %scan3A_276, %div3A : i32
      %add3A_319 = arith.constant 32 : i32
      %add3A_320 = arith.addi %add3A_319, %div3A_318 : i32
      %rem3A = arith.constant 8 : i32
      %rem3A_321 = arith.remsi %scan3A_276, %rem3A : i32
      %mul3A_322 = arith.constant 16 : i32
      %mul3A_323 = arith.muli %rem3A_321, %mul3A_322 : i32
      %swap3A = arith.index_cast %add3A_320 : i32 to index
      %swap3A_324 = arith.index_cast %mul3A_323 : i32 to index
      %swap3A_325 = tpu.vector_load %arg6[%swap3A, %swap3A_324] {strides = array<i32>} : memref<128x128xi32, #tpu.memory_space<vmem>>, vector<1x16xi32>,
      %swap3A_326 = vector.shape_cast %swap3A_325 : vector<1x16xi32> to vector<16xi32>
      %swap3A_327 = vector.shape_cast %convert_element_type3A : vector<16xi32> to vector<1x16xi32>
      tpu.vector_store %arg6[%swap3A, %swap3A_324], %swap3A_327 {strides = array<i32>} : memref<128x128xi32, #tpu.memory_space<vmem>>, vector<1x16xi32>,
      %scan3A_328 = arith.constant 0 : i32
      scf.yield %scan3A_328 : i32
    }
    %scan3A_22 = arith.constant 256 : i32
    %run_scoped3A_23 = arith.constant 2 : i32
    %run_scoped3A_24 = arith.constant 0 : i32
    "tpu.region"() ({
      %run_scoped3A_276 = tpu.sem_alloc : memref<!tpu.dma_semaphore, #tpu.memory_space<semaphore_mem>>
      %dma_start3A_277 = arith.constant 0 : i32
      %dma_start3A_278 = tpu.memref_slice %arg7[%run_scoped3A_24, %dma_start3A_277] : memref<2x4096xf32, #tpu.memory_space<vmem>> -> memref<1x4096xf32, #tpu.memory_space<vmem>>
      %dma_start3A_279 = tpu.memref_squeeze %dma_start3A_278 : memref<1x4096xf32, #tpu.memory_space<vmem>> -> memref<4096xf32, #tpu.memory_space<vmem>>
      %dma_start3A_280 = tpu.memref_slice %arg3[%run_scoped3A_23, %mul3A_0] : memref<4x65536xf32, #tpu.memory_space<hbm>> -> memref<1x4096xf32, #tpu.memory_space<hbm>>
      %dma_start3A_281 = tpu.memref_squeeze %dma_start3A_280 : memref<1x4096xf32, #tpu.memory_space<hbm>> -> memref<4096xf32, #tpu.memory_space<hbm>>
      %dma_start3A_282 = arith.constant 0 : i32
      %dma_start3A_283 = tpu.memref_slice %arg7[%run_scoped3A_24, %dma_start3A_282] : memref<2x4096xf32, #tpu.memory_space<vmem>> -> memref<1x4096xf32, #tpu.memory_space<vmem>>
      %dma_start3A_284 = tpu.memref_squeeze %dma_start3A_283 : memref<1x4096xf32, #tpu.memory_space<vmem>> -> memref<4096xf32, #tpu.memory_space<vmem>>
      %dma_start3A_285 = tpu.memref_slice %arg3[%run_scoped3A_23, %mul3A_0] : memref<4x65536xf32, #tpu.memory_space<hbm>> -> memref<1x4096xf32, #tpu.memory_space<hbm>>
      %dma_start3A_286 = tpu.memref_squeeze %dma_start3A_285 : memref<1x4096xf32, #tpu.memory_space<hbm>> -> memref<4096xf32, #tpu.memory_space<hbm>>
      tpu.enqueue_dma source(%dma_start3A_286 : memref<4096xf32, #tpu.memory_space<hbm>>) target(%dma_start3A_284 : memref<4096xf32, #tpu.memory_space<vmem>>) target_semaphore(%run_scoped3A_276 : memref<!tpu.dma_semaphore, #tpu.memory_space<semaphore_mem>>)
      %dma_wait3A_287 = arith.constant 0 : i32
      %dma_wait3A_288 = tpu.memref_slice %arg7[%run_scoped3A_24, %dma_wait3A_287] : memref<2x4096xf32, #tpu.memory_space<vmem>> -> memref<1x4096xf32, #tpu.memory_space<vmem>>
      %dma_wait3A_289 = tpu.memref_squeeze %dma_wait3A_288 : memref<1x4096xf32, #tpu.memory_space<vmem>> -> memref<4096xf32, #tpu.memory_space<vmem>>
      %dma_wait3A_290 = tpu.memref_slice %arg3[%run_scoped3A_23, %mul3A_0] : memref<4x65536xf32, #tpu.memory_space<hbm>> -> memref<1x4096xf32, #tpu.memory_space<hbm>>
      %dma_wait3A_291 = tpu.memref_squeeze %dma_wait3A_290 : memref<1x4096xf32, #tpu.memory_space<hbm>> -> memref<4096xf32, #tpu.memory_space<hbm>>
      %dma_wait3A_292 = arith.constant 0 : i32
      %dma_wait3A_293 = tpu.memref_slice %arg7[%run_scoped3A_24, %dma_wait3A_292] : memref<2x4096xf32, #tpu.memory_space<vmem>> -> memref<1x4096xf32, #tpu.memory_space<vmem>>
      %dma_wait3A_294 = tpu.memref_squeeze %dma_wait3A_293 : memref<1x4096xf32, #tpu.memory_space<vmem>> -> memref<4096xf32, #tpu.memory_space<vmem>>
      %dma_wait3A_295 = tpu.memref_slice %arg3[%run_scoped3A_23, %mul3A_0] : memref<4x65536xf32, #tpu.memory_space<hbm>> -> memref<1x4096xf32, #tpu.memory_space<hbm>>
      %dma_wait3A_296 = tpu.memref_squeeze %dma_wait3A_295 : memref<1x4096xf32, #tpu.memory_space<hbm>> -> memref<4096xf32, #tpu.memory_space<hbm>>
      tpu.wait_dma2 semaphore(%run_scoped3A_276 : memref<!tpu.dma_semaphore, #tpu.memory_space<semaphore_mem>>) src(%dma_wait3A_296 : memref<4096xf32, #tpu.memory_space<hbm>>) dst(%dma_wait3A_294 : memref<4096xf32, #tpu.memory_space<vmem>>)
      tpu.yield
    }) : () -> ()
    %run_scoped3A_25 = arith.constant 2 : i32
    %run_scoped3A_26 = arith.constant 1 : i32
    "tpu.region"() ({
      %run_scoped3A_276 = tpu.sem_alloc : memref<!tpu.dma_semaphore, #tpu.memory_space<semaphore_mem>>
      %dma_start3A_277 = arith.constant 0 : i32
      %dma_start3A_278 = tpu.memref_slice %arg7[%run_scoped3A_26, %dma_start3A_277] : memref<2x4096xf32, #tpu.memory_space<vmem>> -> memref<1x4096xf32, #tpu.memory_space<vmem>>
      %dma_start3A_279 = tpu.memref_squeeze %dma_start3A_278 : memref<1x4096xf32, #tpu.memory_space<vmem>> -> memref<4096xf32, #tpu.memory_space<vmem>>
      %dma_start3A_280 = tpu.memref_slice %arg4[%run_scoped3A_25, %mul3A_0] : memref<4x65536xf32, #tpu.memory_space<hbm>> -> memref<1x4096xf32, #tpu.memory_space<hbm>>
      %dma_start3A_281 = tpu.memref_squeeze %dma_start3A_280 : memref<1x4096xf32, #tpu.memory_space<hbm>> -> memref<4096xf32, #tpu.memory_space<hbm>>
      %dma_start3A_282 = arith.constant 0 : i32
      %dma_start3A_283 = tpu.memref_slice %arg7[%run_scoped3A_26, %dma_start3A_282] : memref<2x4096xf32, #tpu.memory_space<vmem>> -> memref<1x4096xf32, #tpu.memory_space<vmem>>
      %dma_start3A_284 = tpu.memref_squeeze %dma_start3A_283 : memref<1x4096xf32, #tpu.memory_space<vmem>> -> memref<4096xf32, #tpu.memory_space<vmem>>
      %dma_start3A_285 = tpu.memref_slice %arg4[%run_scoped3A_25, %mul3A_0] : memref<4x65536xf32, #tpu.memory_space<hbm>> -> memref<1x4096xf32, #tpu.memory_space<hbm>>
      %dma_start3A_286 = tpu.memref_squeeze %dma_start3A_285 : memref<1x4096xf32, #tpu.memory_space<hbm>> -> memref<4096xf32, #tpu.memory_space<hbm>>
      tpu.enqueue_dma source(%dma_start3A_286 : memref<4096xf32, #tpu.memory_space<hbm>>) target(%dma_start3A_284 : memref<4096xf32, #tpu.memory_space<vmem>>) target_semaphore(%run_scoped3A_276 : memref<!tpu.dma_semaphore, #tpu.memory_space<semaphore_mem>>)
      %dma_wait3A_287 = arith.constant 0 : i32
      %dma_wait3A_288 = tpu.memref_slice %arg7[%run_scoped3A_26, %dma_wait3A_287] : memref<2x4096xf32, #tpu.memory_space<vmem>> -> memref<1x4096xf32, #tpu.memory_space<vmem>>
      %dma_wait3A_289 = tpu.memref_squeeze %dma_wait3A_288 : memref<1x4096xf32, #tpu.memory_space<vmem>> -> memref<4096xf32, #tpu.memory_space<vmem>>
      %dma_wait3A_290 = tpu.memref_slice %arg4[%run_scoped3A_25, %mul3A_0] : memref<4x65536xf32, #tpu.memory_space<hbm>> -> memref<1x4096xf32, #tpu.memory_space<hbm>>
      %dma_wait3A_291 = tpu.memref_squeeze %dma_wait3A_290 : memref<1x4096xf32, #tpu.memory_space<hbm>> -> memref<4096xf32, #tpu.memory_space<hbm>>
      %dma_wait3A_292 = arith.constant 0 : i32
      %dma_wait3A_293 = tpu.memref_slice %arg7[%run_scoped3A_26, %dma_wait3A_292] : memref<2x4096xf32, #tpu.memory_space<vmem>> -> memref<1x4096xf32, #tpu.memory_space<vmem>>
      %dma_wait3A_294 = tpu.memref_squeeze %dma_wait3A_293 : memref<1x4096xf32, #tpu.memory_space<vmem>> -> memref<4096xf32, #tpu.memory_space<vmem>>
      %dma_wait3A_295 = tpu.memref_slice %arg4[%run_scoped3A_25, %mul3A_0] : memref<4x65536xf32, #tpu.memory_space<hbm>> -> memref<1x4096xf32, #tpu.memory_space<hbm>>
      %dma_wait3A_296 = tpu.memref_squeeze %dma_wait3A_295 : memref<1x4096xf32, #tpu.memory_space<hbm>> -> memref<4096xf32, #tpu.memory_space<hbm>>
      tpu.wait_dma2 semaphore(%run_scoped3A_276 : memref<!tpu.dma_semaphore, #tpu.memory_space<semaphore_mem>>) src(%dma_wait3A_296 : memref<4096xf32, #tpu.memory_space<hbm>>) dst(%dma_wait3A_294 : memref<4096xf32, #tpu.memory_space<vmem>>)
      tpu.yield
    }) : () -> ()
    %scan3A_27 = arith.constant 0 : i32
    %scan3A_28 = arith.constant 0 : i32
    %scan3A_29 = arith.constant 256 : i32
    %scan3A_30 = arith.addi %scan3A_28, %scan3A_29 : i32
    %scan3A_31 = arith.constant 1 : i32
    %scan3A_32 = scf.for %scan3A_276 = %scan3A_28 to %scan3A_30 step %scan3A_31 iter_args(%scan3A_277 = %scan3A_27) -> (i32)  : i32 {
      %mul3A_278 = arith.constant 16 : i32
      %mul3A_279 = arith.muli %scan3A_276, %mul3A_278 : i32
      %get3A = arith.constant 0 : i32
      %get3A_280 = arith.index_cast %get3A : i32 to index
      %get3A_281 = arith.index_cast %mul3A_279 : i32 to index
      %get3A_282 = tpu.vector_load %arg7[%get3A_280, %get3A_281] {strides = array<i32>} : memref<2x4096xf32, #tpu.memory_space<vmem>>, vector<1x16xf32>,
      %get3A_283 = vector.shape_cast %get3A_282 : vector<1x16xf32> to vector<16xf32>
      %mul3A_284 = arith.constant 16 : i32
      %mul3A_285 = arith.muli %scan3A_276, %mul3A_284 : i32
      %get3A_286 = arith.constant 1 : i32
      %get3A_287 = arith.index_cast %get3A_286 : i32 to index
      %get3A_288 = arith.index_cast %mul3A_285 : i32 to index
      %get3A_289 = tpu.vector_load %arg7[%get3A_287, %get3A_288] {strides = array<i32>} : memref<2x4096xf32, #tpu.memory_space<vmem>>, vector<1x16xf32>,
      %get3A_290 = vector.shape_cast %get3A_289 : vector<1x16xf32> to vector<16xf32>
      %max3A = arith.constant 0.000000e+00 : f32
      %max3A_291 = vector.broadcast %max3A : f32 to vector<16xf32>
      %max3A_292 = arith.maximumf %get3A_283, %max3A_291 : vector<16xf32>
      %min3A_293 = arith.constant 5.110000e+02 : f32
      %min3A_294 = vector.broadcast %min3A_293 : f32 to vector<16xf32>
      %min3A_295 = arith.minimumf %max3A_292, %min3A_294 : vector<16xf32>
      %max3A_296 = arith.constant 0.000000e+00 : f32
      %max3A_297 = vector.broadcast %max3A_296 : f32 to vector<16xf32>
      %max3A_298 = arith.maximumf %get3A_290, %max3A_297 : vector<16xf32>
      %min3A_299 = arith.constant 5.110000e+02 : f32
      %min3A_300 = vector.broadcast %min3A_299 : f32 to vector<16xf32>
      %min3A_301 = arith.minimumf %max3A_298, %min3A_300 : vector<16xf32>
      %add3A_302 = arith.constant 0x4B000000 : f32
      %add3A_303 = vector.broadcast %add3A_302 : f32 to vector<16xf32>
      %add3A_304 = arith.addf %min3A_295, %add3A_303 : vector<16xf32>
      %sub3A_305 = arith.constant 0x4B000000 : f32
      %sub3A_306 = vector.broadcast %sub3A_305 : f32 to vector<16xf32>
      %sub3A_307 = arith.subf %add3A_304, %sub3A_306 : vector<16xf32>
      %add3A_308 = arith.constant 0x4B000000 : f32
      %add3A_309 = vector.broadcast %add3A_308 : f32 to vector<16xf32>
      %add3A_310 = arith.addf %min3A_301, %add3A_309 : vector<16xf32>
      %sub3A_311 = arith.constant 0x4B000000 : f32
      %sub3A_312 = vector.broadcast %sub3A_311 : f32 to vector<16xf32>
      %sub3A_313 = arith.subf %add3A_310, %sub3A_312 : vector<16xf32>
      %mul3A_314 = arith.constant 5.120000e+02 : f32
      %mul3A_315 = vector.broadcast %mul3A_314 : f32 to vector<16xf32>
      %mul3A_316 = arith.mulf %sub3A_313, %mul3A_315 : vector<16xf32>
      %add3A_317 = arith.addf %mul3A_316, %sub3A_307 : vector<16xf32>
      %convert_element_type3A = arith.fptosi %add3A_317 : vector<16xf32> to vector<16xi32>
      %div3A = arith.constant 8 : i32
      %div3A_318 = arith.divsi %scan3A_276, %div3A : i32
      %add3A_319 = arith.constant 64 : i32
      %add3A_320 = arith.addi %add3A_319, %div3A_318 : i32
      %rem3A = arith.constant 8 : i32
      %rem3A_321 = arith.remsi %scan3A_276, %rem3A : i32
      %mul3A_322 = arith.constant 16 : i32
      %mul3A_323 = arith.muli %rem3A_321, %mul3A_322 : i32
      %swap3A = arith.index_cast %add3A_320 : i32 to index
      %swap3A_324 = arith.index_cast %mul3A_323 : i32 to index
      %swap3A_325 = tpu.vector_load %arg6[%swap3A, %swap3A_324] {strides = array<i32>} : memref<128x128xi32, #tpu.memory_space<vmem>>, vector<1x16xi32>,
      %swap3A_326 = vector.shape_cast %swap3A_325 : vector<1x16xi32> to vector<16xi32>
      %swap3A_327 = vector.shape_cast %convert_element_type3A : vector<16xi32> to vector<1x16xi32>
      tpu.vector_store %arg6[%swap3A, %swap3A_324], %swap3A_327 {strides = array<i32>} : memref<128x128xi32, #tpu.memory_space<vmem>>, vector<1x16xi32>,
      %scan3A_328 = arith.constant 0 : i32
      scf.yield %scan3A_328 : i32
    }
    %scan3A_33 = arith.constant 256 : i32
    %run_scoped3A_34 = arith.constant 3 : i32
    %run_scoped3A_35 = arith.constant 0 : i32
    "tpu.region"() ({
      %run_scoped3A_276 = tpu.sem_alloc : memref<!tpu.dma_semaphore, #tpu.memory_space<semaphore_mem>>
      %dma_start3A_277 = arith.constant 0 : i32
      %dma_start3A_278 = tpu.memref_slice %arg7[%run_scoped3A_35, %dma_start3A_277] : memref<2x4096xf32, #tpu.memory_space<vmem>> -> memref<1x4096xf32, #tpu.memory_space<vmem>>
      %dma_start3A_279 = tpu.memref_squeeze %dma_start3A_278 : memref<1x4096xf32, #tpu.memory_space<vmem>> -> memref<4096xf32, #tpu.memory_space<vmem>>
      %dma_start3A_280 = tpu.memref_slice %arg3[%run_scoped3A_34, %mul3A_0] : memref<4x65536xf32, #tpu.memory_space<hbm>> -> memref<1x4096xf32, #tpu.memory_space<hbm>>
      %dma_start3A_281 = tpu.memref_squeeze %dma_start3A_280 : memref<1x4096xf32, #tpu.memory_space<hbm>> -> memref<4096xf32, #tpu.memory_space<hbm>>
      %dma_start3A_282 = arith.constant 0 : i32
      %dma_start3A_283 = tpu.memref_slice %arg7[%run_scoped3A_35, %dma_start3A_282] : memref<2x4096xf32, #tpu.memory_space<vmem>> -> memref<1x4096xf32, #tpu.memory_space<vmem>>
      %dma_start3A_284 = tpu.memref_squeeze %dma_start3A_283 : memref<1x4096xf32, #tpu.memory_space<vmem>> -> memref<4096xf32, #tpu.memory_space<vmem>>
      %dma_start3A_285 = tpu.memref_slice %arg3[%run_scoped3A_34, %mul3A_0] : memref<4x65536xf32, #tpu.memory_space<hbm>> -> memref<1x4096xf32, #tpu.memory_space<hbm>>
      %dma_start3A_286 = tpu.memref_squeeze %dma_start3A_285 : memref<1x4096xf32, #tpu.memory_space<hbm>> -> memref<4096xf32, #tpu.memory_space<hbm>>
      tpu.enqueue_dma source(%dma_start3A_286 : memref<4096xf32, #tpu.memory_space<hbm>>) target(%dma_start3A_284 : memref<4096xf32, #tpu.memory_space<vmem>>) target_semaphore(%run_scoped3A_276 : memref<!tpu.dma_semaphore, #tpu.memory_space<semaphore_mem>>)
      %dma_wait3A_287 = arith.constant 0 : i32
      %dma_wait3A_288 = tpu.memref_slice %arg7[%run_scoped3A_35, %dma_wait3A_287] : memref<2x4096xf32, #tpu.memory_space<vmem>> -> memref<1x4096xf32, #tpu.memory_space<vmem>>
      %dma_wait3A_289 = tpu.memref_squeeze %dma_wait3A_288 : memref<1x4096xf32, #tpu.memory_space<vmem>> -> memref<4096xf32, #tpu.memory_space<vmem>>
      %dma_wait3A_290 = tpu.memref_slice %arg3[%run_scoped3A_34, %mul3A_0] : memref<4x65536xf32, #tpu.memory_space<hbm>> -> memref<1x4096xf32, #tpu.memory_space<hbm>>
      %dma_wait3A_291 = tpu.memref_squeeze %dma_wait3A_290 : memref<1x4096xf32, #tpu.memory_space<hbm>> -> memref<4096xf32, #tpu.memory_space<hbm>>
      %dma_wait3A_292 = arith.constant 0 : i32
      %dma_wait3A_293 = tpu.memref_slice %arg7[%run_scoped3A_35, %dma_wait3A_292] : memref<2x4096xf32, #tpu.memory_space<vmem>> -> memref<1x4096xf32, #tpu.memory_space<vmem>>
      %dma_wait3A_294 = tpu.memref_squeeze %dma_wait3A_293 : memref<1x4096xf32, #tpu.memory_space<vmem>> -> memref<4096xf32, #tpu.memory_space<vmem>>
      %dma_wait3A_295 = tpu.memref_slice %arg3[%run_scoped3A_34, %mul3A_0] : memref<4x65536xf32, #tpu.memory_space<hbm>> -> memref<1x4096xf32, #tpu.memory_space<hbm>>
      %dma_wait3A_296 = tpu.memref_squeeze %dma_wait3A_295 : memref<1x4096xf32, #tpu.memory_space<hbm>> -> memref<4096xf32, #tpu.memory_space<hbm>>
      tpu.wait_dma2 semaphore(%run_scoped3A_276 : memref<!tpu.dma_semaphore, #tpu.memory_space<semaphore_mem>>) src(%dma_wait3A_296 : memref<4096xf32, #tpu.memory_space<hbm>>) dst(%dma_wait3A_294 : memref<4096xf32, #tpu.memory_space<vmem>>)
      tpu.yield
    }) : () -> ()
    %run_scoped3A_36 = arith.constant 3 : i32
    %run_scoped3A_37 = arith.constant 1 : i32
    "tpu.region"() ({
      %run_scoped3A_276 = tpu.sem_alloc : memref<!tpu.dma_semaphore, #tpu.memory_space<semaphore_mem>>
      %dma_start3A_277 = arith.constant 0 : i32
      %dma_start3A_278 = tpu.memref_slice %arg7[%run_scoped3A_37, %dma_start3A_277] : memref<2x4096xf32, #tpu.memory_space<vmem>> -> memref<1x4096xf32, #tpu.memory_space<vmem>>
      %dma_start3A_279 = tpu.memref_squeeze %dma_start3A_278 : memref<1x4096xf32, #tpu.memory_space<vmem>> -> memref<4096xf32, #tpu.memory_space<vmem>>
      %dma_start3A_280 = tpu.memref_slice %arg4[%run_scoped3A_36, %mul3A_0] : memref<4x65536xf32, #tpu.memory_space<hbm>> -> memref<1x4096xf32, #tpu.memory_space<hbm>>
      %dma_start3A_281 = tpu.memref_squeeze %dma_start3A_280 : memref<1x4096xf32, #tpu.memory_space<hbm>> -> memref<4096xf32, #tpu.memory_space<hbm>>
      %dma_start3A_282 = arith.constant 0 : i32
      %dma_start3A_283 = tpu.memref_slice %arg7[%run_scoped3A_37, %dma_start3A_282] : memref<2x4096xf32, #tpu.memory_space<vmem>> -> memref<1x4096xf32, #tpu.memory_space<vmem>>
      %dma_start3A_284 = tpu.memref_squeeze %dma_start3A_283 : memref<1x4096xf32, #tpu.memory_space<vmem>> -> memref<4096xf32, #tpu.memory_space<vmem>>
      %dma_start3A_285 = tpu.memref_slice %arg4[%run_scoped3A_36, %mul3A_0] : memref<4x65536xf32, #tpu.memory_space<hbm>> -> memref<1x4096xf32, #tpu.memory_space<hbm>>
      %dma_start3A_286 = tpu.memref_squeeze %dma_start3A_285 : memref<1x4096xf32, #tpu.memory_space<hbm>> -> memref<4096xf32, #tpu.memory_space<hbm>>
      tpu.enqueue_dma source(%dma_start3A_286 : memref<4096xf32, #tpu.memory_space<hbm>>) target(%dma_start3A_284 : memref<4096xf32, #tpu.memory_space<vmem>>) target_semaphore(%run_scoped3A_276 : memref<!tpu.dma_semaphore, #tpu.memory_space<semaphore_mem>>)
      %dma_wait3A_287 = arith.constant 0 : i32
      %dma_wait3A_288 = tpu.memref_slice %arg7[%run_scoped3A_37, %dma_wait3A_287] : memref<2x4096xf32, #tpu.memory_space<vmem>> -> memref<1x4096xf32, #tpu.memory_space<vmem>>
      %dma_wait3A_289 = tpu.memref_squeeze %dma_wait3A_288 : memref<1x4096xf32, #tpu.memory_space<vmem>> -> memref<4096xf32, #tpu.memory_space<vmem>>
      %dma_wait3A_290 = tpu.memref_slice %arg4[%run_scoped3A_36, %mul3A_0] : memref<4x65536xf32, #tpu.memory_space<hbm>> -> memref<1x4096xf32, #tpu.memory_space<hbm>>
      %dma_wait3A_291 = tpu.memref_squeeze %dma_wait3A_290 : memref<1x4096xf32, #tpu.memory_space<hbm>> -> memref<4096xf32, #tpu.memory_space<hbm>>
      %dma_wait3A_292 = arith.constant 0 : i32
      %dma_wait3A_293 = tpu.memref_slice %arg7[%run_scoped3A_37, %dma_wait3A_292] : memref<2x4096xf32, #tpu.memory_space<vmem>> -> memref<1x4096xf32, #tpu.memory_space<vmem>>
      %dma_wait3A_294 = tpu.memref_squeeze %dma_wait3A_293 : memref<1x4096xf32, #tpu.memory_space<vmem>> -> memref<4096xf32, #tpu.memory_space<vmem>>
      %dma_wait3A_295 = tpu.memref_slice %arg4[%run_scoped3A_36, %mul3A_0] : memref<4x65536xf32, #tpu.memory_space<hbm>> -> memref<1x4096xf32, #tpu.memory_space<hbm>>
      %dma_wait3A_296 = tpu.memref_squeeze %dma_wait3A_295 : memref<1x4096xf32, #tpu.memory_space<hbm>> -> memref<4096xf32, #tpu.memory_space<hbm>>
      tpu.wait_dma2 semaphore(%run_scoped3A_276 : memref<!tpu.dma_semaphore, #tpu.memory_space<semaphore_mem>>) src(%dma_wait3A_296 : memref<4096xf32, #tpu.memory_space<hbm>>) dst(%dma_wait3A_294 : memref<4096xf32, #tpu.memory_space<vmem>>)
      tpu.yield
    }) : () -> ()
    %scan3A_38 = arith.constant 0 : i32
    %scan3A_39 = arith.constant 0 : i32
    %scan3A_40 = arith.constant 256 : i32
    %scan3A_41 = arith.addi %scan3A_39, %scan3A_40 : i32
    %scan3A_42 = arith.constant 1 : i32
    %scan3A_43 = scf.for %scan3A_276 = %scan3A_39 to %scan3A_41 step %scan3A_42 iter_args(%scan3A_277 = %scan3A_38) -> (i32)  : i32 {
      %mul3A_278 = arith.constant 16 : i32
      %mul3A_279 = arith.muli %scan3A_276, %mul3A_278 : i32
      %get3A = arith.constant 0 : i32
      %get3A_280 = arith.index_cast %get3A : i32 to index
      %get3A_281 = arith.index_cast %mul3A_279 : i32 to index
      %get3A_282 = tpu.vector_load %arg7[%get3A_280, %get3A_281] {strides = array<i32>} : memref<2x4096xf32, #tpu.memory_space<vmem>>, vector<1x16xf32>,
      %get3A_283 = vector.shape_cast %get3A_282 : vector<1x16xf32> to vector<16xf32>
      %mul3A_284 = arith.constant 16 : i32
      %mul3A_285 = arith.muli %scan3A_276, %mul3A_284 : i32
      %get3A_286 = arith.constant 1 : i32
      %get3A_287 = arith.index_cast %get3A_286 : i32 to index
      %get3A_288 = arith.index_cast %mul3A_285 : i32 to index
      %get3A_289 = tpu.vector_load %arg7[%get3A_287, %get3A_288] {strides = array<i32>} : memref<2x4096xf32, #tpu.memory_space<vmem>>, vector<1x16xf32>,
      %get3A_290 = vector.shape_cast %get3A_289 : vector<1x16xf32> to vector<16xf32>
      %max3A = arith.constant 0.000000e+00 : f32
      %max3A_291 = vector.broadcast %max3A : f32 to vector<16xf32>
      %max3A_292 = arith.maximumf %get3A_283, %max3A_291 : vector<16xf32>
      %min3A_293 = arith.constant 5.110000e+02 : f32
      %min3A_294 = vector.broadcast %min3A_293 : f32 to vector<16xf32>
      %min3A_295 = arith.minimumf %max3A_292, %min3A_294 : vector<16xf32>
      %max3A_296 = arith.constant 0.000000e+00 : f32
      %max3A_297 = vector.broadcast %max3A_296 : f32 to vector<16xf32>
      %max3A_298 = arith.maximumf %get3A_290, %max3A_297 : vector<16xf32>
      %min3A_299 = arith.constant 5.110000e+02 : f32
      %min3A_300 = vector.broadcast %min3A_299 : f32 to vector<16xf32>
      %min3A_301 = arith.minimumf %max3A_298, %min3A_300 : vector<16xf32>
      %add3A_302 = arith.constant 0x4B000000 : f32
      %add3A_303 = vector.broadcast %add3A_302 : f32 to vector<16xf32>
      %add3A_304 = arith.addf %min3A_295, %add3A_303 : vector<16xf32>
      %sub3A_305 = arith.constant 0x4B000000 : f32
      %sub3A_306 = vector.broadcast %sub3A_305 : f32 to vector<16xf32>
      %sub3A_307 = arith.subf %add3A_304, %sub3A_306 : vector<16xf32>
      %add3A_308 = arith.constant 0x4B000000 : f32
      %add3A_309 = vector.broadcast %add3A_308 : f32 to vector<16xf32>
      %add3A_310 = arith.addf %min3A_301, %add3A_309 : vector<16xf32>
      %sub3A_311 = arith.constant 0x4B000000 : f32
      %sub3A_312 = vector.broadcast %sub3A_311 : f32 to vector<16xf32>
      %sub3A_313 = arith.subf %add3A_310, %sub3A_312 : vector<16xf32>
      %mul3A_314 = arith.constant 5.120000e+02 : f32
      %mul3A_315 = vector.broadcast %mul3A_314 : f32 to vector<16xf32>
      %mul3A_316 = arith.mulf %sub3A_313, %mul3A_315 : vector<16xf32>
      %add3A_317 = arith.addf %mul3A_316, %sub3A_307 : vector<16xf32>
      %convert_element_type3A = arith.fptosi %add3A_317 : vector<16xf32> to vector<16xi32>
      %div3A = arith.constant 8 : i32
      %div3A_318 = arith.divsi %scan3A_276, %div3A : i32
      %add3A_319 = arith.constant 96 : i32
      %add3A_320 = arith.addi %add3A_319, %div3A_318 : i32
      %rem3A = arith.constant 8 : i32
      %rem3A_321 = arith.remsi %scan3A_276, %rem3A : i32
      %mul3A_322 = arith.constant 16 : i32
      %mul3A_323 = arith.muli %rem3A_321, %mul3A_322 : i32
      %swap3A = arith.index_cast %add3A_320 : i32 to index
      %swap3A_324 = arith.index_cast %mul3A_323 : i32 to index
      %swap3A_325 = tpu.vector_load %arg6[%swap3A, %swap3A_324] {strides = array<i32>} : memref<128x128xi32, #tpu.memory_space<vmem>>, vector<1x16xi32>,
      %swap3A_326 = vector.shape_cast %swap3A_325 : vector<1x16xi32> to vector<16xi32>
      %swap3A_327 = vector.shape_cast %convert_element_type3A : vector<16xi32> to vector<1x16xi32>
      tpu.vector_store %arg6[%swap3A, %swap3A_324], %swap3A_327 {strides = array<i32>} : memref<128x128xi32, #tpu.memory_space<vmem>>, vector<1x16xi32>,
      %scan3A_328 = arith.constant 0 : i32
      scf.yield %scan3A_328 : i32
    }
    %scan3A_44 = arith.constant 256 : i32
    %scan3A_45 = arith.constant 0 : i32
    %scan3A_46 = arith.constant 0 : i32
    %scan3A_47 = arith.constant 1024 : i32
    %scan3A_48 = arith.addi %scan3A_46, %scan3A_47 : i32
    %scan3A_49 = arith.constant 1 : i32
    %scan3A_50 = scf.for %scan3A_276 = %scan3A_46 to %scan3A_48 step %scan3A_49 iter_args(%scan3A_277 = %scan3A_45) -> (i32)  : i32 {
      %broadcast_in_dim3A = arith.constant 0.000000e+00 : f32
      %broadcast_in_dim3A_278 = vector.broadcast %broadcast_in_dim3A : f32 to vector<16xf32>
      %mul3A_279 = arith.constant 16 : i32
      %mul3A_280 = arith.muli %scan3A_276, %mul3A_279 : i32
      %swap3A = arith.index_cast %mul3A_280 : i32 to index
      %swap3A_281 = tpu.vector_load %arg11[%swap3A] {strides = array<i32>} : memref<16384xf32, #tpu.memory_space<vmem>>, vector<16xf32>,
      %swap3A_282 = vector.shape_cast %swap3A_281 : vector<16xf32> to vector<16xf32>
      %swap3A_283 = vector.shape_cast %broadcast_in_dim3A_278 : vector<16xf32> to vector<16xf32>
      tpu.vector_store %arg11[%swap3A], %swap3A_283 {strides = array<i32>} : memref<16384xf32, #tpu.memory_space<vmem>>, vector<16xf32>,
      %scan3A_284 = arith.constant 0 : i32
      scf.yield %scan3A_284 : i32
    }
    %scan3A_51 = arith.constant 1024 : i32
    "tpu.region"() ({
      %run_scoped3A_276 = tpu.sem_alloc : memref<!tpu.dma_semaphore, #tpu.memory_space<semaphore_mem>>
      %dma_start3A_277 = tpu.memref_slice %arg12[%mul3A_2] : memref<262144xf32, #tpu.memory_space<vmem_shared>> -> memref<16384xf32, #tpu.memory_space<vmem_shared>>
      %dma_start3A_278 = tpu.memref_slice %arg12[%mul3A_2] : memref<262144xf32, #tpu.memory_space<vmem_shared>> -> memref<16384xf32, #tpu.memory_space<vmem_shared>>
      tpu.enqueue_dma source(%arg11 : memref<16384xf32, #tpu.memory_space<vmem>>) target(%dma_start3A_278 : memref<16384xf32, #tpu.memory_space<vmem_shared>>) target_semaphore(%run_scoped3A_276 : memref<!tpu.dma_semaphore, #tpu.memory_space<semaphore_mem>>)
      %dma_wait3A_279 = tpu.memref_slice %arg12[%mul3A_2] : memref<262144xf32, #tpu.memory_space<vmem_shared>> -> memref<16384xf32, #tpu.memory_space<vmem_shared>>
      %dma_wait3A_280 = tpu.memref_slice %arg12[%mul3A_2] : memref<262144xf32, #tpu.memory_space<vmem_shared>> -> memref<16384xf32, #tpu.memory_space<vmem_shared>>
      tpu.wait_dma2 semaphore(%run_scoped3A_276 : memref<!tpu.dma_semaphore, #tpu.memory_space<semaphore_mem>>) src(%arg11 : memref<16384xf32, #tpu.memory_space<vmem>>) dst(%dma_wait3A_280 : memref<16384xf32, #tpu.memory_space<vmem_shared>>)
      tpu.yield
    }) : () -> ()
    "tpu.region"() ({
      %run_scoped3A_276 = tpu.sem_alloc : memref<!tpu.dma_semaphore, #tpu.memory_space<semaphore_mem>>
      %dma_start3A_277 = tpu.memref_slice %arg13[%mul3A_2] : memref<262144xf32, #tpu.memory_space<vmem_shared>> -> memref<16384xf32, #tpu.memory_space<vmem_shared>>
      %dma_start3A_278 = tpu.memref_slice %arg13[%mul3A_2] : memref<262144xf32, #tpu.memory_space<vmem_shared>> -> memref<16384xf32, #tpu.memory_space<vmem_shared>>
      tpu.enqueue_dma source(%arg11 : memref<16384xf32, #tpu.memory_space<vmem>>) target(%dma_start3A_278 : memref<16384xf32, #tpu.memory_space<vmem_shared>>) target_semaphore(%run_scoped3A_276 : memref<!tpu.dma_semaphore, #tpu.memory_space<semaphore_mem>>)
      %dma_wait3A_279 = tpu.memref_slice %arg13[%mul3A_2] : memref<262144xf32, #tpu.memory_space<vmem_shared>> -> memref<16384xf32, #tpu.memory_space<vmem_shared>>
      %dma_wait3A_280 = tpu.memref_slice %arg13[%mul3A_2] : memref<262144xf32, #tpu.memory_space<vmem_shared>> -> memref<16384xf32, #tpu.memory_space<vmem_shared>>
      tpu.wait_dma2 semaphore(%run_scoped3A_276 : memref<!tpu.dma_semaphore, #tpu.memory_space<semaphore_mem>>) src(%arg11 : memref<16384xf32, #tpu.memory_space<vmem>>) dst(%dma_wait3A_280 : memref<16384xf32, #tpu.memory_space<vmem_shared>>)
      tpu.yield
    }) : () -> ()
    "tpu.region"() ({
      %run_scoped3A_276 = tpu.sem_alloc : memref<!tpu.dma_semaphore, #tpu.memory_space<semaphore_mem>>
      %dma_start3A_277 = tpu.memref_slice %arg14[%mul3A_2] : memref<262144xf32, #tpu.memory_space<vmem_shared>> -> memref<16384xf32, #tpu.memory_space<vmem_shared>>
      %dma_start3A_278 = tpu.memref_slice %arg14[%mul3A_2] : memref<262144xf32, #tpu.memory_space<vmem_shared>> -> memref<16384xf32, #tpu.memory_space<vmem_shared>>
      tpu.enqueue_dma source(%arg11 : memref<16384xf32, #tpu.memory_space<vmem>>) target(%dma_start3A_278 : memref<16384xf32, #tpu.memory_space<vmem_shared>>) target_semaphore(%run_scoped3A_276 : memref<!tpu.dma_semaphore, #tpu.memory_space<semaphore_mem>>)
      %dma_wait3A_279 = tpu.memref_slice %arg14[%mul3A_2] : memref<262144xf32, #tpu.memory_space<vmem_shared>> -> memref<16384xf32, #tpu.memory_space<vmem_shared>>
      %dma_wait3A_280 = tpu.memref_slice %arg14[%mul3A_2] : memref<262144xf32, #tpu.memory_space<vmem_shared>> -> memref<16384xf32, #tpu.memory_space<vmem_shared>>
      tpu.wait_dma2 semaphore(%run_scoped3A_276 : memref<!tpu.dma_semaphore, #tpu.memory_space<semaphore_mem>>) src(%arg11 : memref<16384xf32, #tpu.memory_space<vmem>>) dst(%dma_wait3A_280 : memref<16384xf32, #tpu.memory_space<vmem_shared>>)
      tpu.yield
    }) : () -> ()
    %barrier3A = arith.constant 0 : index
    tpu.barrier barrier_id(%barrier3A)
    %mul3A_52 = arith.constant 96 : i32
    %mul3A_53 = arith.muli %arg0, %mul3A_52 : i32
    %min3A = arith.constant 0 : i32
    %min3A_54 = arith.constant 95 : i32
    %min3A_55 = arith.minsi %min3A, %min3A_54 : i32
    %add3A = arith.addi %mul3A_53, %min3A_55 : i32
    %dma_start3A = arith.constant 0 : i32
    %dma_start3A_56 = arith.constant 0 : i32
    %dma_start3A_57 = tpu.memref_slice %arg7[%dma_start3A, %dma_start3A_56] : memref<2x4096xf32, #tpu.memory_space<vmem>> -> memref<1x4096xf32, #tpu.memory_space<vmem>>
    %dma_start3A_58 = tpu.memref_squeeze %dma_start3A_57 : memref<1x4096xf32, #tpu.memory_space<vmem>> -> memref<4096xf32, #tpu.memory_space<vmem>>
    %dma_start3A_59 = tpu.memref_slice %arg2[%add3A, %mul3A_0] : memref<192x65536xf32, #tpu.memory_space<hbm>> -> memref<1x4096xf32, #tpu.memory_space<hbm>>
    %dma_start3A_60 = tpu.memref_squeeze %dma_start3A_59 : memref<1x4096xf32, #tpu.memory_space<hbm>> -> memref<4096xf32, #tpu.memory_space<hbm>>
    %dma_start3A_61 = arith.constant 0 : i32
    %dma_start3A_62 = tpu.memref_slice %arg7[%dma_start3A, %dma_start3A_61] : memref<2x4096xf32, #tpu.memory_space<vmem>> -> memref<1x4096xf32, #tpu.memory_space<vmem>>
    %dma_start3A_63 = tpu.memref_squeeze %dma_start3A_62 : memref<1x4096xf32, #tpu.memory_space<vmem>> -> memref<4096xf32, #tpu.memory_space<vmem>>
    %dma_start3A_64 = tpu.memref_slice %arg2[%add3A, %mul3A_0] : memref<192x65536xf32, #tpu.memory_space<hbm>> -> memref<1x4096xf32, #tpu.memory_space<hbm>>
    %dma_start3A_65 = tpu.memref_squeeze %dma_start3A_64 : memref<1x4096xf32, #tpu.memory_space<hbm>> -> memref<4096xf32, #tpu.memory_space<hbm>>
    tpu.enqueue_dma source(%dma_start3A_65 : memref<4096xf32, #tpu.memory_space<hbm>>) target(%dma_start3A_63 : memref<4096xf32, #tpu.memory_space<vmem>>) target_semaphore(%arg21 : memref<!tpu.dma_semaphore, #tpu.memory_space<semaphore_mem>>)
    %dma_wait3A = arith.constant 0 : i32
    %dma_wait3A_66 = arith.constant 0 : i32
    %dma_wait3A_67 = tpu.memref_slice %arg7[%dma_wait3A, %dma_wait3A_66] : memref<2x4096xf32, #tpu.memory_space<vmem>> -> memref<1x4096xf32, #tpu.memory_space<vmem>>
    %dma_wait3A_68 = tpu.memref_squeeze %dma_wait3A_67 : memref<1x4096xf32, #tpu.memory_space<vmem>> -> memref<4096xf32, #tpu.memory_space<vmem>>
    %dma_wait3A_69 = tpu.memref_slice %arg2[%add3A, %mul3A_0] : memref<192x65536xf32, #tpu.memory_space<hbm>> -> memref<1x4096xf32, #tpu.memory_space<hbm>>
    %dma_wait3A_70 = tpu.memref_squeeze %dma_wait3A_69 : memref<1x4096xf32, #tpu.memory_space<hbm>> -> memref<4096xf32, #tpu.memory_space<hbm>>
    %dma_wait3A_71 = arith.constant 0 : i32
    %dma_wait3A_72 = tpu.memref_slice %arg7[%dma_wait3A, %dma_wait3A_71] : memref<2x4096xf32, #tpu.memory_space<vmem>> -> memref<1x4096xf32, #tpu.memory_space<vmem>>
    %dma_wait3A_73 = tpu.memref_squeeze %dma_wait3A_72 : memref<1x4096xf32, #tpu.memory_space<vmem>> -> memref<4096xf32, #tpu.memory_space<vmem>>
    %dma_wait3A_74 = tpu.memref_slice %arg2[%add3A, %mul3A_0] : memref<192x65536xf32, #tpu.memory_space<hbm>> -> memref<1x4096xf32, #tpu.memory_space<hbm>>
    %dma_wait3A_75 = tpu.memref_squeeze %dma_wait3A_74 : memref<1x4096xf32, #tpu.memory_space<hbm>> -> memref<4096xf32, #tpu.memory_space<hbm>>
    tpu.wait_dma2 semaphore(%arg21 : memref<!tpu.dma_semaphore, #tpu.memory_space<semaphore_mem>>) src(%dma_wait3A_75 : memref<4096xf32, #tpu.memory_space<hbm>>) dst(%dma_wait3A_73 : memref<4096xf32, #tpu.memory_space<vmem>>)
    %scan3A_76 = arith.constant 0 : i32
    %scan3A_77 = arith.constant 0 : i32
    %scan3A_78 = arith.constant 256 : i32
    %scan3A_79 = arith.addi %scan3A_77, %scan3A_78 : i32
    %scan3A_80 = arith.constant 1 : i32
    %scan3A_81 = scf.for %scan3A_276 = %scan3A_77 to %scan3A_79 step %scan3A_80 iter_args(%scan3A_277 = %scan3A_76) -> (i32)  : i32 {
      %mul3A_278 = arith.constant 16 : i32
      %mul3A_279 = arith.muli %scan3A_276, %mul3A_278 : i32
      %get3A = arith.constant 0 : i32
      %get3A_280 = arith.index_cast %get3A : i32 to index
      %get3A_281 = arith.index_cast %mul3A_279 : i32 to index
      %get3A_282 = tpu.vector_load %arg7[%get3A_280, %get3A_281] {strides = array<i32>} : memref<2x4096xf32, #tpu.memory_space<vmem>>, vector<1x16xf32>,
      %get3A_283 = vector.shape_cast %get3A_282 : vector<1x16xf32> to vector<16xf32>
      %mul3A_284 = arith.constant 2.500000e-01 : f32
      %mul3A_285 = vector.broadcast %mul3A_284 : f32 to vector<16xf32>
      %mul3A_286 = arith.mulf %get3A_283, %mul3A_285 : vector<16xf32>
      %mul3A_287 = arith.constant 16 : i32
      %mul3A_288 = arith.muli %scan3A_276, %mul3A_287 : i32
      %swap3A = arith.index_cast %mul3A_288 : i32 to index
      %swap3A_289 = tpu.vector_load %arg8[%swap3A] {strides = array<i32>} : memref<4096xf32, #tpu.memory_space<vmem>>, vector<16xf32>,
      %swap3A_290 = vector.shape_cast %swap3A_289 : vector<16xf32> to vector<16xf32>
      %swap3A_291 = vector.shape_cast %mul3A_286 : vector<16xf32> to vector<16xf32>
      tpu.vector_store %arg8[%swap3A], %swap3A_291 {strides = array<i32>} : memref<4096xf32, #tpu.memory_space<vmem>>, vector<16xf32>,
      %scan3A_292 = arith.constant 0 : i32
      scf.yield %scan3A_292 : i32
    }
    %scan3A_82 = arith.constant 256 : i32
    %scan3A_83 = arith.constant 0 : i32
    %scan3A_84 = arith.constant 0 : i32
    %scan3A_85 = arith.constant 128 : i32
    %scan3A_86 = arith.addi %scan3A_84, %scan3A_85 : i32
    %scan3A_87 = arith.constant 4 : i32
    %scan3A_88 = scf.for %scan3A_276 = %scan3A_84 to %scan3A_86 step %scan3A_87 iter_args(%scan3A_277 = %scan3A_83) -> (i32)  : i32 {
      %rem3A = arith.constant 32 : i32
      %rem3A_278 = arith.remsi %scan3A_276, %rem3A : i32
      %mul3A_279 = arith.constant 128 : i32
      %mul3A_280 = arith.muli %rem3A_278, %mul3A_279 : i32
      %dma_start3A_281 = tpu.memref_slice %arg8[%mul3A_280] : memref<4096xf32, #tpu.memory_space<vmem>> -> memref<128xf32, #tpu.memory_space<vmem>>
      %dma_start3A_282 = arith.constant 0 : i32
      %dma_start3A_283 = tpu.memref_slice %arg6[%scan3A_276, %dma_start3A_282] : memref<128x128xi32, #tpu.memory_space<vmem>> -> memref<1x128xi32, #tpu.memory_space<vmem>>
      %dma_start3A_284 = tpu.memref_squeeze %dma_start3A_283 : memref<1x128xi32, #tpu.memory_space<vmem>> -> memref<128xi32, #tpu.memory_space<vmem>>
      %dma_start3A_285 = arith.constant 0 : i32
      %dma_start3A_286 = tpu.memref_slice %arg12[%dma_start3A_285] : memref<262144xf32, #tpu.memory_space<vmem_shared>> -> memref<262144xf32, #tpu.memory_space<vmem_shared>>
      tpu.enqueue_indirect_dma source(%dma_start3A_281 : memref<128xf32, #tpu.memory_space<vmem>>) target(%dma_start3A_286 : memref<262144xf32, #tpu.memory_space<vmem_shared>>) offsets(%dma_start3A_284 : memref<128xi32, #tpu.memory_space<vmem>>) semaphore(%arg15 : memref<!tpu.dma_semaphore, #tpu.memory_space<semaphore_mem>>) {add = true}
      %scan3A_287 = arith.constant 0 : i32
      %scan3A_288 = arith.constant 1 : i32
      %scan3A_289 = arith.addi %scan3A_276, %scan3A_288 : i32
      %rem3A_290 = arith.constant 32 : i32
      %rem3A_291 = arith.remsi %scan3A_289, %rem3A_290 : i32
      %mul3A_292 = arith.constant 128 : i32
      %mul3A_293 = arith.muli %rem3A_291, %mul3A_292 : i32
      %dma_start3A_294 = tpu.memref_slice %arg8[%mul3A_293] : memref<4096xf32, #tpu.memory_space<vmem>> -> memref<128xf32, #tpu.memory_space<vmem>>
      %dma_start3A_295 = arith.constant 0 : i32
      %dma_start3A_296 = tpu.memref_slice %arg6[%scan3A_289, %dma_start3A_295] : memref<128x128xi32, #tpu.memory_space<vmem>> -> memref<1x128xi32, #tpu.memory_space<vmem>>
      %dma_start3A_297 = tpu.memref_squeeze %dma_start3A_296 : memref<1x128xi32, #tpu.memory_space<vmem>> -> memref<128xi32, #tpu.memory_space<vmem>>
      %dma_start3A_298 = arith.constant 0 : i32
      %dma_start3A_299 = tpu.memref_slice %arg12[%dma_start3A_298] : memref<262144xf32, #tpu.memory_space<vmem_shared>> -> memref<262144xf32, #tpu.memory_space<vmem_shared>>
      tpu.enqueue_indirect_dma source(%dma_start3A_294 : memref<128xf32, #tpu.memory_space<vmem>>) target(%dma_start3A_299 : memref<262144xf32, #tpu.memory_space<vmem_shared>>) offsets(%dma_start3A_297 : memref<128xi32, #tpu.memory_space<vmem>>) semaphore(%arg15 : memref<!tpu.dma_semaphore, #tpu.memory_space<semaphore_mem>>) {add = true}
      %scan3A_300 = arith.constant 0 : i32
      %scan3A_301 = arith.constant 2 : i32
      %scan3A_302 = arith.addi %scan3A_276, %scan3A_301 : i32
      %rem3A_303 = arith.constant 32 : i32
      %rem3A_304 = arith.remsi %scan3A_302, %rem3A_303 : i32
      %mul3A_305 = arith.constant 128 : i32
      %mul3A_306 = arith.muli %rem3A_304, %mul3A_305 : i32
      %dma_start3A_307 = tpu.memref_slice %arg8[%mul3A_306] : memref<4096xf32, #tpu.memory_space<vmem>> -> memref<128xf32, #tpu.memory_space<vmem>>
      %dma_start3A_308 = arith.constant 0 : i32
      %dma_start3A_309 = tpu.memref_slice %arg6[%scan3A_302, %dma_start3A_308] : memref<128x128xi32, #tpu.memory_space<vmem>> -> memref<1x128xi32, #tpu.memory_space<vmem>>
      %dma_start3A_310 = tpu.memref_squeeze %dma_start3A_309 : memref<1x128xi32, #tpu.memory_space<vmem>> -> memref<128xi32, #tpu.memory_space<vmem>>
      %dma_start3A_311 = arith.constant 0 : i32
      %dma_start3A_312 = tpu.memref_slice %arg12[%dma_start3A_311] : memref<262144xf32, #tpu.memory_space<vmem_shared>> -> memref<262144xf32, #tpu.memory_space<vmem_shared>>
      tpu.enqueue_indirect_dma source(%dma_start3A_307 : memref<128xf32, #tpu.memory_space<vmem>>) target(%dma_start3A_312 : memref<262144xf32, #tpu.memory_space<vmem_shared>>) offsets(%dma_start3A_310 : memref<128xi32, #tpu.memory_space<vmem>>) semaphore(%arg15 : memref<!tpu.dma_semaphore, #tpu.memory_space<semaphore_mem>>) {add = true}
      %scan3A_313 = arith.constant 0 : i32
      %scan3A_314 = arith.constant 3 : i32
      %scan3A_315 = arith.addi %scan3A_276, %scan3A_314 : i32
      %rem3A_316 = arith.constant 32 : i32
      %rem3A_317 = arith.remsi %scan3A_315, %rem3A_316 : i32
      %mul3A_318 = arith.constant 128 : i32
      %mul3A_319 = arith.muli %rem3A_317, %mul3A_318 : i32
      %dma_start3A_320 = tpu.memref_slice %arg8[%mul3A_319] : memref<4096xf32, #tpu.memory_space<vmem>> -> memref<128xf32, #tpu.memory_space<vmem>>
      %dma_start3A_321 = arith.constant 0 : i32
      %dma_start3A_322 = tpu.memref_slice %arg6[%scan3A_315, %dma_start3A_321] : memref<128x128xi32, #tpu.memory_space<vmem>> -> memref<1x128xi32, #tpu.memory_space<vmem>>
      %dma_start3A_323 = tpu.memref_squeeze %dma_start3A_322 : memref<1x128xi32, #tpu.memory_space<vmem>> -> memref<128xi32, #tpu.memory_space<vmem>>
      %dma_start3A_324 = arith.constant 0 : i32
      %dma_start3A_325 = tpu.memref_slice %arg12[%dma_start3A_324] : memref<262144xf32, #tpu.memory_space<vmem_shared>> -> memref<262144xf32, #tpu.memory_space<vmem_shared>>
      tpu.enqueue_indirect_dma source(%dma_start3A_320 : memref<128xf32, #tpu.memory_space<vmem>>) target(%dma_start3A_325 : memref<262144xf32, #tpu.memory_space<vmem_shared>>) offsets(%dma_start3A_323 : memref<128xi32, #tpu.memory_space<vmem>>) semaphore(%arg15 : memref<!tpu.dma_semaphore, #tpu.memory_space<semaphore_mem>>) {add = true}
      %scan3A_326 = arith.constant 0 : i32
      scf.yield %scan3A_326 : i32
    }
    %scan3A_89 = arith.constant 128 : i32
    %mul3A_90 = arith.constant 96 : i32
    %mul3A_91 = arith.muli %arg0, %mul3A_90 : i32
    %min3A_92 = arith.constant 1 : i32
    %min3A_93 = arith.constant 95 : i32
    %min3A_94 = arith.minsi %min3A_92, %min3A_93 : i32
    %add3A_95 = arith.addi %mul3A_91, %min3A_94 : i32
    %dma_start3A_96 = arith.constant 0 : i32
    %dma_start3A_97 = arith.constant 0 : i32
    %dma_start3A_98 = tpu.memref_slice %arg7[%dma_start3A_96, %dma_start3A_97] : memref<2x4096xf32, #tpu.memory_space<vmem>> -> memref<1x4096xf32, #tpu.memory_space<vmem>>
    %dma_start3A_99 = tpu.memref_squeeze %dma_start3A_98 : memref<1x4096xf32, #tpu.memory_space<vmem>> -> memref<4096xf32, #tpu.memory_space<vmem>>
    %dma_start3A_100 = tpu.memref_slice %arg2[%add3A_95, %mul3A_0] : memref<192x65536xf32, #tpu.memory_space<hbm>> -> memref<1x4096xf32, #tpu.memory_space<hbm>>
    %dma_start3A_101 = tpu.memref_squeeze %dma_start3A_100 : memref<1x4096xf32, #tpu.memory_space<hbm>> -> memref<4096xf32, #tpu.memory_space<hbm>>
    %dma_start3A_102 = arith.constant 0 : i32
    %dma_start3A_103 = tpu.memref_slice %arg7[%dma_start3A_96, %dma_start3A_102] : memref<2x4096xf32, #tpu.memory_space<vmem>> -> memref<1x4096xf32, #tpu.memory_space<vmem>>
    %dma_start3A_104 = tpu.memref_squeeze %dma_start3A_103 : memref<1x4096xf32, #tpu.memory_space<vmem>> -> memref<4096xf32, #tpu.memory_space<vmem>>
    %dma_start3A_105 = tpu.memref_slice %arg2[%add3A_95, %mul3A_0] : memref<192x65536xf32, #tpu.memory_space<hbm>> -> memref<1x4096xf32, #tpu.memory_space<hbm>>
    %dma_start3A_106 = tpu.memref_squeeze %dma_start3A_105 : memref<1x4096xf32, #tpu.memory_space<hbm>> -> memref<4096xf32, #tpu.memory_space<hbm>>
    tpu.enqueue_dma source(%dma_start3A_106 : memref<4096xf32, #tpu.memory_space<hbm>>) target(%dma_start3A_104 : memref<4096xf32, #tpu.memory_space<vmem>>) target_semaphore(%arg21 : memref<!tpu.dma_semaphore, #tpu.memory_space<semaphore_mem>>)
    %dma_wait3A_107 = arith.constant 0 : i32
    %dma_wait3A_108 = arith.constant 0 : i32
    %dma_wait3A_109 = tpu.memref_slice %arg7[%dma_wait3A_107, %dma_wait3A_108] : memref<2x4096xf32, #tpu.memory_space<vmem>> -> memref<1x4096xf32, #tpu.memory_space<vmem>>
    %dma_wait3A_110 = tpu.memref_squeeze %dma_wait3A_109 : memref<1x4096xf32, #tpu.memory_space<vmem>> -> memref<4096xf32, #tpu.memory_space<vmem>>
    %dma_wait3A_111 = tpu.memref_slice %arg2[%add3A_95, %mul3A_0] : memref<192x65536xf32, #tpu.memory_space<hbm>> -> memref<1x4096xf32, #tpu.memory_space<hbm>>
    %dma_wait3A_112 = tpu.memref_squeeze %dma_wait3A_111 : memref<1x4096xf32, #tpu.memory_space<hbm>> -> memref<4096xf32, #tpu.memory_space<hbm>>
    %dma_wait3A_113 = arith.constant 0 : i32
    %dma_wait3A_114 = tpu.memref_slice %arg7[%dma_wait3A_107, %dma_wait3A_113] : memref<2x4096xf32, #tpu.memory_space<vmem>> -> memref<1x4096xf32, #tpu.memory_space<vmem>>
    %dma_wait3A_115 = tpu.memref_squeeze %dma_wait3A_114 : memref<1x4096xf32, #tpu.memory_space<vmem>> -> memref<4096xf32, #tpu.memory_space<vmem>>
    %dma_wait3A_116 = tpu.memref_slice %arg2[%add3A_95, %mul3A_0] : memref<192x65536xf32, #tpu.memory_space<hbm>> -> memref<1x4096xf32, #tpu.memory_space<hbm>>
    %dma_wait3A_117 = tpu.memref_squeeze %dma_wait3A_116 : memref<1x4096xf32, #tpu.memory_space<hbm>> -> memref<4096xf32, #tpu.memory_space<hbm>>
    tpu.wait_dma2 semaphore(%arg21 : memref<!tpu.dma_semaphore, #tpu.memory_space<semaphore_mem>>) src(%dma_wait3A_117 : memref<4096xf32, #tpu.memory_space<hbm>>) dst(%dma_wait3A_115 : memref<4096xf32, #tpu.memory_space<vmem>>)
    %scan3A_118 = arith.constant 0 : i32
    %scan3A_119 = arith.constant 0 : i32
    %scan3A_120 = arith.constant 256 : i32
    %scan3A_121 = arith.addi %scan3A_119, %scan3A_120 : i32
    %scan3A_122 = arith.constant 1 : i32
    %scan3A_123 = scf.for %scan3A_276 = %scan3A_119 to %scan3A_121 step %scan3A_122 iter_args(%scan3A_277 = %scan3A_118) -> (i32)  : i32 {
      %mul3A_278 = arith.constant 16 : i32
      %mul3A_279 = arith.muli %scan3A_276, %mul3A_278 : i32
      %get3A = arith.constant 0 : i32
      %get3A_280 = arith.index_cast %get3A : i32 to index
      %get3A_281 = arith.index_cast %mul3A_279 : i32 to index
      %get3A_282 = tpu.vector_load %arg7[%get3A_280, %get3A_281] {strides = array<i32>} : memref<2x4096xf32, #tpu.memory_space<vmem>>, vector<1x16xf32>,
      %get3A_283 = vector.shape_cast %get3A_282 : vector<1x16xf32> to vector<16xf32>
      %mul3A_284 = arith.constant 2.500000e-01 : f32
      %mul3A_285 = vector.broadcast %mul3A_284 : f32 to vector<16xf32>
      %mul3A_286 = arith.mulf %get3A_283, %mul3A_285 : vector<16xf32>
      %mul3A_287 = arith.constant 16 : i32
      %mul3A_288 = arith.muli %scan3A_276, %mul3A_287 : i32
      %swap3A = arith.index_cast %mul3A_288 : i32 to index
      %swap3A_289 = tpu.vector_load %arg9[%swap3A] {strides = array<i32>} : memref<4096xf32, #tpu.memory_space<vmem>>, vector<16xf32>,
      %swap3A_290 = vector.shape_cast %swap3A_289 : vector<16xf32> to vector<16xf32>
      %swap3A_291 = vector.shape_cast %mul3A_286 : vector<16xf32> to vector<16xf32>
      tpu.vector_store %arg9[%swap3A], %swap3A_291 {strides = array<i32>} : memref<4096xf32, #tpu.memory_space<vmem>>, vector<16xf32>,
      %scan3A_292 = arith.constant 0 : i32
      scf.yield %scan3A_292 : i32
    }
    %scan3A_124 = arith.constant 256 : i32
    %scan3A_125 = arith.constant 0 : i32
    %scan3A_126 = arith.constant 0 : i32
    %scan3A_127 = arith.constant 128 : i32
    %scan3A_128 = arith.addi %scan3A_126, %scan3A_127 : i32
    %scan3A_129 = arith.constant 4 : i32
    %scan3A_130 = scf.for %scan3A_276 = %scan3A_126 to %scan3A_128 step %scan3A_129 iter_args(%scan3A_277 = %scan3A_125) -> (i32)  : i32 {
      %rem3A = arith.constant 32 : i32
      %rem3A_278 = arith.remsi %scan3A_276, %rem3A : i32
      %mul3A_279 = arith.constant 128 : i32
      %mul3A_280 = arith.muli %rem3A_278, %mul3A_279 : i32
      %dma_wait3A_281 = tpu.memref_slice %arg8[%mul3A_280] : memref<4096xf32, #tpu.memory_space<vmem>> -> memref<128xf32, #tpu.memory_space<vmem>>
      %dma_wait3A_282 = arith.constant 0 : i32
      %dma_wait3A_283 = tpu.memref_slice %arg6[%scan3A_276, %dma_wait3A_282] : memref<128x128xi32, #tpu.memory_space<vmem>> -> memref<1x128xi32, #tpu.memory_space<vmem>>
      %dma_wait3A_284 = tpu.memref_squeeze %dma_wait3A_283 : memref<1x128xi32, #tpu.memory_space<vmem>> -> memref<128xi32, #tpu.memory_space<vmem>>
      %dma_wait3A_285 = arith.constant 0 : i32
      %dma_wait3A_286 = tpu.memref_slice %arg12[%dma_wait3A_285] : memref<262144xf32, #tpu.memory_space<vmem_shared>> -> memref<262144xf32, #tpu.memory_space<vmem_shared>>
      tpu.wait_indirect_dma semaphore(%arg15 : memref<!tpu.dma_semaphore, #tpu.memory_space<semaphore_mem>>) src(%dma_wait3A_281 : memref<128xf32, #tpu.memory_space<vmem>>) dst(%dma_wait3A_286 : memref<262144xf32, #tpu.memory_space<vmem_shared>>)
      %scan3A_287 = arith.constant 0 : i32
      %scan3A_288 = arith.constant 1 : i32
      %scan3A_289 = arith.addi %scan3A_276, %scan3A_288 : i32
      %rem3A_290 = arith.constant 32 : i32
      %rem3A_291 = arith.remsi %scan3A_289, %rem3A_290 : i32
      %mul3A_292 = arith.constant 128 : i32
      %mul3A_293 = arith.muli %rem3A_291, %mul3A_292 : i32
      %dma_wait3A_294 = tpu.memref_slice %arg8[%mul3A_293] : memref<4096xf32, #tpu.memory_space<vmem>> -> memref<128xf32, #tpu.memory_space<vmem>>
      %dma_wait3A_295 = arith.constant 0 : i32
      %dma_wait3A_296 = tpu.memref_slice %arg6[%scan3A_289, %dma_wait3A_295] : memref<128x128xi32, #tpu.memory_space<vmem>> -> memref<1x128xi32, #tpu.memory_space<vmem>>
      %dma_wait3A_297 = tpu.memref_squeeze %dma_wait3A_296 : memref<1x128xi32, #tpu.memory_space<vmem>> -> memref<128xi32, #tpu.memory_space<vmem>>
      %dma_wait3A_298 = arith.constant 0 : i32
      %dma_wait3A_299 = tpu.memref_slice %arg12[%dma_wait3A_298] : memref<262144xf32, #tpu.memory_space<vmem_shared>> -> memref<262144xf32, #tpu.memory_space<vmem_shared>>
      tpu.wait_indirect_dma semaphore(%arg15 : memref<!tpu.dma_semaphore, #tpu.memory_space<semaphore_mem>>) src(%dma_wait3A_294 : memref<128xf32, #tpu.memory_space<vmem>>) dst(%dma_wait3A_299 : memref<262144xf32, #tpu.memory_space<vmem_shared>>)
      %scan3A_300 = arith.constant 0 : i32
      %scan3A_301 = arith.constant 2 : i32
      %scan3A_302 = arith.addi %scan3A_276, %scan3A_301 : i32
      %rem3A_303 = arith.constant 32 : i32
      %rem3A_304 = arith.remsi %scan3A_302, %rem3A_303 : i32
      %mul3A_305 = arith.constant 128 : i32
      %mul3A_306 = arith.muli %rem3A_304, %mul3A_305 : i32
      %dma_wait3A_307 = tpu.memref_slice %arg8[%mul3A_306] : memref<4096xf32, #tpu.memory_space<vmem>> -> memref<128xf32, #tpu.memory_space<vmem>>
      %dma_wait3A_308 = arith.constant 0 : i32
      %dma_wait3A_309 = tpu.memref_slice %arg6[%scan3A_302, %dma_wait3A_308] : memref<128x128xi32, #tpu.memory_space<vmem>> -> memref<1x128xi32, #tpu.memory_space<vmem>>
      %dma_wait3A_310 = tpu.memref_squeeze %dma_wait3A_309 : memref<1x128xi32, #tpu.memory_space<vmem>> -> memref<128xi32, #tpu.memory_space<vmem>>
      %dma_wait3A_311 = arith.constant 0 : i32
      %dma_wait3A_312 = tpu.memref_slice %arg12[%dma_wait3A_311] : memref<262144xf32, #tpu.memory_space<vmem_shared>> -> memref<262144xf32, #tpu.memory_space<vmem_shared>>
      tpu.wait_indirect_dma semaphore(%arg15 : memref<!tpu.dma_semaphore, #tpu.memory_space<semaphore_mem>>) src(%dma_wait3A_307 : memref<128xf32, #tpu.memory_space<vmem>>) dst(%dma_wait3A_312 : memref<262144xf32, #tpu.memory_space<vmem_shared>>)
      %scan3A_313 = arith.constant 0 : i32
      %scan3A_314 = arith.constant 3 : i32
      %scan3A_315 = arith.addi %scan3A_276, %scan3A_314 : i32
      %rem3A_316 = arith.constant 32 : i32
      %rem3A_317 = arith.remsi %scan3A_315, %rem3A_316 : i32
      %mul3A_318 = arith.constant 128 : i32
      %mul3A_319 = arith.muli %rem3A_317, %mul3A_318 : i32
      %dma_wait3A_320 = tpu.memref_slice %arg8[%mul3A_319] : memref<4096xf32, #tpu.memory_space<vmem>> -> memref<128xf32, #tpu.memory_space<vmem>>
      %dma_wait3A_321 = arith.constant 0 : i32
      %dma_wait3A_322 = tpu.memref_slice %arg6[%scan3A_315, %dma_wait3A_321] : memref<128x128xi32, #tpu.memory_space<vmem>> -> memref<1x128xi32, #tpu.memory_space<vmem>>
      %dma_wait3A_323 = tpu.memref_squeeze %dma_wait3A_322 : memref<1x128xi32, #tpu.memory_space<vmem>> -> memref<128xi32, #tpu.memory_space<vmem>>
      %dma_wait3A_324 = arith.constant 0 : i32
      %dma_wait3A_325 = tpu.memref_slice %arg12[%dma_wait3A_324] : memref<262144xf32, #tpu.memory_space<vmem_shared>> -> memref<262144xf32, #tpu.memory_space<vmem_shared>>
      tpu.wait_indirect_dma semaphore(%arg15 : memref<!tpu.dma_semaphore, #tpu.memory_space<semaphore_mem>>) src(%dma_wait3A_320 : memref<128xf32, #tpu.memory_space<vmem>>) dst(%dma_wait3A_325 : memref<262144xf32, #tpu.memory_space<vmem_shared>>)
      %scan3A_326 = arith.constant 0 : i32
      scf.yield %scan3A_326 : i32
    }
    %scan3A_131 = arith.constant 128 : i32
    %barrier3A_132 = arith.constant 0 : index
    tpu.barrier barrier_id(%barrier3A_132)
    %mul3A_133 = arith.constant 96 : i32
    %mul3A_134 = arith.muli %arg0, %mul3A_133 : i32
    %add3A_135 = arith.constant 0 : i32
    %add3A_136 = arith.addi %mul3A_134, %add3A_135 : i32
    %dma_start3A_137 = tpu.memref_slice %arg5[%add3A_136, %mul3A_2] : memref<192x262144xf32, #tpu.memory_space<hbm>> -> memref<1x16384xf32, #tpu.memory_space<hbm>>
    %dma_start3A_138 = tpu.memref_squeeze %dma_start3A_137 : memref<1x16384xf32, #tpu.memory_space<hbm>> -> memref<16384xf32, #tpu.memory_space<hbm>>
    %dma_start3A_139 = tpu.memref_slice %arg12[%mul3A_2] : memref<262144xf32, #tpu.memory_space<vmem_shared>> -> memref<16384xf32, #tpu.memory_space<vmem_shared>>
    tpu.enqueue_dma source(%dma_start3A_139 : memref<16384xf32, #tpu.memory_space<vmem_shared>>) target(%dma_start3A_138 : memref<16384xf32, #tpu.memory_space<hbm>>) target_semaphore(%arg18 : memref<!tpu.dma_semaphore, #tpu.memory_space<semaphore_mem>>)
    %scan3A_140 = arith.constant 0 : i32
    %scan3A_141 = arith.constant 0 : i32
    %scan3A_142 = arith.constant 128 : i32
    %scan3A_143 = arith.addi %scan3A_141, %scan3A_142 : i32
    %scan3A_144 = arith.constant 4 : i32
    %scan3A_145 = scf.for %scan3A_276 = %scan3A_141 to %scan3A_143 step %scan3A_144 iter_args(%scan3A_277 = %scan3A_140) -> (i32)  : i32 {
      %rem3A = arith.constant 32 : i32
      %rem3A_278 = arith.remsi %scan3A_276, %rem3A : i32
      %mul3A_279 = arith.constant 128 : i32
      %mul3A_280 = arith.muli %rem3A_278, %mul3A_279 : i32
      %dma_start3A_281 = tpu.memref_slice %arg9[%mul3A_280] : memref<4096xf32, #tpu.memory_space<vmem>> -> memref<128xf32, #tpu.memory_space<vmem>>
      %dma_start3A_282 = arith.constant 0 : i32
      %dma_start3A_283 = tpu.memref_slice %arg6[%scan3A_276, %dma_start3A_282] : memref<128x128xi32, #tpu.memory_space<vmem>> -> memref<1x128xi32, #tpu.memory_space<vmem>>
      %dma_start3A_284 = tpu.memref_squeeze %dma_start3A_283 : memref<1x128xi32, #tpu.memory_space<vmem>> -> memref<128xi32, #tpu.memory_space<vmem>>
      %dma_start3A_285 = arith.constant 0 : i32
      %dma_start3A_286 = tpu.memref_slice %arg13[%dma_start3A_285] : memref<262144xf32, #tpu.memory_space<vmem_shared>> -> memref<262144xf32, #tpu.memory_space<vmem_shared>>
      tpu.enqueue_indirect_dma source(%dma_start3A_281 : memref<128xf32, #tpu.memory_space<vmem>>) target(%dma_start3A_286 : memref<262144xf32, #tpu.memory_space<vmem_shared>>) offsets(%dma_start3A_284 : memref<128xi32, #tpu.memory_space<vmem>>) semaphore(%arg16 : memref<!tpu.dma_semaphore, #tpu.memory_space<semaphore_mem>>) {add = true}
      %scan3A_287 = arith.constant 0 : i32
      %scan3A_288 = arith.constant 1 : i32
      %scan3A_289 = arith.addi %scan3A_276, %scan3A_288 : i32
      %rem3A_290 = arith.constant 32 : i32
      %rem3A_291 = arith.remsi %scan3A_289, %rem3A_290 : i32
      %mul3A_292 = arith.constant 128 : i32
      %mul3A_293 = arith.muli %rem3A_291, %mul3A_292 : i32
      %dma_start3A_294 = tpu.memref_slice %arg9[%mul3A_293] : memref<4096xf32, #tpu.memory_space<vmem>> -> memref<128xf32, #tpu.memory_space<vmem>>
      %dma_start3A_295 = arith.constant 0 : i32
      %dma_start3A_296 = tpu.memref_slice %arg6[%scan3A_289, %dma_start3A_295] : memref<128x128xi32, #tpu.memory_space<vmem>> -> memref<1x128xi32, #tpu.memory_space<vmem>>
      %dma_start3A_297 = tpu.memref_squeeze %dma_start3A_296 : memref<1x128xi32, #tpu.memory_space<vmem>> -> memref<128xi32, #tpu.memory_space<vmem>>
      %dma_start3A_298 = arith.constant 0 : i32
      %dma_start3A_299 = tpu.memref_slice %arg13[%dma_start3A_298] : memref<262144xf32, #tpu.memory_space<vmem_shared>> -> memref<262144xf32, #tpu.memory_space<vmem_shared>>
      tpu.enqueue_indirect_dma source(%dma_start3A_294 : memref<128xf32, #tpu.memory_space<vmem>>) target(%dma_start3A_299 : memref<262144xf32, #tpu.memory_space<vmem_shared>>) offsets(%dma_start3A_297 : memref<128xi32, #tpu.memory_space<vmem>>) semaphore(%arg16 : memref<!tpu.dma_semaphore, #tpu.memory_space<semaphore_mem>>) {add = true}
      %scan3A_300 = arith.constant 0 : i32
      %scan3A_301 = arith.constant 2 : i32
      %scan3A_302 = arith.addi %scan3A_276, %scan3A_301 : i32
      %rem3A_303 = arith.constant 32 : i32
      %rem3A_304 = arith.remsi %scan3A_302, %rem3A_303 : i32
      %mul3A_305 = arith.constant 128 : i32
      %mul3A_306 = arith.muli %rem3A_304, %mul3A_305 : i32
      %dma_start3A_307 = tpu.memref_slice %arg9[%mul3A_306] : memref<4096xf32, #tpu.memory_space<vmem>> -> memref<128xf32, #tpu.memory_space<vmem>>
      %dma_start3A_308 = arith.constant 0 : i32
      %dma_start3A_309 = tpu.memref_slice %arg6[%scan3A_302, %dma_start3A_308] : memref<128x128xi32, #tpu.memory_space<vmem>> -> memref<1x128xi32, #tpu.memory_space<vmem>>
      %dma_start3A_310 = tpu.memref_squeeze %dma_start3A_309 : memref<1x128xi32, #tpu.memory_space<vmem>> -> memref<128xi32, #tpu.memory_space<vmem>>
      %dma_start3A_311 = arith.constant 0 : i32
      %dma_start3A_312 = tpu.memref_slice %arg13[%dma_start3A_311] : memref<262144xf32, #tpu.memory_space<vmem_shared>> -> memref<262144xf32, #tpu.memory_space<vmem_shared>>
      tpu.enqueue_indirect_dma source(%dma_start3A_307 : memref<128xf32, #tpu.memory_space<vmem>>) target(%dma_start3A_312 : memref<262144xf32, #tpu.memory_space<vmem_shared>>) offsets(%dma_start3A_310 : memref<128xi32, #tpu.memory_space<vmem>>) semaphore(%arg16 : memref<!tpu.dma_semaphore, #tpu.memory_space<semaphore_mem>>) {add = true}
      %scan3A_313 = arith.constant 0 : i32
      %scan3A_314 = arith.constant 3 : i32
      %scan3A_315 = arith.addi %scan3A_276, %scan3A_314 : i32
      %rem3A_316 = arith.constant 32 : i32
      %rem3A_317 = arith.remsi %scan3A_315, %rem3A_316 : i32
      %mul3A_318 = arith.constant 128 : i32
      %mul3A_319 = arith.muli %rem3A_317, %mul3A_318 : i32
      %dma_start3A_320 = tpu.memref_slice %arg9[%mul3A_319] : memref<4096xf32, #tpu.memory_space<vmem>> -> memref<128xf32, #tpu.memory_space<vmem>>
      %dma_start3A_321 = arith.constant 0 : i32
      %dma_start3A_322 = tpu.memref_slice %arg6[%scan3A_315, %dma_start3A_321] : memref<128x128xi32, #tpu.memory_space<vmem>> -> memref<1x128xi32, #tpu.memory_space<vmem>>
      %dma_start3A_323 = tpu.memref_squeeze %dma_start3A_322 : memref<1x128xi32, #tpu.memory_space<vmem>> -> memref<128xi32, #tpu.memory_space<vmem>>
      %dma_start3A_324 = arith.constant 0 : i32
      %dma_start3A_325 = tpu.memref_slice %arg13[%dma_start3A_324] : memref<262144xf32, #tpu.memory_space<vmem_shared>> -> memref<262144xf32, #tpu.memory_space<vmem_shared>>
      tpu.enqueue_indirect_dma source(%dma_start3A_320 : memref<128xf32, #tpu.memory_space<vmem>>) target(%dma_start3A_325 : memref<262144xf32, #tpu.memory_space<vmem_shared>>) offsets(%dma_start3A_323 : memref<128xi32, #tpu.memory_space<vmem>>) semaphore(%arg16 : memref<!tpu.dma_semaphore, #tpu.memory_space<semaphore_mem>>) {add = true}
      %scan3A_326 = arith.constant 0 : i32
      scf.yield %scan3A_326 : i32
    }
    %scan3A_146 = arith.constant 128 : i32
    %mul3A_147 = arith.constant 96 : i32
    %mul3A_148 = arith.muli %arg0, %mul3A_147 : i32
    %min3A_149 = arith.constant 2 : i32
    %min3A_150 = arith.constant 95 : i32
    %min3A_151 = arith.minsi %min3A_149, %min3A_150 : i32
    %add3A_152 = arith.addi %mul3A_148, %min3A_151 : i32
    %dma_start3A_153 = arith.constant 0 : i32
    %dma_start3A_154 = arith.constant 0 : i32
    %dma_start3A_155 = tpu.memref_slice %arg7[%dma_start3A_153, %dma_start3A_154] : memref<2x4096xf32, #tpu.memory_space<vmem>> -> memref<1x4096xf32, #tpu.memory_space<vmem>>
    %dma_start3A_156 = tpu.memref_squeeze %dma_start3A_155 : memref<1x4096xf32, #tpu.memory_space<vmem>> -> memref<4096xf32, #tpu.memory_space<vmem>>
    %dma_start3A_157 = tpu.memref_slice %arg2[%add3A_152, %mul3A_0] : memref<192x65536xf32, #tpu.memory_space<hbm>> -> memref<1x4096xf32, #tpu.memory_space<hbm>>
    %dma_start3A_158 = tpu.memref_squeeze %dma_start3A_157 : memref<1x4096xf32, #tpu.memory_space<hbm>> -> memref<4096xf32, #tpu.memory_space<hbm>>
    %dma_start3A_159 = arith.constant 0 : i32
    %dma_start3A_160 = tpu.memref_slice %arg7[%dma_start3A_153, %dma_start3A_159] : memref<2x4096xf32, #tpu.memory_space<vmem>> -> memref<1x4096xf32, #tpu.memory_space<vmem>>
    %dma_start3A_161 = tpu.memref_squeeze %dma_start3A_160 : memref<1x4096xf32, #tpu.memory_space<vmem>> -> memref<4096xf32, #tpu.memory_space<vmem>>
    %dma_start3A_162 = tpu.memref_slice %arg2[%add3A_152, %mul3A_0] : memref<192x65536xf32, #tpu.memory_space<hbm>> -> memref<1x4096xf32, #tpu.memory_space<hbm>>
    %dma_start3A_163 = tpu.memref_squeeze %dma_start3A_162 : memref<1x4096xf32, #tpu.memory_space<hbm>> -> memref<4096xf32, #tpu.memory_space<hbm>>
    tpu.enqueue_dma source(%dma_start3A_163 : memref<4096xf32, #tpu.memory_space<hbm>>) target(%dma_start3A_161 : memref<4096xf32, #tpu.memory_space<vmem>>) target_semaphore(%arg21 : memref<!tpu.dma_semaphore, #tpu.memory_space<semaphore_mem>>)
    %dma_wait3A_164 = arith.constant 0 : i32
    %dma_wait3A_165 = arith.constant 0 : i32
    %dma_wait3A_166 = tpu.memref_slice %arg7[%dma_wait3A_164, %dma_wait3A_165] : memref<2x4096xf32, #tpu.memory_space<vmem>> -> memref<1x4096xf32, #tpu.memory_space<vmem>>
    %dma_wait3A_167 = tpu.memref_squeeze %dma_wait3A_166 : memref<1x4096xf32, #tpu.memory_space<vmem>> -> memref<4096xf32, #tpu.memory_space<vmem>>
    %dma_wait3A_168 = tpu.memref_slice %arg2[%add3A_152, %mul3A_0] : memref<192x65536xf32, #tpu.memory_space<hbm>> -> memref<1x4096xf32, #tpu.memory_space<hbm>>
    %dma_wait3A_169 = tpu.memref_squeeze %dma_wait3A_168 : memref<1x4096xf32, #tpu.memory_space<hbm>> -> memref<4096xf32, #tpu.memory_space<hbm>>
    %dma_wait3A_170 = arith.constant 0 : i32
    %dma_wait3A_171 = tpu.memref_slice %arg7[%dma_wait3A_164, %dma_wait3A_170] : memref<2x4096xf32, #tpu.memory_space<vmem>> -> memref<1x4096xf32, #tpu.memory_space<vmem>>
    %dma_wait3A_172 = tpu.memref_squeeze %dma_wait3A_171 : memref<1x4096xf32, #tpu.memory_space<vmem>> -> memref<4096xf32, #tpu.memory_space<vmem>>
    %dma_wait3A_173 = tpu.memref_slice %arg2[%add3A_152, %mul3A_0] : memref<192x65536xf32, #tpu.memory_space<hbm>> -> memref<1x4096xf32, #tpu.memory_space<hbm>>
    %dma_wait3A_174 = tpu.memref_squeeze %dma_wait3A_173 : memref<1x4096xf32, #tpu.memory_space<hbm>> -> memref<4096xf32, #tpu.memory_space<hbm>>
    tpu.wait_dma2 semaphore(%arg21 : memref<!tpu.dma_semaphore, #tpu.memory_space<semaphore_mem>>) src(%dma_wait3A_174 : memref<4096xf32, #tpu.memory_space<hbm>>) dst(%dma_wait3A_172 : memref<4096xf32, #tpu.memory_space<vmem>>)
    %scan3A_175 = arith.constant 0 : i32
    %scan3A_176 = arith.constant 0 : i32
    %scan3A_177 = arith.constant 256 : i32
    %scan3A_178 = arith.addi %scan3A_176, %scan3A_177 : i32
    %scan3A_179 = arith.constant 1 : i32
    %scan3A_180 = scf.for %scan3A_276 = %scan3A_176 to %scan3A_178 step %scan3A_179 iter_args(%scan3A_277 = %scan3A_175) -> (i32)  : i32 {
      %mul3A_278 = arith.constant 16 : i32
      %mul3A_279 = arith.muli %scan3A_276, %mul3A_278 : i32
      %get3A = arith.constant 0 : i32
      %get3A_280 = arith.index_cast %get3A : i32 to index
      %get3A_281 = arith.index_cast %mul3A_279 : i32 to index
      %get3A_282 = tpu.vector_load %arg7[%get3A_280, %get3A_281] {strides = array<i32>} : memref<2x4096xf32, #tpu.memory_space<vmem>>, vector<1x16xf32>,
      %get3A_283 = vector.shape_cast %get3A_282 : vector<1x16xf32> to vector<16xf32>
      %mul3A_284 = arith.constant 2.500000e-01 : f32
      %mul3A_285 = vector.broadcast %mul3A_284 : f32 to vector<16xf32>
      %mul3A_286 = arith.mulf %get3A_283, %mul3A_285 : vector<16xf32>
      %mul3A_287 = arith.constant 16 : i32
      %mul3A_288 = arith.muli %scan3A_276, %mul3A_287 : i32
      %swap3A = arith.index_cast %mul3A_288 : i32 to index
      %swap3A_289 = tpu.vector_load %arg10[%swap3A] {strides = array<i32>} : memref<4096xf32, #tpu.memory_space<vmem>>, vector<16xf32>,
      %swap3A_290 = vector.shape_cast %swap3A_289 : vector<16xf32> to vector<16xf32>
      %swap3A_291 = vector.shape_cast %mul3A_286 : vector<16xf32> to vector<16xf32>
      tpu.vector_store %arg10[%swap3A], %swap3A_291 {strides = array<i32>} : memref<4096xf32, #tpu.memory_space<vmem>>, vector<16xf32>,
      %scan3A_292 = arith.constant 0 : i32
      scf.yield %scan3A_292 : i32
    }
    %scan3A_181 = arith.constant 256 : i32
    %scan3A_182 = arith.constant 0 : i32
    %scan3A_183 = arith.constant 0 : i32
    %scan3A_184 = arith.constant 31 : i32
    %scan3A_185 = arith.addi %scan3A_183, %scan3A_184 : i32
    %scan3A_186 = arith.constant 1 : i32
    %scan3A_187 = scf.for %scan3A_276 = %scan3A_183 to %scan3A_185 step %scan3A_186 iter_args(%scan3A_277 = %scan3A_182) -> (i32)  : i32 {
      %mul3A_278 = arith.constant 3 : i32
      %mul3A_279 = arith.muli %scan3A_276, %mul3A_278 : i32
      %add3A_280 = arith.constant 2 : i32
      %add3A_281 = arith.addi %mul3A_279, %add3A_280 : i32
      %add3A_282 = arith.constant 0 : i32
      %add3A_283 = arith.addi %add3A_281, %add3A_282 : i32
      %scan3A_284 = arith.constant 0 : i32
      %scan3A_285 = arith.constant 0 : i32
      %scan3A_286 = arith.constant 128 : i32
      %scan3A_287 = arith.addi %scan3A_285, %scan3A_286 : i32
      %scan3A_288 = arith.constant 4 : i32
      %scan3A_289 = scf.for %scan3A_486 = %scan3A_285 to %scan3A_287 step %scan3A_288 iter_args(%scan3A_487 = %scan3A_284) -> (i32)  : i32 {
        %rem3A = arith.constant 32 : i32
        %rem3A_488 = arith.remsi %scan3A_486, %rem3A : i32
        %mul3A_489 = arith.constant 128 : i32
        %mul3A_490 = arith.muli %rem3A_488, %mul3A_489 : i32
        %dma_start3A_491 = tpu.memref_slice %arg10[%mul3A_490] : memref<4096xf32, #tpu.memory_space<vmem>> -> memref<128xf32, #tpu.memory_space<vmem>>
        %dma_start3A_492 = arith.constant 0 : i32
        %dma_start3A_493 = tpu.memref_slice %arg6[%scan3A_486, %dma_start3A_492] : memref<128x128xi32, #tpu.memory_space<vmem>> -> memref<1x128xi32, #tpu.memory_space<vmem>>
        %dma_start3A_494 = tpu.memref_squeeze %dma_start3A_493 : memref<1x128xi32, #tpu.memory_space<vmem>> -> memref<128xi32, #tpu.memory_space<vmem>>
        %dma_start3A_495 = arith.constant 0 : i32
        %dma_start3A_496 = tpu.memref_slice %arg14[%dma_start3A_495] : memref<262144xf32, #tpu.memory_space<vmem_shared>> -> memref<262144xf32, #tpu.memory_space<vmem_shared>>
        tpu.enqueue_indirect_dma source(%dma_start3A_491 : memref<128xf32, #tpu.memory_space<vmem>>) target(%dma_start3A_496 : memref<262144xf32, #tpu.memory_space<vmem_shared>>) offsets(%dma_start3A_494 : memref<128xi32, #tpu.memory_space<vmem>>) semaphore(%arg17 : memref<!tpu.dma_semaphore, #tpu.memory_space<semaphore_mem>>) {add = true}
        %scan3A_497 = arith.constant 0 : i32
        %scan3A_498 = arith.constant 1 : i32
        %scan3A_499 = arith.addi %scan3A_486, %scan3A_498 : i32
        %rem3A_500 = arith.constant 32 : i32
        %rem3A_501 = arith.remsi %scan3A_499, %rem3A_500 : i32
        %mul3A_502 = arith.constant 128 : i32
        %mul3A_503 = arith.muli %rem3A_501, %mul3A_502 : i32
        %dma_start3A_504 = tpu.memref_slice %arg10[%mul3A_503] : memref<4096xf32, #tpu.memory_space<vmem>> -> memref<128xf32, #tpu.memory_space<vmem>>
        %dma_start3A_505 = arith.constant 0 : i32
        %dma_start3A_506 = tpu.memref_slice %arg6[%scan3A_499, %dma_start3A_505] : memref<128x128xi32, #tpu.memory_space<vmem>> -> memref<1x128xi32, #tpu.memory_space<vmem>>
        %dma_start3A_507 = tpu.memref_squeeze %dma_start3A_506 : memref<1x128xi32, #tpu.memory_space<vmem>> -> memref<128xi32, #tpu.memory_space<vmem>>
        %dma_start3A_508 = arith.constant 0 : i32
        %dma_start3A_509 = tpu.memref_slice %arg14[%dma_start3A_508] : memref<262144xf32, #tpu.memory_space<vmem_shared>> -> memref<262144xf32, #tpu.memory_space<vmem_shared>>
        tpu.enqueue_indirect_dma source(%dma_start3A_504 : memref<128xf32, #tpu.memory_space<vmem>>) target(%dma_start3A_509 : memref<262144xf32, #tpu.memory_space<vmem_shared>>) offsets(%dma_start3A_507 : memref<128xi32, #tpu.memory_space<vmem>>) semaphore(%arg17 : memref<!tpu.dma_semaphore, #tpu.memory_space<semaphore_mem>>) {add = true}
        %scan3A_510 = arith.constant 0 : i32
        %scan3A_511 = arith.constant 2 : i32
        %scan3A_512 = arith.addi %scan3A_486, %scan3A_511 : i32
        %rem3A_513 = arith.constant 32 : i32
        %rem3A_514 = arith.remsi %scan3A_512, %rem3A_513 : i32
        %mul3A_515 = arith.constant 128 : i32
        %mul3A_516 = arith.muli %rem3A_514, %mul3A_515 : i32
        %dma_start3A_517 = tpu.memref_slice %arg10[%mul3A_516] : memref<4096xf32, #tpu.memory_space<vmem>> -> memref<128xf32, #tpu.memory_space<vmem>>
        %dma_start3A_518 = arith.constant 0 : i32
        %dma_start3A_519 = tpu.memref_slice %arg6[%scan3A_512, %dma_start3A_518] : memref<128x128xi32, #tpu.memory_space<vmem>> -> memref<1x128xi32, #tpu.memory_space<vmem>>
        %dma_start3A_520 = tpu.memref_squeeze %dma_start3A_519 : memref<1x128xi32, #tpu.memory_space<vmem>> -> memref<128xi32, #tpu.memory_space<vmem>>
        %dma_start3A_521 = arith.constant 0 : i32
        %dma_start3A_522 = tpu.memref_slice %arg14[%dma_start3A_521] : memref<262144xf32, #tpu.memory_space<vmem_shared>> -> memref<262144xf32, #tpu.memory_space<vmem_shared>>
        tpu.enqueue_indirect_dma source(%dma_start3A_517 : memref<128xf32, #tpu.memory_space<vmem>>) target(%dma_start3A_522 : memref<262144xf32, #tpu.memory_space<vmem_shared>>) offsets(%dma_start3A_520 : memref<128xi32, #tpu.memory_space<vmem>>) semaphore(%arg17 : memref<!tpu.dma_semaphore, #tpu.memory_space<semaphore_mem>>) {add = true}
        %scan3A_523 = arith.constant 0 : i32
        %scan3A_524 = arith.constant 3 : i32
        %scan3A_525 = arith.addi %scan3A_486, %scan3A_524 : i32
        %rem3A_526 = arith.constant 32 : i32
        %rem3A_527 = arith.remsi %scan3A_525, %rem3A_526 : i32
        %mul3A_528 = arith.constant 128 : i32
        %mul3A_529 = arith.muli %rem3A_527, %mul3A_528 : i32
        %dma_start3A_530 = tpu.memref_slice %arg10[%mul3A_529] : memref<4096xf32, #tpu.memory_space<vmem>> -> memref<128xf32, #tpu.memory_space<vmem>>
        %dma_start3A_531 = arith.constant 0 : i32
        %dma_start3A_532 = tpu.memref_slice %arg6[%scan3A_525, %dma_start3A_531] : memref<128x128xi32, #tpu.memory_space<vmem>> -> memref<1x128xi32, #tpu.memory_space<vmem>>
        %dma_start3A_533 = tpu.memref_squeeze %dma_start3A_532 : memref<1x128xi32, #tpu.memory_space<vmem>> -> memref<128xi32, #tpu.memory_space<vmem>>
        %dma_start3A_534 = arith.constant 0 : i32
        %dma_start3A_535 = tpu.memref_slice %arg14[%dma_start3A_534] : memref<262144xf32, #tpu.memory_space<vmem_shared>> -> memref<262144xf32, #tpu.memory_space<vmem_shared>>
        tpu.enqueue_indirect_dma source(%dma_start3A_530 : memref<128xf32, #tpu.memory_space<vmem>>) target(%dma_start3A_535 : memref<262144xf32, #tpu.memory_space<vmem_shared>>) offsets(%dma_start3A_533 : memref<128xi32, #tpu.memory_space<vmem>>) semaphore(%arg17 : memref<!tpu.dma_semaphore, #tpu.memory_space<semaphore_mem>>) {add = true}
        %scan3A_536 = arith.constant 0 : i32
        scf.yield %scan3A_536 : i32
      }
      %scan3A_290 = arith.constant 128 : i32
      %dma_wait3A_291 = arith.constant 0 : i32
      %dma_wait3A_292 = tpu.memref_slice %arg5[%dma_wait3A_291, %mul3A_2] : memref<192x262144xf32, #tpu.memory_space<hbm>> -> memref<1x16384xf32, #tpu.memory_space<hbm>>
      %dma_wait3A_293 = tpu.memref_squeeze %dma_wait3A_292 : memref<1x16384xf32, #tpu.memory_space<hbm>> -> memref<16384xf32, #tpu.memory_space<hbm>>
      %dma_wait3A_294 = tpu.memref_slice %arg12[%mul3A_2] : memref<262144xf32, #tpu.memory_space<vmem_shared>> -> memref<16384xf32, #tpu.memory_space<vmem_shared>>
      tpu.wait_dma2 semaphore(%arg18 : memref<!tpu.dma_semaphore, #tpu.memory_space<semaphore_mem>>) src(%dma_wait3A_294 : memref<16384xf32, #tpu.memory_space<vmem_shared>>) dst(%dma_wait3A_293 : memref<16384xf32, #tpu.memory_space<hbm>>)
      "tpu.region"() ({
        %run_scoped3A_486 = tpu.sem_alloc : memref<!tpu.dma_semaphore, #tpu.memory_space<semaphore_mem>>
        %dma_start3A_487 = tpu.memref_slice %arg12[%mul3A_2] : memref<262144xf32, #tpu.memory_space<vmem_shared>> -> memref<16384xf32, #tpu.memory_space<vmem_shared>>
        %dma_start3A_488 = tpu.memref_slice %arg12[%mul3A_2] : memref<262144xf32, #tpu.memory_space<vmem_shared>> -> memref<16384xf32, #tpu.memory_space<vmem_shared>>
        tpu.enqueue_dma source(%arg11 : memref<16384xf32, #tpu.memory_space<vmem>>) target(%dma_start3A_488 : memref<16384xf32, #tpu.memory_space<vmem_shared>>) target_semaphore(%run_scoped3A_486 : memref<!tpu.dma_semaphore, #tpu.memory_space<semaphore_mem>>)
        %dma_wait3A_489 = tpu.memref_slice %arg12[%mul3A_2] : memref<262144xf32, #tpu.memory_space<vmem_shared>> -> memref<16384xf32, #tpu.memory_space<vmem_shared>>
        %dma_wait3A_490 = tpu.memref_slice %arg12[%mul3A_2] : memref<262144xf32, #tpu.memory_space<vmem_shared>> -> memref<16384xf32, #tpu.memory_space<vmem_shared>>
        tpu.wait_dma2 semaphore(%run_scoped3A_486 : memref<!tpu.dma_semaphore, #tpu.memory_space<semaphore_mem>>) src(%arg11 : memref<16384xf32, #tpu.memory_space<vmem>>) dst(%dma_wait3A_490 : memref<16384xf32, #tpu.memory_space<vmem_shared>>)
        tpu.yield
      }) : () -> ()
      %scan3A_295 = arith.constant 0 : i32
      %scan3A_296 = arith.constant 0 : i32
      %scan3A_297 = arith.constant 128 : i32
      %scan3A_298 = arith.addi %scan3A_296, %scan3A_297 : i32
      %scan3A_299 = arith.constant 4 : i32
      %scan3A_300 = scf.for %scan3A_486 = %scan3A_296 to %scan3A_298 step %scan3A_299 iter_args(%scan3A_487 = %scan3A_295) -> (i32)  : i32 {
        %rem3A = arith.constant 32 : i32
        %rem3A_488 = arith.remsi %scan3A_486, %rem3A : i32
        %mul3A_489 = arith.constant 128 : i32
        %mul3A_490 = arith.muli %rem3A_488, %mul3A_489 : i32
        %dma_wait3A_491 = tpu.memref_slice %arg9[%mul3A_490] : memref<4096xf32, #tpu.memory_space<vmem>> -> memref<128xf32, #tpu.memory_space<vmem>>
        %dma_wait3A_492 = arith.constant 0 : i32
        %dma_wait3A_493 = tpu.memref_slice %arg6[%scan3A_486, %dma_wait3A_492] : memref<128x128xi32, #tpu.memory_space<vmem>> -> memref<1x128xi32, #tpu.memory_space<vmem>>
        %dma_wait3A_494 = tpu.memref_squeeze %dma_wait3A_493 : memref<1x128xi32, #tpu.memory_space<vmem>> -> memref<128xi32, #tpu.memory_space<vmem>>
        %dma_wait3A_495 = arith.constant 0 : i32
        %dma_wait3A_496 = tpu.memref_slice %arg13[%dma_wait3A_495] : memref<262144xf32, #tpu.memory_space<vmem_shared>> -> memref<262144xf32, #tpu.memory_space<vmem_shared>>
        tpu.wait_indirect_dma semaphore(%arg16 : memref<!tpu.dma_semaphore, #tpu.memory_space<semaphore_mem>>) src(%dma_wait3A_491 : memref<128xf32, #tpu.memory_space<vmem>>) dst(%dma_wait3A_496 : memref<262144xf32, #tpu.memory_space<vmem_shared>>)
        %scan3A_497 = arith.constant 0 : i32
        %scan3A_498 = arith.constant 1 : i32
        %scan3A_499 = arith.addi %scan3A_486, %scan3A_498 : i32
        %rem3A_500 = arith.constant 32 : i32
        %rem3A_501 = arith.remsi %scan3A_499, %rem3A_500 : i32
        %mul3A_502 = arith.constant 128 : i32
        %mul3A_503 = arith.muli %rem3A_501, %mul3A_502 : i32
        %dma_wait3A_504 = tpu.memref_slice %arg9[%mul3A_503] : memref<4096xf32, #tpu.memory_space<vmem>> -> memref<128xf32, #tpu.memory_space<vmem>>
        %dma_wait3A_505 = arith.constant 0 : i32
        %dma_wait3A_506 = tpu.memref_slice %arg6[%scan3A_499, %dma_wait3A_505] : memref<128x128xi32, #tpu.memory_space<vmem>> -> memref<1x128xi32, #tpu.memory_space<vmem>>
        %dma_wait3A_507 = tpu.memref_squeeze %dma_wait3A_506 : memref<1x128xi32, #tpu.memory_space<vmem>> -> memref<128xi32, #tpu.memory_space<vmem>>
        %dma_wait3A_508 = arith.constant 0 : i32
        %dma_wait3A_509 = tpu.memref_slice %arg13[%dma_wait3A_508] : memref<262144xf32, #tpu.memory_space<vmem_shared>> -> memref<262144xf32, #tpu.memory_space<vmem_shared>>
        tpu.wait_indirect_dma semaphore(%arg16 : memref<!tpu.dma_semaphore, #tpu.memory_space<semaphore_mem>>) src(%dma_wait3A_504 : memref<128xf32, #tpu.memory_space<vmem>>) dst(%dma_wait3A_509 : memref<262144xf32, #tpu.memory_space<vmem_shared>>)
        %scan3A_510 = arith.constant 0 : i32
        %scan3A_511 = arith.constant 2 : i32
        %scan3A_512 = arith.addi %scan3A_486, %scan3A_511 : i32
        %rem3A_513 = arith.constant 32 : i32
        %rem3A_514 = arith.remsi %scan3A_512, %rem3A_513 : i32
        %mul3A_515 = arith.constant 128 : i32
        %mul3A_516 = arith.muli %rem3A_514, %mul3A_515 : i32
        %dma_wait3A_517 = tpu.memref_slice %arg9[%mul3A_516] : memref<4096xf32, #tpu.memory_space<vmem>> -> memref<128xf32, #tpu.memory_space<vmem>>
        %dma_wait3A_518 = arith.constant 0 : i32
        %dma_wait3A_519 = tpu.memref_slice %arg6[%scan3A_512, %dma_wait3A_518] : memref<128x128xi32, #tpu.memory_space<vmem>> -> memref<1x128xi32, #tpu.memory_space<vmem>>
        %dma_wait3A_520 = tpu.memref_squeeze %dma_wait3A_519 : memref<1x128xi32, #tpu.memory_space<vmem>> -> memref<128xi32, #tpu.memory_space<vmem>>
        %dma_wait3A_521 = arith.constant 0 : i32
        %dma_wait3A_522 = tpu.memref_slice %arg13[%dma_wait3A_521] : memref<262144xf32, #tpu.memory_space<vmem_shared>> -> memref<262144xf32, #tpu.memory_space<vmem_shared>>
        tpu.wait_indirect_dma semaphore(%arg16 : memref<!tpu.dma_semaphore, #tpu.memory_space<semaphore_mem>>) src(%dma_wait3A_517 : memref<128xf32, #tpu.memory_space<vmem>>) dst(%dma_wait3A_522 : memref<262144xf32, #tpu.memory_space<vmem_shared>>)
        %scan3A_523 = arith.constant 0 : i32
        %scan3A_524 = arith.constant 3 : i32
        %scan3A_525 = arith.addi %scan3A_486, %scan3A_524 : i32
        %rem3A_526 = arith.constant 32 : i32
        %rem3A_527 = arith.remsi %scan3A_525, %rem3A_526 : i32
        %mul3A_528 = arith.constant 128 : i32
        %mul3A_529 = arith.muli %rem3A_527, %mul3A_528 : i32
        %dma_wait3A_530 = tpu.memref_slice %arg9[%mul3A_529] : memref<4096xf32, #tpu.memory_space<vmem>> -> memref<128xf32, #tpu.memory_space<vmem>>
        %dma_wait3A_531 = arith.constant 0 : i32
        %dma_wait3A_532 = tpu.memref_slice %arg6[%scan3A_525, %dma_wait3A_531] : memref<128x128xi32, #tpu.memory_space<vmem>> -> memref<1x128xi32, #tpu.memory_space<vmem>>
        %dma_wait3A_533 = tpu.memref_squeeze %dma_wait3A_532 : memref<1x128xi32, #tpu.memory_space<vmem>> -> memref<128xi32, #tpu.memory_space<vmem>>
        %dma_wait3A_534 = arith.constant 0 : i32
        %dma_wait3A_535 = tpu.memref_slice %arg13[%dma_wait3A_534] : memref<262144xf32, #tpu.memory_space<vmem_shared>> -> memref<262144xf32, #tpu.memory_space<vmem_shared>>
        tpu.wait_indirect_dma semaphore(%arg16 : memref<!tpu.dma_semaphore, #tpu.memory_space<semaphore_mem>>) src(%dma_wait3A_530 : memref<128xf32, #tpu.memory_space<vmem>>) dst(%dma_wait3A_535 : memref<262144xf32, #tpu.memory_space<vmem_shared>>)
        %scan3A_536 = arith.constant 0 : i32
        scf.yield %scan3A_536 : i32
      }
      %scan3A_301 = arith.constant 128 : i32
      %barrier3A_302 = arith.constant 0 : index
      tpu.barrier barrier_id(%barrier3A_302)
      %sub3A_303 = arith.constant 1 : i32
      %sub3A_304 = arith.subi %add3A_283, %sub3A_303 : i32
      %mul3A_305 = arith.constant 96 : i32
      %mul3A_306 = arith.muli %arg0, %mul3A_305 : i32
      %add3A_307 = arith.addi %mul3A_306, %sub3A_304 : i32
      %dma_start3A_308 = tpu.memref_slice %arg5[%add3A_307, %mul3A_2] : memref<192x262144xf32, #tpu.memory_space<hbm>> -> memref<1x16384xf32, #tpu.memory_space<hbm>>
      %dma_start3A_309 = tpu.memref_squeeze %dma_start3A_308 : memref<1x16384xf32, #tpu.memory_space<hbm>> -> memref<16384xf32, #tpu.memory_space<hbm>>
      %dma_start3A_310 = tpu.memref_slice %arg13[%mul3A_2] : memref<262144xf32, #tpu.memory_space<vmem_shared>> -> memref<16384xf32, #tpu.memory_space<vmem_shared>>
      tpu.enqueue_dma source(%dma_start3A_310 : memref<16384xf32, #tpu.memory_space<vmem_shared>>) target(%dma_start3A_309 : memref<16384xf32, #tpu.memory_space<hbm>>) target_semaphore(%arg19 : memref<!tpu.dma_semaphore, #tpu.memory_space<semaphore_mem>>)
      %add3A_311 = arith.constant 1 : i32
      %add3A_312 = arith.addi %add3A_283, %add3A_311 : i32
      %mul3A_313 = arith.constant 96 : i32
      %mul3A_314 = arith.muli %arg0, %mul3A_313 : i32
      %min3A_315 = arith.constant 95 : i32
      %min3A_316 = arith.minsi %add3A_312, %min3A_315 : i32
      %add3A_317 = arith.addi %mul3A_314, %min3A_316 : i32
      %dma_start3A_318 = arith.constant 0 : i32
      %dma_start3A_319 = arith.constant 0 : i32
      %dma_start3A_320 = tpu.memref_slice %arg7[%dma_start3A_318, %dma_start3A_319] : memref<2x4096xf32, #tpu.memory_space<vmem>> -> memref<1x4096xf32, #tpu.memory_space<vmem>>
      %dma_start3A_321 = tpu.memref_squeeze %dma_start3A_320 : memref<1x4096xf32, #tpu.memory_space<vmem>> -> memref<4096xf32, #tpu.memory_space<vmem>>
      %dma_start3A_322 = tpu.memref_slice %arg2[%add3A_317, %mul3A_0] : memref<192x65536xf32, #tpu.memory_space<hbm>> -> memref<1x4096xf32, #tpu.memory_space<hbm>>
      %dma_start3A_323 = tpu.memref_squeeze %dma_start3A_322 : memref<1x4096xf32, #tpu.memory_space<hbm>> -> memref<4096xf32, #tpu.memory_space<hbm>>
      %dma_start3A_324 = arith.constant 0 : i32
      %dma_start3A_325 = tpu.memref_slice %arg7[%dma_start3A_318, %dma_start3A_324] : memref<2x4096xf32, #tpu.memory_space<vmem>> -> memref<1x4096xf32, #tpu.memory_space<vmem>>
      %dma_start3A_326 = tpu.memref_squeeze %dma_start3A_325 : memref<1x4096xf32, #tpu.memory_space<vmem>> -> memref<4096xf32, #tpu.memory_space<vmem>>
      %dma_start3A_327 = tpu.memref_slice %arg2[%add3A_317, %mul3A_0] : memref<192x65536xf32, #tpu.memory_space<hbm>> -> memref<1x4096xf32, #tpu.memory_space<hbm>>
      %dma_start3A_328 = tpu.memref_squeeze %dma_start3A_327 : memref<1x4096xf32, #tpu.memory_space<hbm>> -> memref<4096xf32, #tpu.memory_space<hbm>>
      tpu.enqueue_dma source(%dma_start3A_328 : memref<4096xf32, #tpu.memory_space<hbm>>) target(%dma_start3A_326 : memref<4096xf32, #tpu.memory_space<vmem>>) target_semaphore(%arg21 : memref<!tpu.dma_semaphore, #tpu.memory_space<semaphore_mem>>)
      %dma_wait3A_329 = arith.constant 0 : i32
      %dma_wait3A_330 = arith.constant 0 : i32
      %dma_wait3A_331 = tpu.memref_slice %arg7[%dma_wait3A_329, %dma_wait3A_330] : memref<2x4096xf32, #tpu.memory_space<vmem>> -> memref<1x4096xf32, #tpu.memory_space<vmem>>
      %dma_wait3A_332 = tpu.memref_squeeze %dma_wait3A_331 : memref<1x4096xf32, #tpu.memory_space<vmem>> -> memref<4096xf32, #tpu.memory_space<vmem>>
      %dma_wait3A_333 = tpu.memref_slice %arg2[%add3A_317, %mul3A_0] : memref<192x65536xf32, #tpu.memory_space<hbm>> -> memref<1x4096xf32, #tpu.memory_space<hbm>>
      %dma_wait3A_334 = tpu.memref_squeeze %dma_wait3A_333 : memref<1x4096xf32, #tpu.memory_space<hbm>> -> memref<4096xf32, #tpu.memory_space<hbm>>
      %dma_wait3A_335 = arith.constant 0 : i32
      %dma_wait3A_336 = tpu.memref_slice %arg7[%dma_wait3A_329, %dma_wait3A_335] : memref<2x4096xf32, #tpu.memory_space<vmem>> -> memref<1x4096xf32, #tpu.memory_space<vmem>>
      %dma_wait3A_337 = tpu.memref_squeeze %dma_wait3A_336 : memref<1x4096xf32, #tpu.memory_space<vmem>> -> memref<4096xf32, #tpu.memory_space<vmem>>
      %dma_wait3A_338 = tpu.memref_slice %arg2[%add3A_317, %mul3A_0] : memref<192x65536xf32, #tpu.memory_space<hbm>> -> memref<1x4096xf32, #tpu.memory_space<hbm>>
      %dma_wait3A_339 = tpu.memref_squeeze %dma_wait3A_338 : memref<1x4096xf32, #tpu.memory_space<hbm>> -> memref<4096xf32, #tpu.memory_space<hbm>>
      tpu.wait_dma2 semaphore(%arg21 : memref<!tpu.dma_semaphore, #tpu.memory_space<semaphore_mem>>) src(%dma_wait3A_339 : memref<4096xf32, #tpu.memory_space<hbm>>) dst(%dma_wait3A_337 : memref<4096xf32, #tpu.memory_space<vmem>>)
      %scan3A_340 = arith.constant 0 : i32
      %scan3A_341 = arith.constant 0 : i32
      %scan3A_342 = arith.constant 256 : i32
      %scan3A_343 = arith.addi %scan3A_341, %scan3A_342 : i32
      %scan3A_344 = arith.constant 1 : i32
      %scan3A_345 = scf.for %scan3A_486 = %scan3A_341 to %scan3A_343 step %scan3A_344 iter_args(%scan3A_487 = %scan3A_340) -> (i32)  : i32 {
        %mul3A_488 = arith.constant 16 : i32
        %mul3A_489 = arith.muli %scan3A_486, %mul3A_488 : i32
        %get3A = arith.constant 0 : i32
        %get3A_490 = arith.index_cast %get3A : i32 to index
        %get3A_491 = arith.index_cast %mul3A_489 : i32 to index
        %get3A_492 = tpu.vector_load %arg7[%get3A_490, %get3A_491] {strides = array<i32>} : memref<2x4096xf32, #tpu.memory_space<vmem>>, vector<1x16xf32>,
        %get3A_493 = vector.shape_cast %get3A_492 : vector<1x16xf32> to vector<16xf32>
        %mul3A_494 = arith.constant 2.500000e-01 : f32
        %mul3A_495 = vector.broadcast %mul3A_494 : f32 to vector<16xf32>
        %mul3A_496 = arith.mulf %get3A_493, %mul3A_495 : vector<16xf32>
        %mul3A_497 = arith.constant 16 : i32
        %mul3A_498 = arith.muli %scan3A_486, %mul3A_497 : i32
        %swap3A = arith.index_cast %mul3A_498 : i32 to index
        %swap3A_499 = tpu.vector_load %arg8[%swap3A] {strides = array<i32>} : memref<4096xf32, #tpu.memory_space<vmem>>, vector<16xf32>,
        %swap3A_500 = vector.shape_cast %swap3A_499 : vector<16xf32> to vector<16xf32>
        %swap3A_501 = vector.shape_cast %mul3A_496 : vector<16xf32> to vector<16xf32>
        tpu.vector_store %arg8[%swap3A], %swap3A_501 {strides = array<i32>} : memref<4096xf32, #tpu.memory_space<vmem>>, vector<16xf32>,
        %scan3A_502 = arith.constant 0 : i32
        scf.yield %scan3A_502 : i32
      }
      %scan3A_346 = arith.constant 256 : i32
      %mul3A_347 = arith.constant 3 : i32
      %mul3A_348 = arith.muli %scan3A_276, %mul3A_347 : i32
      %add3A_349 = arith.constant 2 : i32
      %add3A_350 = arith.addi %mul3A_348, %add3A_349 : i32
      %add3A_351 = arith.constant 1 : i32
      %add3A_352 = arith.addi %add3A_350, %add3A_351 : i32
      %scan3A_353 = arith.constant 0 : i32
      %scan3A_354 = arith.constant 0 : i32
      %scan3A_355 = arith.constant 128 : i32
      %scan3A_356 = arith.addi %scan3A_354, %scan3A_355 : i32
      %scan3A_357 = arith.constant 4 : i32
      %scan3A_358 = scf.for %scan3A_486 = %scan3A_354 to %scan3A_356 step %scan3A_357 iter_args(%scan3A_487 = %scan3A_353) -> (i32)  : i32 {
        %rem3A = arith.constant 32 : i32
        %rem3A_488 = arith.remsi %scan3A_486, %rem3A : i32
        %mul3A_489 = arith.constant 128 : i32
        %mul3A_490 = arith.muli %rem3A_488, %mul3A_489 : i32
        %dma_start3A_491 = tpu.memref_slice %arg8[%mul3A_490] : memref<4096xf32, #tpu.memory_space<vmem>> -> memref<128xf32, #tpu.memory_space<vmem>>
        %dma_start3A_492 = arith.constant 0 : i32
        %dma_start3A_493 = tpu.memref_slice %arg6[%scan3A_486, %dma_start3A_492] : memref<128x128xi32, #tpu.memory_space<vmem>> -> memref<1x128xi32, #tpu.memory_space<vmem>>
        %dma_start3A_494 = tpu.memref_squeeze %dma_start3A_493 : memref<1x128xi32, #tpu.memory_space<vmem>> -> memref<128xi32, #tpu.memory_space<vmem>>
        %dma_start3A_495 = arith.constant 0 : i32
        %dma_start3A_496 = tpu.memref_slice %arg12[%dma_start3A_495] : memref<262144xf32, #tpu.memory_space<vmem_shared>> -> memref<262144xf32, #tpu.memory_space<vmem_shared>>
        tpu.enqueue_indirect_dma source(%dma_start3A_491 : memref<128xf32, #tpu.memory_space<vmem>>) target(%dma_start3A_496 : memref<262144xf32, #tpu.memory_space<vmem_shared>>) offsets(%dma_start3A_494 : memref<128xi32, #tpu.memory_space<vmem>>) semaphore(%arg15 : memref<!tpu.dma_semaphore, #tpu.memory_space<semaphore_mem>>) {add = true}
        %scan3A_497 = arith.constant 0 : i32
        %scan3A_498 = arith.constant 1 : i32
        %scan3A_499 = arith.addi %scan3A_486, %scan3A_498 : i32
        %rem3A_500 = arith.constant 32 : i32
        %rem3A_501 = arith.remsi %scan3A_499, %rem3A_500 : i32
        %mul3A_502 = arith.constant 128 : i32
        %mul3A_503 = arith.muli %rem3A_501, %mul3A_502 : i32
        %dma_start3A_504 = tpu.memref_slice %arg8[%mul3A_503] : memref<4096xf32, #tpu.memory_space<vmem>> -> memref<128xf32, #tpu.memory_space<vmem>>
        %dma_start3A_505 = arith.constant 0 : i32
        %dma_start3A_506 = tpu.memref_slice %arg6[%scan3A_499, %dma_start3A_505] : memref<128x128xi32, #tpu.memory_space<vmem>> -> memref<1x128xi32, #tpu.memory_space<vmem>>
        %dma_start3A_507 = tpu.memref_squeeze %dma_start3A_506 : memref<1x128xi32, #tpu.memory_space<vmem>> -> memref<128xi32, #tpu.memory_space<vmem>>
        %dma_start3A_508 = arith.constant 0 : i32
        %dma_start3A_509 = tpu.memref_slice %arg12[%dma_start3A_508] : memref<262144xf32, #tpu.memory_space<vmem_shared>> -> memref<262144xf32, #tpu.memory_space<vmem_shared>>
        tpu.enqueue_indirect_dma source(%dma_start3A_504 : memref<128xf32, #tpu.memory_space<vmem>>) target(%dma_start3A_509 : memref<262144xf32, #tpu.memory_space<vmem_shared>>) offsets(%dma_start3A_507 : memref<128xi32, #tpu.memory_space<vmem>>) semaphore(%arg15 : memref<!tpu.dma_semaphore, #tpu.memory_space<semaphore_mem>>) {add = true}
        %scan3A_510 = arith.constant 0 : i32
        %scan3A_511 = arith.constant 2 : i32
        %scan3A_512 = arith.addi %scan3A_486, %scan3A_511 : i32
        %rem3A_513 = arith.constant 32 : i32
        %rem3A_514 = arith.remsi %scan3A_512, %rem3A_513 : i32
        %mul3A_515 = arith.constant 128 : i32
        %mul3A_516 = arith.muli %rem3A_514, %mul3A_515 : i32
        %dma_start3A_517 = tpu.memref_slice %arg8[%mul3A_516] : memref<4096xf32, #tpu.memory_space<vmem>> -> memref<128xf32, #tpu.memory_space<vmem>>
        %dma_start3A_518 = arith.constant 0 : i32
        %dma_start3A_519 = tpu.memref_slice %arg6[%scan3A_512, %dma_start3A_518] : memref<128x128xi32, #tpu.memory_space<vmem>> -> memref<1x128xi32, #tpu.memory_space<vmem>>
        %dma_start3A_520 = tpu.memref_squeeze %dma_start3A_519 : memref<1x128xi32, #tpu.memory_space<vmem>> -> memref<128xi32, #tpu.memory_space<vmem>>
        %dma_start3A_521 = arith.constant 0 : i32
        %dma_start3A_522 = tpu.memref_slice %arg12[%dma_start3A_521] : memref<262144xf32, #tpu.memory_space<vmem_shared>> -> memref<262144xf32, #tpu.memory_space<vmem_shared>>
        tpu.enqueue_indirect_dma source(%dma_start3A_517 : memref<128xf32, #tpu.memory_space<vmem>>) target(%dma_start3A_522 : memref<262144xf32, #tpu.memory_space<vmem_shared>>) offsets(%dma_start3A_520 : memref<128xi32, #tpu.memory_space<vmem>>) semaphore(%arg15 : memref<!tpu.dma_semaphore, #tpu.memory_space<semaphore_mem>>) {add = true}
        %scan3A_523 = arith.constant 0 : i32
        %scan3A_524 = arith.constant 3 : i32
        %scan3A_525 = arith.addi %scan3A_486, %scan3A_524 : i32
        %rem3A_526 = arith.constant 32 : i32
        %rem3A_527 = arith.remsi %scan3A_525, %rem3A_526 : i32
        %mul3A_528 = arith.constant 128 : i32
        %mul3A_529 = arith.muli %rem3A_527, %mul3A_528 : i32
        %dma_start3A_530 = tpu.memref_slice %arg8[%mul3A_529] : memref<4096xf32, #tpu.memory_space<vmem>> -> memref<128xf32, #tpu.memory_space<vmem>>
        %dma_start3A_531 = arith.constant 0 : i32
        %dma_start3A_532 = tpu.memref_slice %arg6[%scan3A_525, %dma_start3A_531] : memref<128x128xi32, #tpu.memory_space<vmem>> -> memref<1x128xi32, #tpu.memory_space<vmem>>
        %dma_start3A_533 = tpu.memref_squeeze %dma_start3A_532 : memref<1x128xi32, #tpu.memory_space<vmem>> -> memref<128xi32, #tpu.memory_space<vmem>>
        %dma_start3A_534 = arith.constant 0 : i32
        %dma_start3A_535 = tpu.memref_slice %arg12[%dma_start3A_534] : memref<262144xf32, #tpu.memory_space<vmem_shared>> -> memref<262144xf32, #tpu.memory_space<vmem_shared>>
        tpu.enqueue_indirect_dma source(%dma_start3A_530 : memref<128xf32, #tpu.memory_space<vmem>>) target(%dma_start3A_535 : memref<262144xf32, #tpu.memory_space<vmem_shared>>) offsets(%dma_start3A_533 : memref<128xi32, #tpu.memory_space<vmem>>) semaphore(%arg15 : memref<!tpu.dma_semaphore, #tpu.memory_space<semaphore_mem>>) {add = true}
        %scan3A_536 = arith.constant 0 : i32
        scf.yield %scan3A_536 : i32
      }
      %scan3A_359 = arith.constant 128 : i32
      %dma_wait3A_360 = arith.constant 0 : i32
      %dma_wait3A_361 = tpu.memref_slice %arg5[%dma_wait3A_360, %mul3A_2] : memref<192x262144xf32, #tpu.memory_space<hbm>> -> memref<1x16384xf32, #tpu.memory_space<hbm>>
      %dma_wait3A_362 = tpu.memref_squeeze %dma_wait3A_361 : memref<1x16384xf32, #tpu.memory_space<hbm>> -> memref<16384xf32, #tpu.memory_space<hbm>>
      %dma_wait3A_363 = tpu.memref_slice %arg13[%mul3A_2] : memref<262144xf32, #tpu.memory_space<vmem_shared>> -> memref<16384xf32, #tpu.memory_space<vmem_shared>>
      tpu.wait_dma2 semaphore(%arg19 : memref<!tpu.dma_semaphore, #tpu.memory_space<semaphore_mem>>) src(%dma_wait3A_363 : memref<16384xf32, #tpu.memory_space<vmem_shared>>) dst(%dma_wait3A_362 : memref<16384xf32, #tpu.memory_space<hbm>>)
      "tpu.region"() ({
        %run_scoped3A_486 = tpu.sem_alloc : memref<!tpu.dma_semaphore, #tpu.memory_space<semaphore_mem>>
        %dma_start3A_487 = tpu.memref_slice %arg13[%mul3A_2] : memref<262144xf32, #tpu.memory_space<vmem_shared>> -> memref<16384xf32, #tpu.memory_space<vmem_shared>>
        %dma_start3A_488 = tpu.memref_slice %arg13[%mul3A_2] : memref<262144xf32, #tpu.memory_space<vmem_shared>> -> memref<16384xf32, #tpu.memory_space<vmem_shared>>
        tpu.enqueue_dma source(%arg11 : memref<16384xf32, #tpu.memory_space<vmem>>) target(%dma_start3A_488 : memref<16384xf32, #tpu.memory_space<vmem_shared>>) target_semaphore(%run_scoped3A_486 : memref<!tpu.dma_semaphore, #tpu.memory_space<semaphore_mem>>)
        %dma_wait3A_489 = tpu.memref_slice %arg13[%mul3A_2] : memref<262144xf32, #tpu.memory_space<vmem_shared>> -> memref<16384xf32, #tpu.memory_space<vmem_shared>>
        %dma_wait3A_490 = tpu.memref_slice %arg13[%mul3A_2] : memref<262144xf32, #tpu.memory_space<vmem_shared>> -> memref<16384xf32, #tpu.memory_space<vmem_shared>>
        tpu.wait_dma2 semaphore(%run_scoped3A_486 : memref<!tpu.dma_semaphore, #tpu.memory_space<semaphore_mem>>) src(%arg11 : memref<16384xf32, #tpu.memory_space<vmem>>) dst(%dma_wait3A_490 : memref<16384xf32, #tpu.memory_space<vmem_shared>>)
        tpu.yield
      }) : () -> ()
      %scan3A_364 = arith.constant 0 : i32
      %scan3A_365 = arith.constant 0 : i32
      %scan3A_366 = arith.constant 128 : i32
      %scan3A_367 = arith.addi %scan3A_365, %scan3A_366 : i32
      %scan3A_368 = arith.constant 4 : i32
      %scan3A_369 = scf.for %scan3A_486 = %scan3A_365 to %scan3A_367 step %scan3A_368 iter_args(%scan3A_487 = %scan3A_364) -> (i32)  : i32 {
        %rem3A = arith.constant 32 : i32
        %rem3A_488 = arith.remsi %scan3A_486, %rem3A : i32
        %mul3A_489 = arith.constant 128 : i32
        %mul3A_490 = arith.muli %rem3A_488, %mul3A_489 : i32
        %dma_wait3A_491 = tpu.memref_slice %arg10[%mul3A_490] : memref<4096xf32, #tpu.memory_space<vmem>> -> memref<128xf32, #tpu.memory_space<vmem>>
        %dma_wait3A_492 = arith.constant 0 : i32
        %dma_wait3A_493 = tpu.memref_slice %arg6[%scan3A_486, %dma_wait3A_492] : memref<128x128xi32, #tpu.memory_space<vmem>> -> memref<1x128xi32, #tpu.memory_space<vmem>>
        %dma_wait3A_494 = tpu.memref_squeeze %dma_wait3A_493 : memref<1x128xi32, #tpu.memory_space<vmem>> -> memref<128xi32, #tpu.memory_space<vmem>>
        %dma_wait3A_495 = arith.constant 0 : i32
        %dma_wait3A_496 = tpu.memref_slice %arg14[%dma_wait3A_495] : memref<262144xf32, #tpu.memory_space<vmem_shared>> -> memref<262144xf32, #tpu.memory_space<vmem_shared>>
        tpu.wait_indirect_dma semaphore(%arg17 : memref<!tpu.dma_semaphore, #tpu.memory_space<semaphore_mem>>) src(%dma_wait3A_491 : memref<128xf32, #tpu.memory_space<vmem>>) dst(%dma_wait3A_496 : memref<262144xf32, #tpu.memory_space<vmem_shared>>)
        %scan3A_497 = arith.constant 0 : i32
        %scan3A_498 = arith.constant 1 : i32
        %scan3A_499 = arith.addi %scan3A_486, %scan3A_498 : i32
        %rem3A_500 = arith.constant 32 : i32
        %rem3A_501 = arith.remsi %scan3A_499, %rem3A_500 : i32
        %mul3A_502 = arith.constant 128 : i32
        %mul3A_503 = arith.muli %rem3A_501, %mul3A_502 : i32
        %dma_wait3A_504 = tpu.memref_slice %arg10[%mul3A_503] : memref<4096xf32, #tpu.memory_space<vmem>> -> memref<128xf32, #tpu.memory_space<vmem>>
        %dma_wait3A_505 = arith.constant 0 : i32
        %dma_wait3A_506 = tpu.memref_slice %arg6[%scan3A_499, %dma_wait3A_505] : memref<128x128xi32, #tpu.memory_space<vmem>> -> memref<1x128xi32, #tpu.memory_space<vmem>>
        %dma_wait3A_507 = tpu.memref_squeeze %dma_wait3A_506 : memref<1x128xi32, #tpu.memory_space<vmem>> -> memref<128xi32, #tpu.memory_space<vmem>>
        %dma_wait3A_508 = arith.constant 0 : i32
        %dma_wait3A_509 = tpu.memref_slice %arg14[%dma_wait3A_508] : memref<262144xf32, #tpu.memory_space<vmem_shared>> -> memref<262144xf32, #tpu.memory_space<vmem_shared>>
        tpu.wait_indirect_dma semaphore(%arg17 : memref<!tpu.dma_semaphore, #tpu.memory_space<semaphore_mem>>) src(%dma_wait3A_504 : memref<128xf32, #tpu.memory_space<vmem>>) dst(%dma_wait3A_509 : memref<262144xf32, #tpu.memory_space<vmem_shared>>)
        %scan3A_510 = arith.constant 0 : i32
        %scan3A_511 = arith.constant 2 : i32
        %scan3A_512 = arith.addi %scan3A_486, %scan3A_511 : i32
        %rem3A_513 = arith.constant 32 : i32
        %rem3A_514 = arith.remsi %scan3A_512, %rem3A_513 : i32
        %mul3A_515 = arith.constant 128 : i32
        %mul3A_516 = arith.muli %rem3A_514, %mul3A_515 : i32
        %dma_wait3A_517 = tpu.memref_slice %arg10[%mul3A_516] : memref<4096xf32, #tpu.memory_space<vmem>> -> memref<128xf32, #tpu.memory_space<vmem>>
        %dma_wait3A_518 = arith.constant 0 : i32
        %dma_wait3A_519 = tpu.memref_slice %arg6[%scan3A_512, %dma_wait3A_518] : memref<128x128xi32, #tpu.memory_space<vmem>> -> memref<1x128xi32, #tpu.memory_space<vmem>>
        %dma_wait3A_520 = tpu.memref_squeeze %dma_wait3A_519 : memref<1x128xi32, #tpu.memory_space<vmem>> -> memref<128xi32, #tpu.memory_space<vmem>>
        %dma_wait3A_521 = arith.constant 0 : i32
        %dma_wait3A_522 = tpu.memref_slice %arg14[%dma_wait3A_521] : memref<262144xf32, #tpu.memory_space<vmem_shared>> -> memref<262144xf32, #tpu.memory_space<vmem_shared>>
        tpu.wait_indirect_dma semaphore(%arg17 : memref<!tpu.dma_semaphore, #tpu.memory_space<semaphore_mem>>) src(%dma_wait3A_517 : memref<128xf32, #tpu.memory_space<vmem>>) dst(%dma_wait3A_522 : memref<262144xf32, #tpu.memory_space<vmem_shared>>)
        %scan3A_523 = arith.constant 0 : i32
        %scan3A_524 = arith.constant 3 : i32
        %scan3A_525 = arith.addi %scan3A_486, %scan3A_524 : i32
        %rem3A_526 = arith.constant 32 : i32
        %rem3A_527 = arith.remsi %scan3A_525, %rem3A_526 : i32
        %mul3A_528 = arith.constant 128 : i32
        %mul3A_529 = arith.muli %rem3A_527, %mul3A_528 : i32
        %dma_wait3A_530 = tpu.memref_slice %arg10[%mul3A_529] : memref<4096xf32, #tpu.memory_space<vmem>> -> memref<128xf32, #tpu.memory_space<vmem>>
        %dma_wait3A_531 = arith.constant 0 : i32
        %dma_wait3A_532 = tpu.memref_slice %arg6[%scan3A_525, %dma_wait3A_531] : memref<128x128xi32, #tpu.memory_space<vmem>> -> memref<1x128xi32, #tpu.memory_space<vmem>>
        %dma_wait3A_533 = tpu.memref_squeeze %dma_wait3A_532 : memref<1x128xi32, #tpu.memory_space<vmem>> -> memref<128xi32, #tpu.memory_space<vmem>>
        %dma_wait3A_534 = arith.constant 0 : i32
        %dma_wait3A_535 = tpu.memref_slice %arg14[%dma_wait3A_534] : memref<262144xf32, #tpu.memory_space<vmem_shared>> -> memref<262144xf32, #tpu.memory_space<vmem_shared>>
        tpu.wait_indirect_dma semaphore(%arg17 : memref<!tpu.dma_semaphore, #tpu.memory_space<semaphore_mem>>) src(%dma_wait3A_530 : memref<128xf32, #tpu.memory_space<vmem>>) dst(%dma_wait3A_535 : memref<262144xf32, #tpu.memory_space<vmem_shared>>)
        %scan3A_536 = arith.constant 0 : i32
        scf.yield %scan3A_536 : i32
      }
      %scan3A_370 = arith.constant 128 : i32
      %barrier3A_371 = arith.constant 0 : index
      tpu.barrier barrier_id(%barrier3A_371)
      %sub3A_372 = arith.constant 1 : i32
      %sub3A_373 = arith.subi %add3A_352, %sub3A_372 : i32
      %mul3A_374 = arith.constant 96 : i32
      %mul3A_375 = arith.muli %arg0, %mul3A_374 : i32
      %add3A_376 = arith.addi %mul3A_375, %sub3A_373 : i32
      %dma_start3A_377 = tpu.memref_slice %arg5[%add3A_376, %mul3A_2] : memref<192x262144xf32, #tpu.memory_space<hbm>> -> memref<1x16384xf32, #tpu.memory_space<hbm>>
      %dma_start3A_378 = tpu.memref_squeeze %dma_start3A_377 : memref<1x16384xf32, #tpu.memory_space<hbm>> -> memref<16384xf32, #tpu.memory_space<hbm>>
      %dma_start3A_379 = tpu.memref_slice %arg14[%mul3A_2] : memref<262144xf32, #tpu.memory_space<vmem_shared>> -> memref<16384xf32, #tpu.memory_space<vmem_shared>>
      tpu.enqueue_dma source(%dma_start3A_379 : memref<16384xf32, #tpu.memory_space<vmem_shared>>) target(%dma_start3A_378 : memref<16384xf32, #tpu.memory_space<hbm>>) target_semaphore(%arg20 : memref<!tpu.dma_semaphore, #tpu.memory_space<semaphore_mem>>)
      %add3A_380 = arith.constant 1 : i32
      %add3A_381 = arith.addi %add3A_352, %add3A_380 : i32
      %mul3A_382 = arith.constant 96 : i32
      %mul3A_383 = arith.muli %arg0, %mul3A_382 : i32
      %min3A_384 = arith.constant 95 : i32
      %min3A_385 = arith.minsi %add3A_381, %min3A_384 : i32
      %add3A_386 = arith.addi %mul3A_383, %min3A_385 : i32
      %dma_start3A_387 = arith.constant 0 : i32
      %dma_start3A_388 = arith.constant 0 : i32
      %dma_start3A_389 = tpu.memref_slice %arg7[%dma_start3A_387, %dma_start3A_388] : memref<2x4096xf32, #tpu.memory_space<vmem>> -> memref<1x4096xf32, #tpu.memory_space<vmem>>
      %dma_start3A_390 = tpu.memref_squeeze %dma_start3A_389 : memref<1x4096xf32, #tpu.memory_space<vmem>> -> memref<4096xf32, #tpu.memory_space<vmem>>
      %dma_start3A_391 = tpu.memref_slice %arg2[%add3A_386, %mul3A_0] : memref<192x65536xf32, #tpu.memory_space<hbm>> -> memref<1x4096xf32, #tpu.memory_space<hbm>>
      %dma_start3A_392 = tpu.memref_squeeze %dma_start3A_391 : memref<1x4096xf32, #tpu.memory_space<hbm>> -> memref<4096xf32, #tpu.memory_space<hbm>>
      %dma_start3A_393 = arith.constant 0 : i32
      %dma_start3A_394 = tpu.memref_slice %arg7[%dma_start3A_387, %dma_start3A_393] : memref<2x4096xf32, #tpu.memory_space<vmem>> -> memref<1x4096xf32, #tpu.memory_space<vmem>>
      %dma_start3A_395 = tpu.memref_squeeze %dma_start3A_394 : memref<1x4096xf32, #tpu.memory_space<vmem>> -> memref<4096xf32, #tpu.memory_space<vmem>>
      %dma_start3A_396 = tpu.memref_slice %arg2[%add3A_386, %mul3A_0] : memref<192x65536xf32, #tpu.memory_space<hbm>> -> memref<1x4096xf32, #tpu.memory_space<hbm>>
      %dma_start3A_397 = tpu.memref_squeeze %dma_start3A_396 : memref<1x4096xf32, #tpu.memory_space<hbm>> -> memref<4096xf32, #tpu.memory_space<hbm>>
      tpu.enqueue_dma source(%dma_start3A_397 : memref<4096xf32, #tpu.memory_space<hbm>>) target(%dma_start3A_395 : memref<4096xf32, #tpu.memory_space<vmem>>) target_semaphore(%arg21 : memref<!tpu.dma_semaphore, #tpu.memory_space<semaphore_mem>>)
      %dma_wait3A_398 = arith.constant 0 : i32
      %dma_wait3A_399 = arith.constant 0 : i32
      %dma_wait3A_400 = tpu.memref_slice %arg7[%dma_wait3A_398, %dma_wait3A_399] : memref<2x4096xf32, #tpu.memory_space<vmem>> -> memref<1x4096xf32, #tpu.memory_space<vmem>>
      %dma_wait3A_401 = tpu.memref_squeeze %dma_wait3A_400 : memref<1x4096xf32, #tpu.memory_space<vmem>> -> memref<4096xf32, #tpu.memory_space<vmem>>
      %dma_wait3A_402 = tpu.memref_slice %arg2[%add3A_386, %mul3A_0] : memref<192x65536xf32, #tpu.memory_space<hbm>> -> memref<1x4096xf32, #tpu.memory_space<hbm>>
      %dma_wait3A_403 = tpu.memref_squeeze %dma_wait3A_402 : memref<1x4096xf32, #tpu.memory_space<hbm>> -> memref<4096xf32, #tpu.memory_space<hbm>>
      %dma_wait3A_404 = arith.constant 0 : i32
      %dma_wait3A_405 = tpu.memref_slice %arg7[%dma_wait3A_398, %dma_wait3A_404] : memref<2x4096xf32, #tpu.memory_space<vmem>> -> memref<1x4096xf32, #tpu.memory_space<vmem>>
      %dma_wait3A_406 = tpu.memref_squeeze %dma_wait3A_405 : memref<1x4096xf32, #tpu.memory_space<vmem>> -> memref<4096xf32, #tpu.memory_space<vmem>>
      %dma_wait3A_407 = tpu.memref_slice %arg2[%add3A_386, %mul3A_0] : memref<192x65536xf32, #tpu.memory_space<hbm>> -> memref<1x4096xf32, #tpu.memory_space<hbm>>
      %dma_wait3A_408 = tpu.memref_squeeze %dma_wait3A_407 : memref<1x4096xf32, #tpu.memory_space<hbm>> -> memref<4096xf32, #tpu.memory_space<hbm>>
      tpu.wait_dma2 semaphore(%arg21 : memref<!tpu.dma_semaphore, #tpu.memory_space<semaphore_mem>>) src(%dma_wait3A_408 : memref<4096xf32, #tpu.memory_space<hbm>>) dst(%dma_wait3A_406 : memref<4096xf32, #tpu.memory_space<vmem>>)
      %scan3A_409 = arith.constant 0 : i32
      %scan3A_410 = arith.constant 0 : i32
      %scan3A_411 = arith.constant 256 : i32
      %scan3A_412 = arith.addi %scan3A_410, %scan3A_411 : i32
      %scan3A_413 = arith.constant 1 : i32
      %scan3A_414 = scf.for %scan3A_486 = %scan3A_410 to %scan3A_412 step %scan3A_413 iter_args(%scan3A_487 = %scan3A_409) -> (i32)  : i32 {
        %mul3A_488 = arith.constant 16 : i32
        %mul3A_489 = arith.muli %scan3A_486, %mul3A_488 : i32
        %get3A = arith.constant 0 : i32
        %get3A_490 = arith.index_cast %get3A : i32 to index
        %get3A_491 = arith.index_cast %mul3A_489 : i32 to index
        %get3A_492 = tpu.vector_load %arg7[%get3A_490, %get3A_491] {strides = array<i32>} : memref<2x4096xf32, #tpu.memory_space<vmem>>, vector<1x16xf32>,
        %get3A_493 = vector.shape_cast %get3A_492 : vector<1x16xf32> to vector<16xf32>
        %mul3A_494 = arith.constant 2.500000e-01 : f32
        %mul3A_495 = vector.broadcast %mul3A_494 : f32 to vector<16xf32>
        %mul3A_496 = arith.mulf %get3A_493, %mul3A_495 : vector<16xf32>
        %mul3A_497 = arith.constant 16 : i32
        %mul3A_498 = arith.muli %scan3A_486, %mul3A_497 : i32
        %swap3A = arith.index_cast %mul3A_498 : i32 to index
        %swap3A_499 = tpu.vector_load %arg9[%swap3A] {strides = array<i32>} : memref<4096xf32, #tpu.memory_space<vmem>>, vector<16xf32>,
        %swap3A_500 = vector.shape_cast %swap3A_499 : vector<16xf32> to vector<16xf32>
        %swap3A_501 = vector.shape_cast %mul3A_496 : vector<16xf32> to vector<16xf32>
        tpu.vector_store %arg9[%swap3A], %swap3A_501 {strides = array<i32>} : memref<4096xf32, #tpu.memory_space<vmem>>, vector<16xf32>,
        %scan3A_502 = arith.constant 0 : i32
        scf.yield %scan3A_502 : i32
      }
      %scan3A_415 = arith.constant 256 : i32
      %mul3A_416 = arith.constant 3 : i32
      %mul3A_417 = arith.muli %scan3A_276, %mul3A_416 : i32
      %add3A_418 = arith.constant 2 : i32
      %add3A_419 = arith.addi %mul3A_417, %add3A_418 : i32
      %add3A_420 = arith.constant 2 : i32
      %add3A_421 = arith.addi %add3A_419, %add3A_420 : i32
      %scan3A_422 = arith.constant 0 : i32
      %scan3A_423 = arith.constant 0 : i32
      %scan3A_424 = arith.constant 128 : i32
      %scan3A_425 = arith.addi %scan3A_423, %scan3A_424 : i32
      %scan3A_426 = arith.constant 4 : i32
      %scan3A_427 = scf.for %scan3A_486 = %scan3A_423 to %scan3A_425 step %scan3A_426 iter_args(%scan3A_487 = %scan3A_422) -> (i32)  : i32 {
        %rem3A = arith.constant 32 : i32
        %rem3A_488 = arith.remsi %scan3A_486, %rem3A : i32
        %mul3A_489 = arith.constant 128 : i32
        %mul3A_490 = arith.muli %rem3A_488, %mul3A_489 : i32
        %dma_start3A_491 = tpu.memref_slice %arg9[%mul3A_490] : memref<4096xf32, #tpu.memory_space<vmem>> -> memref<128xf32, #tpu.memory_space<vmem>>
        %dma_start3A_492 = arith.constant 0 : i32
        %dma_start3A_493 = tpu.memref_slice %arg6[%scan3A_486, %dma_start3A_492] : memref<128x128xi32, #tpu.memory_space<vmem>> -> memref<1x128xi32, #tpu.memory_space<vmem>>
        %dma_start3A_494 = tpu.memref_squeeze %dma_start3A_493 : memref<1x128xi32, #tpu.memory_space<vmem>> -> memref<128xi32, #tpu.memory_space<vmem>>
        %dma_start3A_495 = arith.constant 0 : i32
        %dma_start3A_496 = tpu.memref_slice %arg13[%dma_start3A_495] : memref<262144xf32, #tpu.memory_space<vmem_shared>> -> memref<262144xf32, #tpu.memory_space<vmem_shared>>
        tpu.enqueue_indirect_dma source(%dma_start3A_491 : memref<128xf32, #tpu.memory_space<vmem>>) target(%dma_start3A_496 : memref<262144xf32, #tpu.memory_space<vmem_shared>>) offsets(%dma_start3A_494 : memref<128xi32, #tpu.memory_space<vmem>>) semaphore(%arg16 : memref<!tpu.dma_semaphore, #tpu.memory_space<semaphore_mem>>) {add = true}
        %scan3A_497 = arith.constant 0 : i32
        %scan3A_498 = arith.constant 1 : i32
        %scan3A_499 = arith.addi %scan3A_486, %scan3A_498 : i32
        %rem3A_500 = arith.constant 32 : i32
        %rem3A_501 = arith.remsi %scan3A_499, %rem3A_500 : i32
        %mul3A_502 = arith.constant 128 : i32
        %mul3A_503 = arith.muli %rem3A_501, %mul3A_502 : i32
        %dma_start3A_504 = tpu.memref_slice %arg9[%mul3A_503] : memref<4096xf32, #tpu.memory_space<vmem>> -> memref<128xf32, #tpu.memory_space<vmem>>
        %dma_start3A_505 = arith.constant 0 : i32
        %dma_start3A_506 = tpu.memref_slice %arg6[%scan3A_499, %dma_start3A_505] : memref<128x128xi32, #tpu.memory_space<vmem>> -> memref<1x128xi32, #tpu.memory_space<vmem>>
        %dma_start3A_507 = tpu.memref_squeeze %dma_start3A_506 : memref<1x128xi32, #tpu.memory_space<vmem>> -> memref<128xi32, #tpu.memory_space<vmem>>
        %dma_start3A_508 = arith.constant 0 : i32
        %dma_start3A_509 = tpu.memref_slice %arg13[%dma_start3A_508] : memref<262144xf32, #tpu.memory_space<vmem_shared>> -> memref<262144xf32, #tpu.memory_space<vmem_shared>>
        tpu.enqueue_indirect_dma source(%dma_start3A_504 : memref<128xf32, #tpu.memory_space<vmem>>) target(%dma_start3A_509 : memref<262144xf32, #tpu.memory_space<vmem_shared>>) offsets(%dma_start3A_507 : memref<128xi32, #tpu.memory_space<vmem>>) semaphore(%arg16 : memref<!tpu.dma_semaphore, #tpu.memory_space<semaphore_mem>>) {add = true}
        %scan3A_510 = arith.constant 0 : i32
        %scan3A_511 = arith.constant 2 : i32
        %scan3A_512 = arith.addi %scan3A_486, %scan3A_511 : i32
        %rem3A_513 = arith.constant 32 : i32
        %rem3A_514 = arith.remsi %scan3A_512, %rem3A_513 : i32
        %mul3A_515 = arith.constant 128 : i32
        %mul3A_516 = arith.muli %rem3A_514, %mul3A_515 : i32
        %dma_start3A_517 = tpu.memref_slice %arg9[%mul3A_516] : memref<4096xf32, #tpu.memory_space<vmem>> -> memref<128xf32, #tpu.memory_space<vmem>>
        %dma_start3A_518 = arith.constant 0 : i32
        %dma_start3A_519 = tpu.memref_slice %arg6[%scan3A_512, %dma_start3A_518] : memref<128x128xi32, #tpu.memory_space<vmem>> -> memref<1x128xi32, #tpu.memory_space<vmem>>
        %dma_start3A_520 = tpu.memref_squeeze %dma_start3A_519 : memref<1x128xi32, #tpu.memory_space<vmem>> -> memref<128xi32, #tpu.memory_space<vmem>>
        %dma_start3A_521 = arith.constant 0 : i32
        %dma_start3A_522 = tpu.memref_slice %arg13[%dma_start3A_521] : memref<262144xf32, #tpu.memory_space<vmem_shared>> -> memref<262144xf32, #tpu.memory_space<vmem_shared>>
        tpu.enqueue_indirect_dma source(%dma_start3A_517 : memref<128xf32, #tpu.memory_space<vmem>>) target(%dma_start3A_522 : memref<262144xf32, #tpu.memory_space<vmem_shared>>) offsets(%dma_start3A_520 : memref<128xi32, #tpu.memory_space<vmem>>) semaphore(%arg16 : memref<!tpu.dma_semaphore, #tpu.memory_space<semaphore_mem>>) {add = true}
        %scan3A_523 = arith.constant 0 : i32
        %scan3A_524 = arith.constant 3 : i32
        %scan3A_525 = arith.addi %scan3A_486, %scan3A_524 : i32
        %rem3A_526 = arith.constant 32 : i32
        %rem3A_527 = arith.remsi %scan3A_525, %rem3A_526 : i32
        %mul3A_528 = arith.constant 128 : i32
        %mul3A_529 = arith.muli %rem3A_527, %mul3A_528 : i32
        %dma_start3A_530 = tpu.memref_slice %arg9[%mul3A_529] : memref<4096xf32, #tpu.memory_space<vmem>> -> memref<128xf32, #tpu.memory_space<vmem>>
        %dma_start3A_531 = arith.constant 0 : i32
        %dma_start3A_532 = tpu.memref_slice %arg6[%scan3A_525, %dma_start3A_531] : memref<128x128xi32, #tpu.memory_space<vmem>> -> memref<1x128xi32, #tpu.memory_space<vmem>>
        %dma_start3A_533 = tpu.memref_squeeze %dma_start3A_532 : memref<1x128xi32, #tpu.memory_space<vmem>> -> memref<128xi32, #tpu.memory_space<vmem>>
        %dma_start3A_534 = arith.constant 0 : i32
        %dma_start3A_535 = tpu.memref_slice %arg13[%dma_start3A_534] : memref<262144xf32, #tpu.memory_space<vmem_shared>> -> memref<262144xf32, #tpu.memory_space<vmem_shared>>
        tpu.enqueue_indirect_dma source(%dma_start3A_530 : memref<128xf32, #tpu.memory_space<vmem>>) target(%dma_start3A_535 : memref<262144xf32, #tpu.memory_space<vmem_shared>>) offsets(%dma_start3A_533 : memref<128xi32, #tpu.memory_space<vmem>>) semaphore(%arg16 : memref<!tpu.dma_semaphore, #tpu.memory_space<semaphore_mem>>) {add = true}
        %scan3A_536 = arith.constant 0 : i32
        scf.yield %scan3A_536 : i32
      }
      %scan3A_428 = arith.constant 128 : i32
      %dma_wait3A_429 = arith.constant 0 : i32
      %dma_wait3A_430 = tpu.memref_slice %arg5[%dma_wait3A_429, %mul3A_2] : memref<192x262144xf32, #tpu.memory_space<hbm>> -> memref<1x16384xf32, #tpu.memory_space<hbm>>
      %dma_wait3A_431 = tpu.memref_squeeze %dma_wait3A_430 : memref<1x16384xf32, #tpu.memory_space<hbm>> -> memref<16384xf32, #tpu.memory_space<hbm>>
      %dma_wait3A_432 = tpu.memref_slice %arg14[%mul3A_2] : memref<262144xf32, #tpu.memory_space<vmem_shared>> -> memref<16384xf32, #tpu.memory_space<vmem_shared>>
      tpu.wait_dma2 semaphore(%arg20 : memref<!tpu.dma_semaphore, #tpu.memory_space<semaphore_mem>>) src(%dma_wait3A_432 : memref<16384xf32, #tpu.memory_space<vmem_shared>>) dst(%dma_wait3A_431 : memref<16384xf32, #tpu.memory_space<hbm>>)
      "tpu.region"() ({
        %run_scoped3A_486 = tpu.sem_alloc : memref<!tpu.dma_semaphore, #tpu.memory_space<semaphore_mem>>
        %dma_start3A_487 = tpu.memref_slice %arg14[%mul3A_2] : memref<262144xf32, #tpu.memory_space<vmem_shared>> -> memref<16384xf32, #tpu.memory_space<vmem_shared>>
        %dma_start3A_488 = tpu.memref_slice %arg14[%mul3A_2] : memref<262144xf32, #tpu.memory_space<vmem_shared>> -> memref<16384xf32, #tpu.memory_space<vmem_shared>>
        tpu.enqueue_dma source(%arg11 : memref<16384xf32, #tpu.memory_space<vmem>>) target(%dma_start3A_488 : memref<16384xf32, #tpu.memory_space<vmem_shared>>) target_semaphore(%run_scoped3A_486 : memref<!tpu.dma_semaphore, #tpu.memory_space<semaphore_mem>>)
        %dma_wait3A_489 = tpu.memref_slice %arg14[%mul3A_2] : memref<262144xf32, #tpu.memory_space<vmem_shared>> -> memref<16384xf32, #tpu.memory_space<vmem_shared>>
        %dma_wait3A_490 = tpu.memref_slice %arg14[%mul3A_2] : memref<262144xf32, #tpu.memory_space<vmem_shared>> -> memref<16384xf32, #tpu.memory_space<vmem_shared>>
        tpu.wait_dma2 semaphore(%run_scoped3A_486 : memref<!tpu.dma_semaphore, #tpu.memory_space<semaphore_mem>>) src(%arg11 : memref<16384xf32, #tpu.memory_space<vmem>>) dst(%dma_wait3A_490 : memref<16384xf32, #tpu.memory_space<vmem_shared>>)
        tpu.yield
      }) : () -> ()
      %scan3A_433 = arith.constant 0 : i32
      %scan3A_434 = arith.constant 0 : i32
      %scan3A_435 = arith.constant 128 : i32
      %scan3A_436 = arith.addi %scan3A_434, %scan3A_435 : i32
      %scan3A_437 = arith.constant 4 : i32
      %scan3A_438 = scf.for %scan3A_486 = %scan3A_434 to %scan3A_436 step %scan3A_437 iter_args(%scan3A_487 = %scan3A_433) -> (i32)  : i32 {
        %rem3A = arith.constant 32 : i32
        %rem3A_488 = arith.remsi %scan3A_486, %rem3A : i32
        %mul3A_489 = arith.constant 128 : i32
        %mul3A_490 = arith.muli %rem3A_488, %mul3A_489 : i32
        %dma_wait3A_491 = tpu.memref_slice %arg8[%mul3A_490] : memref<4096xf32, #tpu.memory_space<vmem>> -> memref<128xf32, #tpu.memory_space<vmem>>
        %dma_wait3A_492 = arith.constant 0 : i32
        %dma_wait3A_493 = tpu.memref_slice %arg6[%scan3A_486, %dma_wait3A_492] : memref<128x128xi32, #tpu.memory_space<vmem>> -> memref<1x128xi32, #tpu.memory_space<vmem>>
        %dma_wait3A_494 = tpu.memref_squeeze %dma_wait3A_493 : memref<1x128xi32, #tpu.memory_space<vmem>> -> memref<128xi32, #tpu.memory_space<vmem>>
        %dma_wait3A_495 = arith.constant 0 : i32
        %dma_wait3A_496 = tpu.memref_slice %arg12[%dma_wait3A_495] : memref<262144xf32, #tpu.memory_space<vmem_shared>> -> memref<262144xf32, #tpu.memory_space<vmem_shared>>
        tpu.wait_indirect_dma semaphore(%arg15 : memref<!tpu.dma_semaphore, #tpu.memory_space<semaphore_mem>>) src(%dma_wait3A_491 : memref<128xf32, #tpu.memory_space<vmem>>) dst(%dma_wait3A_496 : memref<262144xf32, #tpu.memory_space<vmem_shared>>)
        %scan3A_497 = arith.constant 0 : i32
        %scan3A_498 = arith.constant 1 : i32
        %scan3A_499 = arith.addi %scan3A_486, %scan3A_498 : i32
        %rem3A_500 = arith.constant 32 : i32
        %rem3A_501 = arith.remsi %scan3A_499, %rem3A_500 : i32
        %mul3A_502 = arith.constant 128 : i32
        %mul3A_503 = arith.muli %rem3A_501, %mul3A_502 : i32
        %dma_wait3A_504 = tpu.memref_slice %arg8[%mul3A_503] : memref<4096xf32, #tpu.memory_space<vmem>> -> memref<128xf32, #tpu.memory_space<vmem>>
        %dma_wait3A_505 = arith.constant 0 : i32
        %dma_wait3A_506 = tpu.memref_slice %arg6[%scan3A_499, %dma_wait3A_505] : memref<128x128xi32, #tpu.memory_space<vmem>> -> memref<1x128xi32, #tpu.memory_space<vmem>>
        %dma_wait3A_507 = tpu.memref_squeeze %dma_wait3A_506 : memref<1x128xi32, #tpu.memory_space<vmem>> -> memref<128xi32, #tpu.memory_space<vmem>>
        %dma_wait3A_508 = arith.constant 0 : i32
        %dma_wait3A_509 = tpu.memref_slice %arg12[%dma_wait3A_508] : memref<262144xf32, #tpu.memory_space<vmem_shared>> -> memref<262144xf32, #tpu.memory_space<vmem_shared>>
        tpu.wait_indirect_dma semaphore(%arg15 : memref<!tpu.dma_semaphore, #tpu.memory_space<semaphore_mem>>) src(%dma_wait3A_504 : memref<128xf32, #tpu.memory_space<vmem>>) dst(%dma_wait3A_509 : memref<262144xf32, #tpu.memory_space<vmem_shared>>)
        %scan3A_510 = arith.constant 0 : i32
        %scan3A_511 = arith.constant 2 : i32
        %scan3A_512 = arith.addi %scan3A_486, %scan3A_511 : i32
        %rem3A_513 = arith.constant 32 : i32
        %rem3A_514 = arith.remsi %scan3A_512, %rem3A_513 : i32
        %mul3A_515 = arith.constant 128 : i32
        %mul3A_516 = arith.muli %rem3A_514, %mul3A_515 : i32
        %dma_wait3A_517 = tpu.memref_slice %arg8[%mul3A_516] : memref<4096xf32, #tpu.memory_space<vmem>> -> memref<128xf32, #tpu.memory_space<vmem>>
        %dma_wait3A_518 = arith.constant 0 : i32
        %dma_wait3A_519 = tpu.memref_slice %arg6[%scan3A_512, %dma_wait3A_518] : memref<128x128xi32, #tpu.memory_space<vmem>> -> memref<1x128xi32, #tpu.memory_space<vmem>>
        %dma_wait3A_520 = tpu.memref_squeeze %dma_wait3A_519 : memref<1x128xi32, #tpu.memory_space<vmem>> -> memref<128xi32, #tpu.memory_space<vmem>>
        %dma_wait3A_521 = arith.constant 0 : i32
        %dma_wait3A_522 = tpu.memref_slice %arg12[%dma_wait3A_521] : memref<262144xf32, #tpu.memory_space<vmem_shared>> -> memref<262144xf32, #tpu.memory_space<vmem_shared>>
        tpu.wait_indirect_dma semaphore(%arg15 : memref<!tpu.dma_semaphore, #tpu.memory_space<semaphore_mem>>) src(%dma_wait3A_517 : memref<128xf32, #tpu.memory_space<vmem>>) dst(%dma_wait3A_522 : memref<262144xf32, #tpu.memory_space<vmem_shared>>)
        %scan3A_523 = arith.constant 0 : i32
        %scan3A_524 = arith.constant 3 : i32
        %scan3A_525 = arith.addi %scan3A_486, %scan3A_524 : i32
        %rem3A_526 = arith.constant 32 : i32
        %rem3A_527 = arith.remsi %scan3A_525, %rem3A_526 : i32
        %mul3A_528 = arith.constant 128 : i32
        %mul3A_529 = arith.muli %rem3A_527, %mul3A_528 : i32
        %dma_wait3A_530 = tpu.memref_slice %arg8[%mul3A_529] : memref<4096xf32, #tpu.memory_space<vmem>> -> memref<128xf32, #tpu.memory_space<vmem>>
        %dma_wait3A_531 = arith.constant 0 : i32
        %dma_wait3A_532 = tpu.memref_slice %arg6[%scan3A_525, %dma_wait3A_531] : memref<128x128xi32, #tpu.memory_space<vmem>> -> memref<1x128xi32, #tpu.memory_space<vmem>>
        %dma_wait3A_533 = tpu.memref_squeeze %dma_wait3A_532 : memref<1x128xi32, #tpu.memory_space<vmem>> -> memref<128xi32, #tpu.memory_space<vmem>>
        %dma_wait3A_534 = arith.constant 0 : i32
        %dma_wait3A_535 = tpu.memref_slice %arg12[%dma_wait3A_534] : memref<262144xf32, #tpu.memory_space<vmem_shared>> -> memref<262144xf32, #tpu.memory_space<vmem_shared>>
        tpu.wait_indirect_dma semaphore(%arg15 : memref<!tpu.dma_semaphore, #tpu.memory_space<semaphore_mem>>) src(%dma_wait3A_530 : memref<128xf32, #tpu.memory_space<vmem>>) dst(%dma_wait3A_535 : memref<262144xf32, #tpu.memory_space<vmem_shared>>)
        %scan3A_536 = arith.constant 0 : i32
        scf.yield %scan3A_536 : i32
      }
      %scan3A_439 = arith.constant 128 : i32
      %barrier3A_440 = arith.constant 0 : index
      tpu.barrier barrier_id(%barrier3A_440)
      %sub3A_441 = arith.constant 1 : i32
      %sub3A_442 = arith.subi %add3A_421, %sub3A_441 : i32
      %mul3A_443 = arith.constant 96 : i32
      %mul3A_444 = arith.muli %arg0, %mul3A_443 : i32
      %add3A_445 = arith.addi %mul3A_444, %sub3A_442 : i32
      %dma_start3A_446 = tpu.memref_slice %arg5[%add3A_445, %mul3A_2] : memref<192x262144xf32, #tpu.memory_space<hbm>> -> memref<1x16384xf32, #tpu.memory_space<hbm>>
      %dma_start3A_447 = tpu.memref_squeeze %dma_start3A_446 : memref<1x16384xf32, #tpu.memory_space<hbm>> -> memref<16384xf32, #tpu.memory_space<hbm>>
      %dma_start3A_448 = tpu.memref_slice %arg12[%mul3A_2] : memref<262144xf32, #tpu.memory_space<vmem_shared>> -> memref<16384xf32, #tpu.memory_space<vmem_shared>>
      tpu.enqueue_dma source(%dma_start3A_448 : memref<16384xf32, #tpu.memory_space<vmem_shared>>) target(%dma_start3A_447 : memref<16384xf32, #tpu.memory_space<hbm>>) target_semaphore(%arg18 : memref<!tpu.dma_semaphore, #tpu.memory_space<semaphore_mem>>)
      %add3A_449 = arith.constant 1 : i32
      %add3A_450 = arith.addi %add3A_421, %add3A_449 : i32
      %mul3A_451 = arith.constant 96 : i32
      %mul3A_452 = arith.muli %arg0, %mul3A_451 : i32
      %min3A_453 = arith.constant 95 : i32
      %min3A_454 = arith.minsi %add3A_450, %min3A_453 : i32
      %add3A_455 = arith.addi %mul3A_452, %min3A_454 : i32
      %dma_start3A_456 = arith.constant 0 : i32
      %dma_start3A_457 = arith.constant 0 : i32
      %dma_start3A_458 = tpu.memref_slice %arg7[%dma_start3A_456, %dma_start3A_457] : memref<2x4096xf32, #tpu.memory_space<vmem>> -> memref<1x4096xf32, #tpu.memory_space<vmem>>
      %dma_start3A_459 = tpu.memref_squeeze %dma_start3A_458 : memref<1x4096xf32, #tpu.memory_space<vmem>> -> memref<4096xf32, #tpu.memory_space<vmem>>
      %dma_start3A_460 = tpu.memref_slice %arg2[%add3A_455, %mul3A_0] : memref<192x65536xf32, #tpu.memory_space<hbm>> -> memref<1x4096xf32, #tpu.memory_space<hbm>>
      %dma_start3A_461 = tpu.memref_squeeze %dma_start3A_460 : memref<1x4096xf32, #tpu.memory_space<hbm>> -> memref<4096xf32, #tpu.memory_space<hbm>>
      %dma_start3A_462 = arith.constant 0 : i32
      %dma_start3A_463 = tpu.memref_slice %arg7[%dma_start3A_456, %dma_start3A_462] : memref<2x4096xf32, #tpu.memory_space<vmem>> -> memref<1x4096xf32, #tpu.memory_space<vmem>>
      %dma_start3A_464 = tpu.memref_squeeze %dma_start3A_463 : memref<1x4096xf32, #tpu.memory_space<vmem>> -> memref<4096xf32, #tpu.memory_space<vmem>>
      %dma_start3A_465 = tpu.memref_slice %arg2[%add3A_455, %mul3A_0] : memref<192x65536xf32, #tpu.memory_space<hbm>> -> memref<1x4096xf32, #tpu.memory_space<hbm>>
      %dma_start3A_466 = tpu.memref_squeeze %dma_start3A_465 : memref<1x4096xf32, #tpu.memory_space<hbm>> -> memref<4096xf32, #tpu.memory_space<hbm>>
      tpu.enqueue_dma source(%dma_start3A_466 : memref<4096xf32, #tpu.memory_space<hbm>>) target(%dma_start3A_464 : memref<4096xf32, #tpu.memory_space<vmem>>) target_semaphore(%arg21 : memref<!tpu.dma_semaphore, #tpu.memory_space<semaphore_mem>>)
      %dma_wait3A_467 = arith.constant 0 : i32
      %dma_wait3A_468 = arith.constant 0 : i32
      %dma_wait3A_469 = tpu.memref_slice %arg7[%dma_wait3A_467, %dma_wait3A_468] : memref<2x4096xf32, #tpu.memory_space<vmem>> -> memref<1x4096xf32, #tpu.memory_space<vmem>>
      %dma_wait3A_470 = tpu.memref_squeeze %dma_wait3A_469 : memref<1x4096xf32, #tpu.memory_space<vmem>> -> memref<4096xf32, #tpu.memory_space<vmem>>
      %dma_wait3A_471 = tpu.memref_slice %arg2[%add3A_455, %mul3A_0] : memref<192x65536xf32, #tpu.memory_space<hbm>> -> memref<1x4096xf32, #tpu.memory_space<hbm>>
      %dma_wait3A_472 = tpu.memref_squeeze %dma_wait3A_471 : memref<1x4096xf32, #tpu.memory_space<hbm>> -> memref<4096xf32, #tpu.memory_space<hbm>>
      %dma_wait3A_473 = arith.constant 0 : i32
      %dma_wait3A_474 = tpu.memref_slice %arg7[%dma_wait3A_467, %dma_wait3A_473] : memref<2x4096xf32, #tpu.memory_space<vmem>> -> memref<1x4096xf32, #tpu.memory_space<vmem>>
      %dma_wait3A_475 = tpu.memref_squeeze %dma_wait3A_474 : memref<1x4096xf32, #tpu.memory_space<vmem>> -> memref<4096xf32, #tpu.memory_space<vmem>>
      %dma_wait3A_476 = tpu.memref_slice %arg2[%add3A_455, %mul3A_0] : memref<192x65536xf32, #tpu.memory_space<hbm>> -> memref<1x4096xf32, #tpu.memory_space<hbm>>
      %dma_wait3A_477 = tpu.memref_squeeze %dma_wait3A_476 : memref<1x4096xf32, #tpu.memory_space<hbm>> -> memref<4096xf32, #tpu.memory_space<hbm>>
      tpu.wait_dma2 semaphore(%arg21 : memref<!tpu.dma_semaphore, #tpu.memory_space<semaphore_mem>>) src(%dma_wait3A_477 : memref<4096xf32, #tpu.memory_space<hbm>>) dst(%dma_wait3A_475 : memref<4096xf32, #tpu.memory_space<vmem>>)
      %scan3A_478 = arith.constant 0 : i32
      %scan3A_479 = arith.constant 0 : i32
      %scan3A_480 = arith.constant 256 : i32
      %scan3A_481 = arith.addi %scan3A_479, %scan3A_480 : i32
      %scan3A_482 = arith.constant 1 : i32
      %scan3A_483 = scf.for %scan3A_486 = %scan3A_479 to %scan3A_481 step %scan3A_482 iter_args(%scan3A_487 = %scan3A_478) -> (i32)  : i32 {
        %mul3A_488 = arith.constant 16 : i32
        %mul3A_489 = arith.muli %scan3A_486, %mul3A_488 : i32
        %get3A = arith.constant 0 : i32
        %get3A_490 = arith.index_cast %get3A : i32 to index
        %get3A_491 = arith.index_cast %mul3A_489 : i32 to index
        %get3A_492 = tpu.vector_load %arg7[%get3A_490, %get3A_491] {strides = array<i32>} : memref<2x4096xf32, #tpu.memory_space<vmem>>, vector<1x16xf32>,
        %get3A_493 = vector.shape_cast %get3A_492 : vector<1x16xf32> to vector<16xf32>
        %mul3A_494 = arith.constant 2.500000e-01 : f32
        %mul3A_495 = vector.broadcast %mul3A_494 : f32 to vector<16xf32>
        %mul3A_496 = arith.mulf %get3A_493, %mul3A_495 : vector<16xf32>
        %mul3A_497 = arith.constant 16 : i32
        %mul3A_498 = arith.muli %scan3A_486, %mul3A_497 : i32
        %swap3A = arith.index_cast %mul3A_498 : i32 to index
        %swap3A_499 = tpu.vector_load %arg10[%swap3A] {strides = array<i32>} : memref<4096xf32, #tpu.memory_space<vmem>>, vector<16xf32>,
        %swap3A_500 = vector.shape_cast %swap3A_499 : vector<16xf32> to vector<16xf32>
        %swap3A_501 = vector.shape_cast %mul3A_496 : vector<16xf32> to vector<16xf32>
        tpu.vector_store %arg10[%swap3A], %swap3A_501 {strides = array<i32>} : memref<4096xf32, #tpu.memory_space<vmem>>, vector<16xf32>,
        %scan3A_502 = arith.constant 0 : i32
        scf.yield %scan3A_502 : i32
      }
      %scan3A_484 = arith.constant 256 : i32
      %scan3A_485 = arith.constant 0 : i32
      scf.yield %scan3A_485 : i32
    }
    %scan3A_188 = arith.constant 31 : i32
    %scan3A_189 = arith.constant 0 : i32
    %scan3A_190 = arith.constant 0 : i32
    %scan3A_191 = arith.constant 128 : i32
    %scan3A_192 = arith.addi %scan3A_190, %scan3A_191 : i32
    %scan3A_193 = arith.constant 4 : i32
    %scan3A_194 = scf.for %scan3A_276 = %scan3A_190 to %scan3A_192 step %scan3A_193 iter_args(%scan3A_277 = %scan3A_189) -> (i32)  : i32 {
      %rem3A = arith.constant 32 : i32
      %rem3A_278 = arith.remsi %scan3A_276, %rem3A : i32
      %mul3A_279 = arith.constant 128 : i32
      %mul3A_280 = arith.muli %rem3A_278, %mul3A_279 : i32
      %dma_start3A_281 = tpu.memref_slice %arg10[%mul3A_280] : memref<4096xf32, #tpu.memory_space<vmem>> -> memref<128xf32, #tpu.memory_space<vmem>>
      %dma_start3A_282 = arith.constant 0 : i32
      %dma_start3A_283 = tpu.memref_slice %arg6[%scan3A_276, %dma_start3A_282] : memref<128x128xi32, #tpu.memory_space<vmem>> -> memref<1x128xi32, #tpu.memory_space<vmem>>
      %dma_start3A_284 = tpu.memref_squeeze %dma_start3A_283 : memref<1x128xi32, #tpu.memory_space<vmem>> -> memref<128xi32, #tpu.memory_space<vmem>>
      %dma_start3A_285 = arith.constant 0 : i32
      %dma_start3A_286 = tpu.memref_slice %arg14[%dma_start3A_285] : memref<262144xf32, #tpu.memory_space<vmem_shared>> -> memref<262144xf32, #tpu.memory_space<vmem_shared>>
      tpu.enqueue_indirect_dma source(%dma_start3A_281 : memref<128xf32, #tpu.memory_space<vmem>>) target(%dma_start3A_286 : memref<262144xf32, #tpu.memory_space<vmem_shared>>) offsets(%dma_start3A_284 : memref<128xi32, #tpu.memory_space<vmem>>) semaphore(%arg17 : memref<!tpu.dma_semaphore, #tpu.memory_space<semaphore_mem>>) {add = true}
      %scan3A_287 = arith.constant 0 : i32
      %scan3A_288 = arith.constant 1 : i32
      %scan3A_289 = arith.addi %scan3A_276, %scan3A_288 : i32
      %rem3A_290 = arith.constant 32 : i32
      %rem3A_291 = arith.remsi %scan3A_289, %rem3A_290 : i32
      %mul3A_292 = arith.constant 128 : i32
      %mul3A_293 = arith.muli %rem3A_291, %mul3A_292 : i32
      %dma_start3A_294 = tpu.memref_slice %arg10[%mul3A_293] : memref<4096xf32, #tpu.memory_space<vmem>> -> memref<128xf32, #tpu.memory_space<vmem>>
      %dma_start3A_295 = arith.constant 0 : i32
      %dma_start3A_296 = tpu.memref_slice %arg6[%scan3A_289, %dma_start3A_295] : memref<128x128xi32, #tpu.memory_space<vmem>> -> memref<1x128xi32, #tpu.memory_space<vmem>>
      %dma_start3A_297 = tpu.memref_squeeze %dma_start3A_296 : memref<1x128xi32, #tpu.memory_space<vmem>> -> memref<128xi32, #tpu.memory_space<vmem>>
      %dma_start3A_298 = arith.constant 0 : i32
      %dma_start3A_299 = tpu.memref_slice %arg14[%dma_start3A_298] : memref<262144xf32, #tpu.memory_space<vmem_shared>> -> memref<262144xf32, #tpu.memory_space<vmem_shared>>
      tpu.enqueue_indirect_dma source(%dma_start3A_294 : memref<128xf32, #tpu.memory_space<vmem>>) target(%dma_start3A_299 : memref<262144xf32, #tpu.memory_space<vmem_shared>>) offsets(%dma_start3A_297 : memref<128xi32, #tpu.memory_space<vmem>>) semaphore(%arg17 : memref<!tpu.dma_semaphore, #tpu.memory_space<semaphore_mem>>) {add = true}
      %scan3A_300 = arith.constant 0 : i32
      %scan3A_301 = arith.constant 2 : i32
      %scan3A_302 = arith.addi %scan3A_276, %scan3A_301 : i32
      %rem3A_303 = arith.constant 32 : i32
      %rem3A_304 = arith.remsi %scan3A_302, %rem3A_303 : i32
      %mul3A_305 = arith.constant 128 : i32
      %mul3A_306 = arith.muli %rem3A_304, %mul3A_305 : i32
      %dma_start3A_307 = tpu.memref_slice %arg10[%mul3A_306] : memref<4096xf32, #tpu.memory_space<vmem>> -> memref<128xf32, #tpu.memory_space<vmem>>
      %dma_start3A_308 = arith.constant 0 : i32
      %dma_start3A_309 = tpu.memref_slice %arg6[%scan3A_302, %dma_start3A_308] : memref<128x128xi32, #tpu.memory_space<vmem>> -> memref<1x128xi32, #tpu.memory_space<vmem>>
      %dma_start3A_310 = tpu.memref_squeeze %dma_start3A_309 : memref<1x128xi32, #tpu.memory_space<vmem>> -> memref<128xi32, #tpu.memory_space<vmem>>
      %dma_start3A_311 = arith.constant 0 : i32
      %dma_start3A_312 = tpu.memref_slice %arg14[%dma_start3A_311] : memref<262144xf32, #tpu.memory_space<vmem_shared>> -> memref<262144xf32, #tpu.memory_space<vmem_shared>>
      tpu.enqueue_indirect_dma source(%dma_start3A_307 : memref<128xf32, #tpu.memory_space<vmem>>) target(%dma_start3A_312 : memref<262144xf32, #tpu.memory_space<vmem_shared>>) offsets(%dma_start3A_310 : memref<128xi32, #tpu.memory_space<vmem>>) semaphore(%arg17 : memref<!tpu.dma_semaphore, #tpu.memory_space<semaphore_mem>>) {add = true}
      %scan3A_313 = arith.constant 0 : i32
      %scan3A_314 = arith.constant 3 : i32
      %scan3A_315 = arith.addi %scan3A_276, %scan3A_314 : i32
      %rem3A_316 = arith.constant 32 : i32
      %rem3A_317 = arith.remsi %scan3A_315, %rem3A_316 : i32
      %mul3A_318 = arith.constant 128 : i32
      %mul3A_319 = arith.muli %rem3A_317, %mul3A_318 : i32
      %dma_start3A_320 = tpu.memref_slice %arg10[%mul3A_319] : memref<4096xf32, #tpu.memory_space<vmem>> -> memref<128xf32, #tpu.memory_space<vmem>>
      %dma_start3A_321 = arith.constant 0 : i32
      %dma_start3A_322 = tpu.memref_slice %arg6[%scan3A_315, %dma_start3A_321] : memref<128x128xi32, #tpu.memory_space<vmem>> -> memref<1x128xi32, #tpu.memory_space<vmem>>
      %dma_start3A_323 = tpu.memref_squeeze %dma_start3A_322 : memref<1x128xi32, #tpu.memory_space<vmem>> -> memref<128xi32, #tpu.memory_space<vmem>>
      %dma_start3A_324 = arith.constant 0 : i32
      %dma_start3A_325 = tpu.memref_slice %arg14[%dma_start3A_324] : memref<262144xf32, #tpu.memory_space<vmem_shared>> -> memref<262144xf32, #tpu.memory_space<vmem_shared>>
      tpu.enqueue_indirect_dma source(%dma_start3A_320 : memref<128xf32, #tpu.memory_space<vmem>>) target(%dma_start3A_325 : memref<262144xf32, #tpu.memory_space<vmem_shared>>) offsets(%dma_start3A_323 : memref<128xi32, #tpu.memory_space<vmem>>) semaphore(%arg17 : memref<!tpu.dma_semaphore, #tpu.memory_space<semaphore_mem>>) {add = true}
      %scan3A_326 = arith.constant 0 : i32
      scf.yield %scan3A_326 : i32
    }
    %scan3A_195 = arith.constant 128 : i32
    %dma_wait3A_196 = arith.constant 0 : i32
    %dma_wait3A_197 = tpu.memref_slice %arg5[%dma_wait3A_196, %mul3A_2] : memref<192x262144xf32, #tpu.memory_space<hbm>> -> memref<1x16384xf32, #tpu.memory_space<hbm>>
    %dma_wait3A_198 = tpu.memref_squeeze %dma_wait3A_197 : memref<1x16384xf32, #tpu.memory_space<hbm>> -> memref<16384xf32, #tpu.memory_space<hbm>>
    %dma_wait3A_199 = tpu.memref_slice %arg12[%mul3A_2] : memref<262144xf32, #tpu.memory_space<vmem_shared>> -> memref<16384xf32, #tpu.memory_space<vmem_shared>>
    tpu.wait_dma2 semaphore(%arg18 : memref<!tpu.dma_semaphore, #tpu.memory_space<semaphore_mem>>) src(%dma_wait3A_199 : memref<16384xf32, #tpu.memory_space<vmem_shared>>) dst(%dma_wait3A_198 : memref<16384xf32, #tpu.memory_space<hbm>>)
    "tpu.region"() ({
      %run_scoped3A_276 = tpu.sem_alloc : memref<!tpu.dma_semaphore, #tpu.memory_space<semaphore_mem>>
      %dma_start3A_277 = tpu.memref_slice %arg12[%mul3A_2] : memref<262144xf32, #tpu.memory_space<vmem_shared>> -> memref<16384xf32, #tpu.memory_space<vmem_shared>>
      %dma_start3A_278 = tpu.memref_slice %arg12[%mul3A_2] : memref<262144xf32, #tpu.memory_space<vmem_shared>> -> memref<16384xf32, #tpu.memory_space<vmem_shared>>
      tpu.enqueue_dma source(%arg11 : memref<16384xf32, #tpu.memory_space<vmem>>) target(%dma_start3A_278 : memref<16384xf32, #tpu.memory_space<vmem_shared>>) target_semaphore(%run_scoped3A_276 : memref<!tpu.dma_semaphore, #tpu.memory_space<semaphore_mem>>)
      %dma_wait3A_279 = tpu.memref_slice %arg12[%mul3A_2] : memref<262144xf32, #tpu.memory_space<vmem_shared>> -> memref<16384xf32, #tpu.memory_space<vmem_shared>>
      %dma_wait3A_280 = tpu.memref_slice %arg12[%mul3A_2] : memref<262144xf32, #tpu.memory_space<vmem_shared>> -> memref<16384xf32, #tpu.memory_space<vmem_shared>>
      tpu.wait_dma2 semaphore(%run_scoped3A_276 : memref<!tpu.dma_semaphore, #tpu.memory_space<semaphore_mem>>) src(%arg11 : memref<16384xf32, #tpu.memory_space<vmem>>) dst(%dma_wait3A_280 : memref<16384xf32, #tpu.memory_space<vmem_shared>>)
      tpu.yield
    }) : () -> ()
    %scan3A_200 = arith.constant 0 : i32
    %scan3A_201 = arith.constant 0 : i32
    %scan3A_202 = arith.constant 128 : i32
    %scan3A_203 = arith.addi %scan3A_201, %scan3A_202 : i32
    %scan3A_204 = arith.constant 4 : i32
    %scan3A_205 = scf.for %scan3A_276 = %scan3A_201 to %scan3A_203 step %scan3A_204 iter_args(%scan3A_277 = %scan3A_200) -> (i32)  : i32 {
      %rem3A = arith.constant 32 : i32
      %rem3A_278 = arith.remsi %scan3A_276, %rem3A : i32
      %mul3A_279 = arith.constant 128 : i32
      %mul3A_280 = arith.muli %rem3A_278, %mul3A_279 : i32
      %dma_wait3A_281 = tpu.memref_slice %arg9[%mul3A_280] : memref<4096xf32, #tpu.memory_space<vmem>> -> memref<128xf32, #tpu.memory_space<vmem>>
      %dma_wait3A_282 = arith.constant 0 : i32
      %dma_wait3A_283 = tpu.memref_slice %arg6[%scan3A_276, %dma_wait3A_282] : memref<128x128xi32, #tpu.memory_space<vmem>> -> memref<1x128xi32, #tpu.memory_space<vmem>>
      %dma_wait3A_284 = tpu.memref_squeeze %dma_wait3A_283 : memref<1x128xi32, #tpu.memory_space<vmem>> -> memref<128xi32, #tpu.memory_space<vmem>>
      %dma_wait3A_285 = arith.constant 0 : i32
      %dma_wait3A_286 = tpu.memref_slice %arg13[%dma_wait3A_285] : memref<262144xf32, #tpu.memory_space<vmem_shared>> -> memref<262144xf32, #tpu.memory_space<vmem_shared>>
      tpu.wait_indirect_dma semaphore(%arg16 : memref<!tpu.dma_semaphore, #tpu.memory_space<semaphore_mem>>) src(%dma_wait3A_281 : memref<128xf32, #tpu.memory_space<vmem>>) dst(%dma_wait3A_286 : memref<262144xf32, #tpu.memory_space<vmem_shared>>)
      %scan3A_287 = arith.constant 0 : i32
      %scan3A_288 = arith.constant 1 : i32
      %scan3A_289 = arith.addi %scan3A_276, %scan3A_288 : i32
      %rem3A_290 = arith.constant 32 : i32
      %rem3A_291 = arith.remsi %scan3A_289, %rem3A_290 : i32
      %mul3A_292 = arith.constant 128 : i32
      %mul3A_293 = arith.muli %rem3A_291, %mul3A_292 : i32
      %dma_wait3A_294 = tpu.memref_slice %arg9[%mul3A_293] : memref<4096xf32, #tpu.memory_space<vmem>> -> memref<128xf32, #tpu.memory_space<vmem>>
      %dma_wait3A_295 = arith.constant 0 : i32
      %dma_wait3A_296 = tpu.memref_slice %arg6[%scan3A_289, %dma_wait3A_295] : memref<128x128xi32, #tpu.memory_space<vmem>> -> memref<1x128xi32, #tpu.memory_space<vmem>>
      %dma_wait3A_297 = tpu.memref_squeeze %dma_wait3A_296 : memref<1x128xi32, #tpu.memory_space<vmem>> -> memref<128xi32, #tpu.memory_space<vmem>>
      %dma_wait3A_298 = arith.constant 0 : i32
      %dma_wait3A_299 = tpu.memref_slice %arg13[%dma_wait3A_298] : memref<262144xf32, #tpu.memory_space<vmem_shared>> -> memref<262144xf32, #tpu.memory_space<vmem_shared>>
      tpu.wait_indirect_dma semaphore(%arg16 : memref<!tpu.dma_semaphore, #tpu.memory_space<semaphore_mem>>) src(%dma_wait3A_294 : memref<128xf32, #tpu.memory_space<vmem>>) dst(%dma_wait3A_299 : memref<262144xf32, #tpu.memory_space<vmem_shared>>)
      %scan3A_300 = arith.constant 0 : i32
      %scan3A_301 = arith.constant 2 : i32
      %scan3A_302 = arith.addi %scan3A_276, %scan3A_301 : i32
      %rem3A_303 = arith.constant 32 : i32
      %rem3A_304 = arith.remsi %scan3A_302, %rem3A_303 : i32
      %mul3A_305 = arith.constant 128 : i32
      %mul3A_306 = arith.muli %rem3A_304, %mul3A_305 : i32
      %dma_wait3A_307 = tpu.memref_slice %arg9[%mul3A_306] : memref<4096xf32, #tpu.memory_space<vmem>> -> memref<128xf32, #tpu.memory_space<vmem>>
      %dma_wait3A_308 = arith.constant 0 : i32
      %dma_wait3A_309 = tpu.memref_slice %arg6[%scan3A_302, %dma_wait3A_308] : memref<128x128xi32, #tpu.memory_space<vmem>> -> memref<1x128xi32, #tpu.memory_space<vmem>>
      %dma_wait3A_310 = tpu.memref_squeeze %dma_wait3A_309 : memref<1x128xi32, #tpu.memory_space<vmem>> -> memref<128xi32, #tpu.memory_space<vmem>>
      %dma_wait3A_311 = arith.constant 0 : i32
      %dma_wait3A_312 = tpu.memref_slice %arg13[%dma_wait3A_311] : memref<262144xf32, #tpu.memory_space<vmem_shared>> -> memref<262144xf32, #tpu.memory_space<vmem_shared>>
      tpu.wait_indirect_dma semaphore(%arg16 : memref<!tpu.dma_semaphore, #tpu.memory_space<semaphore_mem>>) src(%dma_wait3A_307 : memref<128xf32, #tpu.memory_space<vmem>>) dst(%dma_wait3A_312 : memref<262144xf32, #tpu.memory_space<vmem_shared>>)
      %scan3A_313 = arith.constant 0 : i32
      %scan3A_314 = arith.constant 3 : i32
      %scan3A_315 = arith.addi %scan3A_276, %scan3A_314 : i32
      %rem3A_316 = arith.constant 32 : i32
      %rem3A_317 = arith.remsi %scan3A_315, %rem3A_316 : i32
      %mul3A_318 = arith.constant 128 : i32
      %mul3A_319 = arith.muli %rem3A_317, %mul3A_318 : i32
      %dma_wait3A_320 = tpu.memref_slice %arg9[%mul3A_319] : memref<4096xf32, #tpu.memory_space<vmem>> -> memref<128xf32, #tpu.memory_space<vmem>>
      %dma_wait3A_321 = arith.constant 0 : i32
      %dma_wait3A_322 = tpu.memref_slice %arg6[%scan3A_315, %dma_wait3A_321] : memref<128x128xi32, #tpu.memory_space<vmem>> -> memref<1x128xi32, #tpu.memory_space<vmem>>
      %dma_wait3A_323 = tpu.memref_squeeze %dma_wait3A_322 : memref<1x128xi32, #tpu.memory_space<vmem>> -> memref<128xi32, #tpu.memory_space<vmem>>
      %dma_wait3A_324 = arith.constant 0 : i32
      %dma_wait3A_325 = tpu.memref_slice %arg13[%dma_wait3A_324] : memref<262144xf32, #tpu.memory_space<vmem_shared>> -> memref<262144xf32, #tpu.memory_space<vmem_shared>>
      tpu.wait_indirect_dma semaphore(%arg16 : memref<!tpu.dma_semaphore, #tpu.memory_space<semaphore_mem>>) src(%dma_wait3A_320 : memref<128xf32, #tpu.memory_space<vmem>>) dst(%dma_wait3A_325 : memref<262144xf32, #tpu.memory_space<vmem_shared>>)
      %scan3A_326 = arith.constant 0 : i32
      scf.yield %scan3A_326 : i32
    }
    %scan3A_206 = arith.constant 128 : i32
    %barrier3A_207 = arith.constant 0 : index
    tpu.barrier barrier_id(%barrier3A_207)
    %sub3A = arith.constant 95 : i32
    %sub3A_208 = arith.constant 1 : i32
    %sub3A_209 = arith.subi %sub3A, %sub3A_208 : i32
    %mul3A_210 = arith.constant 96 : i32
    %mul3A_211 = arith.muli %arg0, %mul3A_210 : i32
    %add3A_212 = arith.addi %mul3A_211, %sub3A_209 : i32
    %dma_start3A_213 = tpu.memref_slice %arg5[%add3A_212, %mul3A_2] : memref<192x262144xf32, #tpu.memory_space<hbm>> -> memref<1x16384xf32, #tpu.memory_space<hbm>>
    %dma_start3A_214 = tpu.memref_squeeze %dma_start3A_213 : memref<1x16384xf32, #tpu.memory_space<hbm>> -> memref<16384xf32, #tpu.memory_space<hbm>>
    %dma_start3A_215 = tpu.memref_slice %arg13[%mul3A_2] : memref<262144xf32, #tpu.memory_space<vmem_shared>> -> memref<16384xf32, #tpu.memory_space<vmem_shared>>
    tpu.enqueue_dma source(%dma_start3A_215 : memref<16384xf32, #tpu.memory_space<vmem_shared>>) target(%dma_start3A_214 : memref<16384xf32, #tpu.memory_space<hbm>>) target_semaphore(%arg19 : memref<!tpu.dma_semaphore, #tpu.memory_space<semaphore_mem>>)
    %add3A_216 = arith.constant 95 : i32
    %add3A_217 = arith.constant 1 : i32
    %add3A_218 = arith.addi %add3A_216, %add3A_217 : i32
    %mul3A_219 = arith.constant 96 : i32
    %mul3A_220 = arith.muli %arg0, %mul3A_219 : i32
    %min3A_221 = arith.constant 95 : i32
    %min3A_222 = arith.minsi %add3A_218, %min3A_221 : i32
    %add3A_223 = arith.addi %mul3A_220, %min3A_222 : i32
    %dma_start3A_224 = arith.constant 0 : i32
    %dma_start3A_225 = arith.constant 0 : i32
    %dma_start3A_226 = tpu.memref_slice %arg7[%dma_start3A_224, %dma_start3A_225] : memref<2x4096xf32, #tpu.memory_space<vmem>> -> memref<1x4096xf32, #tpu.memory_space<vmem>>
    %dma_start3A_227 = tpu.memref_squeeze %dma_start3A_226 : memref<1x4096xf32, #tpu.memory_space<vmem>> -> memref<4096xf32, #tpu.memory_space<vmem>>
    %dma_start3A_228 = tpu.memref_slice %arg2[%add3A_223, %mul3A_0] : memref<192x65536xf32, #tpu.memory_space<hbm>> -> memref<1x4096xf32, #tpu.memory_space<hbm>>
    %dma_start3A_229 = tpu.memref_squeeze %dma_start3A_228 : memref<1x4096xf32, #tpu.memory_space<hbm>> -> memref<4096xf32, #tpu.memory_space<hbm>>
    %dma_start3A_230 = arith.constant 0 : i32
    %dma_start3A_231 = tpu.memref_slice %arg7[%dma_start3A_224, %dma_start3A_230] : memref<2x4096xf32, #tpu.memory_space<vmem>> -> memref<1x4096xf32, #tpu.memory_space<vmem>>
    %dma_start3A_232 = tpu.memref_squeeze %dma_start3A_231 : memref<1x4096xf32, #tpu.memory_space<vmem>> -> memref<4096xf32, #tpu.memory_space<vmem>>
    %dma_start3A_233 = tpu.memref_slice %arg2[%add3A_223, %mul3A_0] : memref<192x65536xf32, #tpu.memory_space<hbm>> -> memref<1x4096xf32, #tpu.memory_space<hbm>>
    %dma_start3A_234 = tpu.memref_squeeze %dma_start3A_233 : memref<1x4096xf32, #tpu.memory_space<hbm>> -> memref<4096xf32, #tpu.memory_space<hbm>>
    tpu.enqueue_dma source(%dma_start3A_234 : memref<4096xf32, #tpu.memory_space<hbm>>) target(%dma_start3A_232 : memref<4096xf32, #tpu.memory_space<vmem>>) target_semaphore(%arg21 : memref<!tpu.dma_semaphore, #tpu.memory_space<semaphore_mem>>)
    %dma_wait3A_235 = arith.constant 0 : i32
    %dma_wait3A_236 = arith.constant 0 : i32
    %dma_wait3A_237 = tpu.memref_slice %arg7[%dma_wait3A_235, %dma_wait3A_236] : memref<2x4096xf32, #tpu.memory_space<vmem>> -> memref<1x4096xf32, #tpu.memory_space<vmem>>
    %dma_wait3A_238 = tpu.memref_squeeze %dma_wait3A_237 : memref<1x4096xf32, #tpu.memory_space<vmem>> -> memref<4096xf32, #tpu.memory_space<vmem>>
    %dma_wait3A_239 = tpu.memref_slice %arg2[%add3A_223, %mul3A_0] : memref<192x65536xf32, #tpu.memory_space<hbm>> -> memref<1x4096xf32, #tpu.memory_space<hbm>>
    %dma_wait3A_240 = tpu.memref_squeeze %dma_wait3A_239 : memref<1x4096xf32, #tpu.memory_space<hbm>> -> memref<4096xf32, #tpu.memory_space<hbm>>
    %dma_wait3A_241 = arith.constant 0 : i32
    %dma_wait3A_242 = tpu.memref_slice %arg7[%dma_wait3A_235, %dma_wait3A_241] : memref<2x4096xf32, #tpu.memory_space<vmem>> -> memref<1x4096xf32, #tpu.memory_space<vmem>>
    %dma_wait3A_243 = tpu.memref_squeeze %dma_wait3A_242 : memref<1x4096xf32, #tpu.memory_space<vmem>> -> memref<4096xf32, #tpu.memory_space<vmem>>
    %dma_wait3A_244 = tpu.memref_slice %arg2[%add3A_223, %mul3A_0] : memref<192x65536xf32, #tpu.memory_space<hbm>> -> memref<1x4096xf32, #tpu.memory_space<hbm>>
    %dma_wait3A_245 = tpu.memref_squeeze %dma_wait3A_244 : memref<1x4096xf32, #tpu.memory_space<hbm>> -> memref<4096xf32, #tpu.memory_space<hbm>>
    tpu.wait_dma2 semaphore(%arg21 : memref<!tpu.dma_semaphore, #tpu.memory_space<semaphore_mem>>) src(%dma_wait3A_245 : memref<4096xf32, #tpu.memory_space<hbm>>) dst(%dma_wait3A_243 : memref<4096xf32, #tpu.memory_space<vmem>>)
    %scan3A_246 = arith.constant 0 : i32
    %scan3A_247 = arith.constant 0 : i32
    %scan3A_248 = arith.constant 256 : i32
    %scan3A_249 = arith.addi %scan3A_247, %scan3A_248 : i32
    %scan3A_250 = arith.constant 1 : i32
    %scan3A_251 = scf.for %scan3A_276 = %scan3A_247 to %scan3A_249 step %scan3A_250 iter_args(%scan3A_277 = %scan3A_246) -> (i32)  : i32 {
      %mul3A_278 = arith.constant 16 : i32
      %mul3A_279 = arith.muli %scan3A_276, %mul3A_278 : i32
      %get3A = arith.constant 0 : i32
      %get3A_280 = arith.index_cast %get3A : i32 to index
      %get3A_281 = arith.index_cast %mul3A_279 : i32 to index
      %get3A_282 = tpu.vector_load %arg7[%get3A_280, %get3A_281] {strides = array<i32>} : memref<2x4096xf32, #tpu.memory_space<vmem>>, vector<1x16xf32>,
      %get3A_283 = vector.shape_cast %get3A_282 : vector<1x16xf32> to vector<16xf32>
      %mul3A_284 = arith.constant 2.500000e-01 : f32
      %mul3A_285 = vector.broadcast %mul3A_284 : f32 to vector<16xf32>
      %mul3A_286 = arith.mulf %get3A_283, %mul3A_285 : vector<16xf32>
      %mul3A_287 = arith.constant 16 : i32
      %mul3A_288 = arith.muli %scan3A_276, %mul3A_287 : i32
      %swap3A = arith.index_cast %mul3A_288 : i32 to index
      %swap3A_289 = tpu.vector_load %arg8[%swap3A] {strides = array<i32>} : memref<4096xf32, #tpu.memory_space<vmem>>, vector<16xf32>,
      %swap3A_290 = vector.shape_cast %swap3A_289 : vector<16xf32> to vector<16xf32>
      %swap3A_291 = vector.shape_cast %mul3A_286 : vector<16xf32> to vector<16xf32>
      tpu.vector_store %arg8[%swap3A], %swap3A_291 {strides = array<i32>} : memref<4096xf32, #tpu.memory_space<vmem>>, vector<16xf32>,
      %scan3A_292 = arith.constant 0 : i32
      scf.yield %scan3A_292 : i32
    }
    %scan3A_252 = arith.constant 256 : i32
    %scan3A_253 = arith.constant 0 : i32
    %scan3A_254 = arith.constant 0 : i32
    %scan3A_255 = arith.constant 128 : i32
    %scan3A_256 = arith.addi %scan3A_254, %scan3A_255 : i32
    %scan3A_257 = arith.constant 4 : i32
    %scan3A_258 = scf.for %scan3A_276 = %scan3A_254 to %scan3A_256 step %scan3A_257 iter_args(%scan3A_277 = %scan3A_253) -> (i32)  : i32 {
      %rem3A = arith.constant 32 : i32
      %rem3A_278 = arith.remsi %scan3A_276, %rem3A : i32
      %mul3A_279 = arith.constant 128 : i32
      %mul3A_280 = arith.muli %rem3A_278, %mul3A_279 : i32
      %dma_wait3A_281 = tpu.memref_slice %arg10[%mul3A_280] : memref<4096xf32, #tpu.memory_space<vmem>> -> memref<128xf32, #tpu.memory_space<vmem>>
      %dma_wait3A_282 = arith.constant 0 : i32
      %dma_wait3A_283 = tpu.memref_slice %arg6[%scan3A_276, %dma_wait3A_282] : memref<128x128xi32, #tpu.memory_space<vmem>> -> memref<1x128xi32, #tpu.memory_space<vmem>>
      %dma_wait3A_284 = tpu.memref_squeeze %dma_wait3A_283 : memref<1x128xi32, #tpu.memory_space<vmem>> -> memref<128xi32, #tpu.memory_space<vmem>>
      %dma_wait3A_285 = arith.constant 0 : i32
      %dma_wait3A_286 = tpu.memref_slice %arg14[%dma_wait3A_285] : memref<262144xf32, #tpu.memory_space<vmem_shared>> -> memref<262144xf32, #tpu.memory_space<vmem_shared>>
      tpu.wait_indirect_dma semaphore(%arg17 : memref<!tpu.dma_semaphore, #tpu.memory_space<semaphore_mem>>) src(%dma_wait3A_281 : memref<128xf32, #tpu.memory_space<vmem>>) dst(%dma_wait3A_286 : memref<262144xf32, #tpu.memory_space<vmem_shared>>)
      %scan3A_287 = arith.constant 0 : i32
      %scan3A_288 = arith.constant 1 : i32
      %scan3A_289 = arith.addi %scan3A_276, %scan3A_288 : i32
      %rem3A_290 = arith.constant 32 : i32
      %rem3A_291 = arith.remsi %scan3A_289, %rem3A_290 : i32
      %mul3A_292 = arith.constant 128 : i32
      %mul3A_293 = arith.muli %rem3A_291, %mul3A_292 : i32
      %dma_wait3A_294 = tpu.memref_slice %arg10[%mul3A_293] : memref<4096xf32, #tpu.memory_space<vmem>> -> memref<128xf32, #tpu.memory_space<vmem>>
      %dma_wait3A_295 = arith.constant 0 : i32
      %dma_wait3A_296 = tpu.memref_slice %arg6[%scan3A_289, %dma_wait3A_295] : memref<128x128xi32, #tpu.memory_space<vmem>> -> memref<1x128xi32, #tpu.memory_space<vmem>>
      %dma_wait3A_297 = tpu.memref_squeeze %dma_wait3A_296 : memref<1x128xi32, #tpu.memory_space<vmem>> -> memref<128xi32, #tpu.memory_space<vmem>>
      %dma_wait3A_298 = arith.constant 0 : i32
      %dma_wait3A_299 = tpu.memref_slice %arg14[%dma_wait3A_298] : memref<262144xf32, #tpu.memory_space<vmem_shared>> -> memref<262144xf32, #tpu.memory_space<vmem_shared>>
      tpu.wait_indirect_dma semaphore(%arg17 : memref<!tpu.dma_semaphore, #tpu.memory_space<semaphore_mem>>) src(%dma_wait3A_294 : memref<128xf32, #tpu.memory_space<vmem>>) dst(%dma_wait3A_299 : memref<262144xf32, #tpu.memory_space<vmem_shared>>)
      %scan3A_300 = arith.constant 0 : i32
      %scan3A_301 = arith.constant 2 : i32
      %scan3A_302 = arith.addi %scan3A_276, %scan3A_301 : i32
      %rem3A_303 = arith.constant 32 : i32
      %rem3A_304 = arith.remsi %scan3A_302, %rem3A_303 : i32
      %mul3A_305 = arith.constant 128 : i32
      %mul3A_306 = arith.muli %rem3A_304, %mul3A_305 : i32
      %dma_wait3A_307 = tpu.memref_slice %arg10[%mul3A_306] : memref<4096xf32, #tpu.memory_space<vmem>> -> memref<128xf32, #tpu.memory_space<vmem>>
      %dma_wait3A_308 = arith.constant 0 : i32
      %dma_wait3A_309 = tpu.memref_slice %arg6[%scan3A_302, %dma_wait3A_308] : memref<128x128xi32, #tpu.memory_space<vmem>> -> memref<1x128xi32, #tpu.memory_space<vmem>>
      %dma_wait3A_310 = tpu.memref_squeeze %dma_wait3A_309 : memref<1x128xi32, #tpu.memory_space<vmem>> -> memref<128xi32, #tpu.memory_space<vmem>>
      %dma_wait3A_311 = arith.constant 0 : i32
      %dma_wait3A_312 = tpu.memref_slice %arg14[%dma_wait3A_311] : memref<262144xf32, #tpu.memory_space<vmem_shared>> -> memref<262144xf32, #tpu.memory_space<vmem_shared>>
      tpu.wait_indirect_dma semaphore(%arg17 : memref<!tpu.dma_semaphore, #tpu.memory_space<semaphore_mem>>) src(%dma_wait3A_307 : memref<128xf32, #tpu.memory_space<vmem>>) dst(%dma_wait3A_312 : memref<262144xf32, #tpu.memory_space<vmem_shared>>)
      %scan3A_313 = arith.constant 0 : i32
      %scan3A_314 = arith.constant 3 : i32
      %scan3A_315 = arith.addi %scan3A_276, %scan3A_314 : i32
      %rem3A_316 = arith.constant 32 : i32
      %rem3A_317 = arith.remsi %scan3A_315, %rem3A_316 : i32
      %mul3A_318 = arith.constant 128 : i32
      %mul3A_319 = arith.muli %rem3A_317, %mul3A_318 : i32
      %dma_wait3A_320 = tpu.memref_slice %arg10[%mul3A_319] : memref<4096xf32, #tpu.memory_space<vmem>> -> memref<128xf32, #tpu.memory_space<vmem>>
      %dma_wait3A_321 = arith.constant 0 : i32
      %dma_wait3A_322 = tpu.memref_slice %arg6[%scan3A_315, %dma_wait3A_321] : memref<128x128xi32, #tpu.memory_space<vmem>> -> memref<1x128xi32, #tpu.memory_space<vmem>>
      %dma_wait3A_323 = tpu.memref_squeeze %dma_wait3A_322 : memref<1x128xi32, #tpu.memory_space<vmem>> -> memref<128xi32, #tpu.memory_space<vmem>>
      %dma_wait3A_324 = arith.constant 0 : i32
      %dma_wait3A_325 = tpu.memref_slice %arg14[%dma_wait3A_324] : memref<262144xf32, #tpu.memory_space<vmem_shared>> -> memref<262144xf32, #tpu.memory_space<vmem_shared>>
      tpu.wait_indirect_dma semaphore(%arg17 : memref<!tpu.dma_semaphore, #tpu.memory_space<semaphore_mem>>) src(%dma_wait3A_320 : memref<128xf32, #tpu.memory_space<vmem>>) dst(%dma_wait3A_325 : memref<262144xf32, #tpu.memory_space<vmem_shared>>)
      %scan3A_326 = arith.constant 0 : i32
      scf.yield %scan3A_326 : i32
    }
    %scan3A_259 = arith.constant 128 : i32
    %barrier3A_260 = arith.constant 0 : index
    tpu.barrier barrier_id(%barrier3A_260)
    %mul3A_261 = arith.constant 96 : i32
    %mul3A_262 = arith.muli %arg0, %mul3A_261 : i32
    %add3A_263 = arith.constant 95 : i32
    %add3A_264 = arith.addi %mul3A_262, %add3A_263 : i32
    %dma_start3A_265 = tpu.memref_slice %arg5[%add3A_264, %mul3A_2] : memref<192x262144xf32, #tpu.memory_space<hbm>> -> memref<1x16384xf32, #tpu.memory_space<hbm>>
    %dma_start3A_266 = tpu.memref_squeeze %dma_start3A_265 : memref<1x16384xf32, #tpu.memory_space<hbm>> -> memref<16384xf32, #tpu.memory_space<hbm>>
    %dma_start3A_267 = tpu.memref_slice %arg14[%mul3A_2] : memref<262144xf32, #tpu.memory_space<vmem_shared>> -> memref<16384xf32, #tpu.memory_space<vmem_shared>>
    tpu.enqueue_dma source(%dma_start3A_267 : memref<16384xf32, #tpu.memory_space<vmem_shared>>) target(%dma_start3A_266 : memref<16384xf32, #tpu.memory_space<hbm>>) target_semaphore(%arg20 : memref<!tpu.dma_semaphore, #tpu.memory_space<semaphore_mem>>)
    %dma_wait3A_268 = arith.constant 0 : i32
    %dma_wait3A_269 = tpu.memref_slice %arg5[%dma_wait3A_268, %mul3A_2] : memref<192x262144xf32, #tpu.memory_space<hbm>> -> memref<1x16384xf32, #tpu.memory_space<hbm>>
    %dma_wait3A_270 = tpu.memref_squeeze %dma_wait3A_269 : memref<1x16384xf32, #tpu.memory_space<hbm>> -> memref<16384xf32, #tpu.memory_space<hbm>>
    %dma_wait3A_271 = tpu.memref_slice %arg13[%mul3A_2] : memref<262144xf32, #tpu.memory_space<vmem_shared>> -> memref<16384xf32, #tpu.memory_space<vmem_shared>>
    tpu.wait_dma2 semaphore(%arg19 : memref<!tpu.dma_semaphore, #tpu.memory_space<semaphore_mem>>) src(%dma_wait3A_271 : memref<16384xf32, #tpu.memory_space<vmem_shared>>) dst(%dma_wait3A_270 : memref<16384xf32, #tpu.memory_space<hbm>>)
    %dma_wait3A_272 = arith.constant 0 : i32
    %dma_wait3A_273 = tpu.memref_slice %arg5[%dma_wait3A_272, %mul3A_2] : memref<192x262144xf32, #tpu.memory_space<hbm>> -> memref<1x16384xf32, #tpu.memory_space<hbm>>
    %dma_wait3A_274 = tpu.memref_squeeze %dma_wait3A_273 : memref<1x16384xf32, #tpu.memory_space<hbm>> -> memref<16384xf32, #tpu.memory_space<hbm>>
    %dma_wait3A_275 = tpu.memref_slice %arg14[%mul3A_2] : memref<262144xf32, #tpu.memory_space<vmem_shared>> -> memref<16384xf32, #tpu.memory_space<vmem_shared>>
    tpu.wait_dma2 semaphore(%arg20 : memref<!tpu.dma_semaphore, #tpu.memory_space<semaphore_mem>>) src(%dma_wait3A_275 : memref<16384xf32, #tpu.memory_space<vmem_shared>>) dst(%dma_wait3A_274 : memref<16384xf32, #tpu.memory_space<hbm>>)
    return
  }
}

</mosaic_0001>

<sc_bundles>
// kernel: kernel.3.cloned.1.call-start
scs
__scs_entry_jumppad:
0x0: {  	(pc) =	sbr.rel $0x88, $3  }
0x1: {  	(tag) =	ssettag $0x0;
	lr =	simm.s32 $0x1  }
0x2: {  	[smem:$0x3F9F] =	sst lr;
	_ =	strace $0xD0000000  }
0x3: {  	_ = 	snop  }
0x4: {  	_ = 	snop  }
0x5: {  	_ = 	snop  }
0x6: {  	_ = 	snop  }
0x7: {  	_ = 	snop  }
__scs_overlays_trampoline_lowered:
0x8: {  	[smem:$0x3FAE] =	sst s0  }
0x9: {  	[smem:$0x3FAF] =	sst s1  }
0xa: {  	[smem:$0x3FB0] =	sst s2  }
0xb: {  	[smem:$0x3FB1] =	sst s3  }
0xc: {  	[smem:$0x3FB2] =	sst s4  }
0xd: {  	[smem:$0x3FB3] =	sst s5  }
0xe: {  	[smem:$0x3FB4] =	sst s6  }
0xf: {  	[smem:$0x3FB5] =	sst s7  }
0x10: {  	[smem:$0x3FB6] =	sst s8  }
0x11: {  	[smem:$0x3FB7] =	sst s9;
	s0 =	simm.s32 @!p0 $0x0  }
0x12: {  	s1 =	sld [smem:$0x3F9D];
	s0 =	simm.s32 @p0 $0x1  }
0x13: {  	[smem:$0x3FB8] =	sst s0;
	s0 =	simm.s32 @!p1 $0x0  }
0x14: {  	s2 =	sld [smem:$0x3F9C];
	s0 =	simm.s32 @p1 $0x1  }
0x15: {  	[smem:$0x3FB9] =	sst s0;
	s0 =	simm.s32 @!p2 $0x0  }
0x16: {  	s3 =	sld [smem:$0x3FDB];
	s0 =	simm.s32 @p2 $0x1  }
0x17: {  	s4 =	simm.s32 $0x1BF5;
	[smem:$0x3FBB] =	sst s0  }
0x18: {  	s0 =	sld [smem:$0x3F9E];
	_ =	swait.ge [sflag:s4], $0x0  }
0x19: {  	s7 =	sld [smem:$0x3F9F]  }
0x1a: {  	s8 =	sadd.s32 $0xFFFFE003, lr  }
0x1b: {  	s9 =	sadd.s32 $0xFFFFFEF7, lr;
	s5 =	simm.s32 $0xFFFFFFFF;
	p2 =	slt.u32 s8, $0xFFFFF086  }
0x1c: {  	p1 =	slt.u32 s9, $0xF7A;
	s5 =	simm.s32 @!p2 $0x0  }
0x1d: {  	s5 =	simm.s32 @p1 $0x1;
	p0 =	seq.s32 s7, s2  }
0x1e: {  	s7 =	smul.u32 @!p0 $0xF7A, s2;
	p2 =	seq.s32 @!p0 s5, $0x0  }
0x1f: {  	s9 =	smul.u32 $0xF7A, s1;
	s8 =	simm.s32 @!p0 $0x1BF5;
	p2 =	por !p2, p0  }
0x20: {  	[sflag:s8] =	ssyncset.s32 @!p0 $0xFFFFF086;
	s6 =	sadd.s32 @!p0 s3, s7;
	s7 =	simm.s32 @!p0 $0x108  }
0x21: {  	s3 =	sadd.s32 s3, s9;
	s6 =	sadd.s32 @!p0 $0x88, s6;
	s7 =	simm.s32 @p2 $0x1082  }
0x22: {  	[simem:s7], [sflag:s8] =	dma.local @!p0 [hbm:s6], $0xF7A  }
0x23: {  	s9 =	sor.u32 $0xD0000000, s2;
	s6 =	simm.s32 $0x108;
	_ =	swait.ge @!p0 [sflag:s8], $0x0  }
0x24: {  	s3 =	sadd.s32 $0x88, s3;
	s6 =	simm.s32 @!p1 $0x1082;
	[sflag:s4] =	ssyncset.s32 $0xFFFFF086  }
0x25: {  	[simem:s6], [sflag:s4] =	dma.local [hbm:s3], $0xF7A  }
0x26: {  	[smem:$0x3F9F] =	sst s1;
	(tag) =	ssettag s2;
	_ =	strace s9  }
0x27: {  	s1 =	sld [smem:$0x3FAF]  }
0x28: {  	s2 =	sld [smem:$0x3FB0]  }
0x29: {  	s4 =	sld [smem:$0x3FB2]  }
0x2a: {  	p0 =	seq.s32 s5, $0x0;
	s5 =	sld [smem:$0x3FB3]  }
0x2b: {  	s6 =	sld [smem:$0x3FB4]  }
0x2c: {  	s7 =	sld [smem:$0x3FB5]  }
0x2d: {  	s3 =	simm.s32 $0x108;
	s8 =	sld [smem:$0x3FB6]  }
0x2e: {  	s3 =	simm.s32 @!p0 $0x1082;
	s9 =	sld [smem:$0x3FB7]  }
0x2f: {  	lr =	sadd.s32 s0, s3;
	s0 =	sld [smem:$0x3FAE]  }
0x30: {  	s3 =	sld [smem:$0x3FB1]  }
0x31: {  	[smem:$0x3FBA] =	sst s10  }
0x32: {  	s10 =	sld [smem:$0x3FB8];
	_ =	sdelay $0x3  }
0x33: {  	p0 =	seq.s32 s10, $0x1;
	s10 =	sld [smem:$0x3FBA];
	_ =	sdelay $0x3  }
0x34: {  	[smem:$0x3FBA] =	sst s10  }
0x35: {  	s10 =	sld [smem:$0x3FB9];
	_ =	sdelay $0x3  }
0x36: {  	p1 =	seq.s32 s10, $0x1;
	s10 =	sld [smem:$0x3FBA];
	_ =	sdelay $0x3  }
0x37: {  	[smem:$0x3FBA] =	sst s10  }
0x38: {  	s10 =	sld [smem:$0x3FBB]  }
0x39: {  	_ = 	snop;
	(pc) =	sbr.ind lr, $3  }
0x3a: {  	_ = 	snop  }
0x3b: {  	_ = 	snop  }
0x3c: {  	p2 =	seq.s32 s10, $0x1;
	s10 =	sld [smem:$0x3FBA]  }
0x3d: {  	_ =	shalt  }
0x3e: {  	_ =	shalt  }
0x3f: {  	_ =	shalt  }
0x40: {  	_ =	shalt  }
0x41: {  	_ =	shalt  }
0x42: {  	_ =	shalt  }
0x43: {  	_ =	shalt  }
0x44: {  	_ =	shalt  }
0x45: {  	_ =	shalt  }
0x46: {  	_ =	shalt  }
0x47: {  	_ =	shalt  }
0x48: {  	_ =	shalt  }
0x49: {  	_ =	shalt  }
0x4a: {  	_ =	shalt  }
0x4b: {  	_ =	shalt  }
0x4c: {  	_ =	shalt  }
0x4d: {  	_ =	shalt  }
0x4e: {  	_ =	shalt  }
0x4f: {  	_ =	shalt  }
0x50: {  	_ =	shalt  }
0x51: {  	_ =	shalt  }
0x52: {  	_ =	shalt  }
0x53: {  	_ =	shalt  }
0x54: {  	_ =	shalt  }
0x55: {  	_ =	shalt  }
0x56: {  	_ =	shalt  }
0x57: {  	_ =	shalt  }
0x58: {  	_ =	shalt  }
0x59: {  	_ =	shalt  }
0x5a: {  	_ =	shalt  }
0x5b: {  	_ =	shalt  }
0x5c: {  	_ =	shalt  }
0x5d: {  	_ =	shalt  }
0x5e: {  	_ =	shalt  }
0x5f: {  	_ =	shalt  }
0x60: {  	_ =	shalt  }
0x61: {  	_ =	shalt  }
0x62: {  	_ =	shalt  }
0x63: {  	_ =	shalt  }
0x64: {  	_ =	shalt  }
0x65: {  	_ =	shalt  }
0x66: {  	_ =	shalt  }
0x67: {  	_ =	shalt  }
0x68: {  	_ =	shalt  }
0x69: {  	_ =	shalt  }
0x6a: {  	_ =	shalt  }
0x6b: {  	_ =	shalt  }
0x6c: {  	_ =	shalt  }
0x6d: {  	_ =	shalt  }
0x6e: {  	_ =	shalt  }
0x6f: {  	_ =	shalt  }
0x70: {  	_ =	shalt  }
0x71: {  	_ =	shalt  }
0x72: {  	_ =	shalt  }
0x73: {  	_ =	shalt  }
0x74: {  	_ =	shalt  }
0x75: {  	_ =	shalt  }
0x76: {  	_ =	shalt  }
0x77: {  	_ =	shalt  }
0x78: {  	_ =	shalt  }
0x79: {  	_ =	shalt  }
0x7a: {  	_ =	shalt  }
0x7b: {  	_ =	shalt  }
0x7c: {  	_ =	shalt  }
0x7d: {  	_ =	shalt  }
0x7e: {  	_ =	shalt  }
0x7f: {  	_ =	shalt  }
0x80: {  	_ =	shalt  }
0x81: {  	_ =	shalt  }
0x82: {  	_ =	shalt  }
0x83: {  	_ =	shalt  }
0x84: {  	_ =	shalt  }
0x85: {  	_ =	shalt  }
0x86: {  	_ =	shalt  }
0x87: {  	_ =	shalt  }
.Lfunc_end0:
.L_simem_size_0:
called_computation.2_lowered:
.L_overlay_start_0:
0x88: {  	s2 =	sld [smem:$0x3FD9]  }
0x89: {  	s3 =	sld [smem:$0x3FFE];
	_ =	sdelay $0x1  }
0x8a: {  	s1 =	srdreg.scid  }
0x8b: {  	s0 =	sand.u32 $0x1, s1  }
0x8c: {  	s17 =	sshll.u32 s0, $0xA;
	s2 =	sadd.s32 s3, s2  }
0x8d: {  	s2 =	sadd.s32 s2, s17  }
0x8e: {  	[smem:$0x3FC6] =	sst s2  }
0x8f: {  	_ = 	snop  }
0x90: {  	s2 =	sld [smem:$0x3FD0];
	(tm) =	ssettm $0x1  }
0x91: {  	s18 =	sld [smem:$0x3FFB];
	_ =	sdelay $0x3  }
0x92: {  	_ =	strace s18  }
0x93: {  	s3 =	sld [smem:$0x3FFC];
	_ =	sdelay $0x3  }
0x94: {  	_ =	strace s3  }
0x95: {  	s3 =	sld [smem:$0x3FFD];
	_ =	sdelay $0x3  }
0x96: {  	_ =	strace s3  }
0x97: {  	_ =	strace $0x8FFFFFFF  }
0x98: {  	s19 =	sld [smem:$0x3FDB];
	_ =	sdelay $0x1  }
0x99: {  	s4 =	simm.s32 $_scs_section_size  }
0x9a: {  	s5 =	simm.s32 $_size__tile_overlayer_lowered;
	s6 =	simm.s32 $_tile_overlayer_lowered  }
0x9b: {  	s22 =	simm.s32 $0x1BFF;
	s21 =	sshll.u32 s6, $0x1;
	s3 =	sadd.s32 s4, s19  }
0x9c: {  	s7 =	simm.s32 $0x0;
	s20 =	sshll.u32 s5, $0x1;
	s5 =	sadd.s32 s21, s3  }
0x9d: {  	[timem:s7], [sflag:s22] =	dma.local [hbm:s5], s20  }
0x9e: {  	_ =	swait.ge [sflag:s22], s20  }
0x9f: {  	s4 =	ssub.s32 $0x0, s20;
	[sflag:s22] =	ssyncset.done $0x0  }
0xa0: {  	[sflag:s22] =	ssyncadd.s32 s4;
	_ =	sdelay $0x1  }
0xa1: {  	s23 =	simm.s32 $0x1B8B  }
0xa2: {  	_ =	swait.ge [sflag:s23], $0x1  }
0xa3: {  	[sflag:s23] =	ssyncset.done $0x0  }
0xa4: {  	s25 =	simm.s32 $0x1B8E;
	s24 =	sld [smem:$0x3FFE];
	[sflag:s23] =	ssyncadd.s32 $0xFFFFFFFF  }
0xa5: {  	s26 =	simm.s32 $execute0_lowered;
	[smem:$0x3FD2] =	sst s25  }
0xa6: {  	s5 =	sshll.u32 s26, $0x1;
	_ =	strace $0x80000049;
	[dreg:$0x1] =	wrdreg $0xFFFFFFFF  }
0xa7: {  	s28 =	simm.s32 $_size_execute0_lowered;
	s3 =	sadd.s32 s3, s5;
	[dreg:$0x0] =	wrdreg $0x0  }
0xa8: {  	s5 =	sshll.u32 s28, $0x1;
	[dreg:$0x2] =	wrdreg s3  }
0xa9: {  	[dreg:$0x3] =	wrdreg s5  }
0xaa: {  	[dreg:$0x4] =	wrdreg $0xC0  }
0xab: {  	_ =	task [dreg:s7], $0x5FFFF  }
0xac: {  	[dreg:$0x1] =	wrdreg $0xFFFFFFFF  }
0xad: {  	[dreg:$0x0] =	wrdreg $0x60  }
0xae: {  	[dreg:$0x2] =	wrdreg s2  }
0xaf: {  	[dreg:$0x3] =	wrdreg s24  }
0xb0: {  	[dreg:$0x4] =	wrdreg $0xD0000  }
0xb1: {  	[dreg:$0x5] =	wrdreg $0x110000  }
0xb2: {  	[dreg:$0x6] =	wrdreg $0x150000  }
0xb3: {  	[dreg:$0x7] =	wrdreg $0x9  }
0xb4: {  	_ =	task.clear_ibuf [dreg:s7], $0x8FFFF;
	_ =	strace $0x90000049  }
0xb5: {  	s29 =	simm.s32 $0x9;
	_ =	strace $0x8000004B  }
0xb6: {  	_ =	swait.ge [sflag:s29], $0x1  }
0xb7: {  	[sflag:s29] =	ssyncadd.s32 $0xFFFFFFFF  }
0xb8: {  	_ =	strace $0x9000004B  }
0xb9: {  	_ =	sfence  }
0xba: {  	s30 =	sld [smem:$0x0];
	_ =	sdelay $0x2  }
0xbb: {  	s31 =	sshll.u32 s1, $0xD;
	s1 =	sshrl.u32 s1, $0x2  }
0xbc: {  	s3 =	sand.u32 $0x4000, s31;
	s1 =	sadd.s32 s1, s30  }
0xbd: {  	s0 =	sor.u32 s3, s0;
	s1 =	sshll.u32 s1, $0x11  }
0xbe: {  	s0 =	sor.u32 s1, s0  }
0xbf: {  	s0 =	sadd.s32 $0x8F2B, s0  }
0xc0: {  	[sflag:s0] =	ssyncadd.remote.s32 $0x1  }
0xc1: {  	_ =	sfence.sel $0xFFFF  }
0xc2: {  	[dreg:$0x0] =	wrdreg $0xFFFFFFFF;
	(pc) =	sbr.abs _section_cstart, $3  }
0xc3: {  	[dreg:$0x1] =	wrdreg $0xFFFFFFFF  }
0xc4: {  	_ =	task.clear_ibuf [dreg:s7], $0x2FFFF;
	_ =	strace $0x9FFFFFFF  }
0xc5: {  	(tm) =	ssettm $0x7FFFFFFF  }
tec
execute0_lowered:
.L_overlay_start_1:
0x0: {  	(tag) =	ssettag $0x1  }
0x1: {  	s17 =	rddreg [dreg:$0x0]  }
0x2: {  	s0 =	rddreg [dreg:$0x1]  }
0x3: {  	s2 =	rddreg [dreg:$0x2]  }
0x4: {  	s3 =	rddreg [dreg:$0x3]  }
0x5: {  	s4 =	rddreg [dreg:$0x4];
	s5 =	simm.s32 $0x0;
	s1 =	srdreg.scid  }
0x6: {  	s18 =	stileid.u32;
	[smem:$0x7FF] =	sst s5  }
0x7: {  	s6 =	sadd.s32 $0x9000, s0;
	s1 =	sand.u32 $0x1, s1;
	s7 =	sadd.s32 $0x1000, s0  }
0x8: {  	s19 =	sadd.s32 $0x11000, s0;
	s13 =	sshll.u32 s18, $0xB;
	s20 =	sshll.u32 s18, $0xF  }
0x9: {  	s24 =	sshll.u32 s18, $0xE;
	s18 =	sshll.u32 s18, $0x11;
	_ =	strace $0x8000004A  }
0xa: {  	s8 =	ssub.s32 $0x2, s1;
	s22 =	sor.u32 $0x10, s13;
	s9 =	sadd.s32 s6, s13  }
0xb: {  	s10 =	sadd.s32 s7, s13;
	s23 =	sor.u32 $0x20, s13;
	s25 =	smul.u32 $0x600000, s1  }
0xc: {  	s16 =	sor.u32 $0x30, s13;
	s28 =	smul.u32 $0x1800000, s1;
	[dreg:$0x7] =	wrdreg s20  }
0xd: {  	s26 =	sadd.s32 s24, s2;
	s31 =	smul.u32 $0x60, s1;
	[dreg:$0x8] =	wrdreg s18  }
0xe: {  	[dreg:$0x6] =	wrdreg s19;
	s21 =	sshrl.u32 s8, $0x1;
	s11 =	sadd.s32 s6, s22  }
0xf: {  	s12 =	sadd.s32 s7, s22;
	s13 =	sadd.s32 s6, s23;
	s14 =	sadd.s32 s7, s23  }
0x10: {  	s15 =	sadd.s32 s6, s16;
	[dreg:$0x9] =	wrdreg s26;
	s6 =	sadd.s32 s24, s4  }
0x11: {  	s16 =	sadd.s32 s7, s16;
	s0 =	ssub.s32 s8, s21;
	[dreg:$0xc] =	wrdreg s6  }
0x12: {  	s21 =	sadd.s32 s24, s3;
	s23 =	sor.u32 s20, s25;
	[dreg:$0xb] =	wrdreg s31  }
0x13: {  	s24 =	sor.u32 s18, s28;
	s26 =	sadd.s32 $0x58, s31;
	[dreg:$0xa] =	wrdreg s21  }
0x14: {  	s1 =	sshrl.u32 s23, $0x3;
	s25 =	sshrl.u32 s24, $0x3;
	s28 =	sshll.u32 s26, $0x10  }
0x15: {  	s7 =	sshll.u32 s26, $0x12;
	s6 =	sadd.s32 $0x1600000, s24;
	s0 =	smax.u32 s0, $0x1  }
0x16: {  	s23 =	simm.s32 $0x80;
	s24 =	simm.s32 $0x1;
	s26 =	simm.s32 $0x3  }
0x17: {  	s22 =	sadd.s32 s17, s1;
	s1 =	sadd.s32 s19, s25;
	s7 =	sor.u32 s18, s7  }
0x18: {  	s6 =	sshrl.u32 s6, $0x3;
	[dreg:$0x10] =	wrdreg s0;
	s18 =	simm.s32 $0x2  }
0x19: {  	[dreg:$0xd] =	wrdreg s1;
	s1 =	sor.u32 s20, s28;
	s7 =	sshrl.u32 s7, $0x3  }
0x1a: {  	s6 =	sadd.s32 s6, s19;
	s29 =	sadd.s32 $0x10, s22;
	s30 =	sadd.s32 $0x20, s22  }
0x1b: {  	s1 =	sshrl.u32 s1, $0x3;
	s7 =	sadd.s32 s7, s19;
	s6 =	sadd.s32 $0x60, s6  }
0x1c: {  	s1 =	sadd.s32 s1, s17;
	[dreg:$0xe] =	wrdreg s6;
	s31 =	sadd.s32 $0x70, s7  }
0x1d: {  	v0 =	vimm.f32 $0.0e+00;
	s6 =	simm.s32 $0x0;
	s25 =	sadd.s32 $0x70, s1;
	[dreg:$0xf] =	wrdreg s31  }
.LBB2_1:
0x1e: {  	[dreg:$0x11] =	wrdreg s6;
	s0 =	simm.s32 $0x4000  }
0x1f: {  	s1 =	simm.s32 $0x40;
	s7 =	sadd.s32 $0x0, s9;
	s6 =	simm.s32 $0x4100  }
.LBB2_2:
0x20: {  	[tilespmem:s0], [sflag:$0x8] =	stream.linear.gather [hbm4b:s7+s5], $0x80, $0x38;
	[tilespmem:$0x19000] =	vst v63  }
0x21: {  	s7 =	smov.u32 s1;
	s0 =	smov.u32 s6;
	p0 =	sne.s32 s1, $0x7C0  }
.Ltmp0:
0x22: {  	s1 =	sadd.s32 $0x40, s1;
	(pc) =	sbr.rel @p0 .LBB2_2-.Ltmp0, $2  }
0x23: {  	_ =	sdelay $0x2  }
0x24: {  	s6 =	sadd.s32 $0x100, s6;
	s7 =	sadd.s32 s7, s9  }
0x25: {  	[tilespmem:s0], [sflag:$0x8] =	stream.linear.gather [hbm4b:s7+s5], $0x80, $0x38;
	[tilespmem:$0x19000] =	vst v63  }
0x26: {  	s31 =	simm.s32 $0x8  }
0x27: {  	_ =	swait.ge [sflag:s31], $0x1000  }
0x28: {  	s0 =	simm.s32 $0x4080;
	s1 =	simm.s32 $0x40;
	[sflag:s31] =	ssyncset.done $0x0  }
0x29: {  	s7 =	sadd.s32 $0x0, s10;
	s6 =	simm.s32 $0x4180;
	[sflag:s31] =	ssyncadd.s32 $0xFFFFF000  }
.LBB2_4:
0x2a: {  	[tilespmem:s0], [sflag:$0x8] =	stream.linear.gather [hbm4b:s7+s5], $0x80, $0x38;
	[tilespmem:$0x19000] =	vst v63  }
0x2b: {  	s7 =	smov.u32 s1;
	s0 =	smov.u32 s6;
	p0 =	sne.s32 s1, $0x7C0  }
.Ltmp1:
0x2c: {  	s1 =	sadd.s32 $0x40, s1;
	(pc) =	sbr.rel @p0 .LBB2_4-.Ltmp1, $2  }
0x2d: {  	_ =	sdelay $0x2  }
0x2e: {  	s6 =	sadd.s32 $0x100, s6;
	s7 =	sadd.s32 s7, s10  }
0x2f: {  	[tilespmem:s0], [sflag:$0x8] =	stream.linear.gather [hbm4b:s7+s5], $0x80, $0x38;
	[tilespmem:$0x19000] =	vst v63  }
0x30: {  	s6 =	simm.s32 $0x8  }
0x31: {  	s1 =	simm.s32 $0x0;
	_ =	swait.ge [sflag:s6], $0x1000  }
0x32: {  	s19 =	sand.u32 $0x70, s1;
	s28 =	sand.u32 $0x1F00, s1;
	[sflag:s6] =	ssyncset.done $0x0  }
0x33: {  	s0 =	sor.u32 s19, s28;
	[sflag:s6] =	ssyncadd.s32 $0xFFFFF000  }
0x34: {  	v1 =	vld [tilespmem:s0+$0x4080];
	_ =	sdelay $0x1  }
0x35: {  	v2 =	vld [tilespmem:s0+$0x4000];
	_ =	sdelay $0x2  }
0x36: {  	v1 =	vmax.f32 v1, $0.0e+00  }
0x37: {  	v1 =	vmin.f32 v1, $5.110000000e+02  }
0x38: {  	v2 =	vmax.f32 v2, $0.0e+00;
	v1 =	vadd.f32 $8.388608000e+06, v1  }
0x39: {  	v2 =	vmin.f32 v2, $5.110000000e+02  }
0x3a: {  	v2 =	vadd.f32 $8.388608000e+06, v2;
	v1 =	vadd.f32 $-8.388608000e+06, v1;
	_ =	sdelay $0x1  }
0x3b: {  	v2 =	vadd.f32 $-8.388608000e+06, v2;
	v1 =	vmul.f32 $5.120000000e+02, v1;
	_ =	sdelay $0x1  }
0x3c: {  	v1 =	vadd.f32 v1, v2;
	_ =	sdelay $0x1  }
0x3d: {  	s7 =	simm.s32 $0x80;
	s31 =	sand.u32 $0x3E00, s1;
	s1 =	simm.s32 $0x10;
	v1 =	vtrunc.f32 v1  }
0x3e: {  	s8 =	sand.u32 $0x70, s1;
	s20 =	sshrl.u32 s31, $0x2;
	s6 =	simm.s32 $0x20;
	v1 =	vcvt.f32.s32 v1  }
0x3f: {  	s19 =	sor.u32 s19, s20;
	s0 =	simm.s32 $0x40;
	s17 =	sand.u32 $0x1F00, s6  }
.LBB2_6:
0x40: {  	p0 =	sne.s32 s7, $0x3FC0;
	s17 =	sor.u32 s8, s17;
	[tilespmem:s19+$0x0] =	vst v1;
	s19 =	smov.u32 s8  }
0x41: {  	v1 =	vld [tilespmem:s17+$0x4080];
	_ =	sdelay $0x1  }
0x42: {  	v2 =	vld [tilespmem:s17+$0x4000];
	_ =	sdelay $0x2  }
0x43: {  	v1 =	vmax.f32 v1, $0.0e+00  }
0x44: {  	v1 =	vmin.f32 v1, $5.110000000e+02  }
0x45: {  	v2 =	vmax.f32 v2, $0.0e+00;
	v1 =	vadd.f32 $8.388608000e+06, v1  }
0x46: {  	v2 =	vmin.f32 v2, $5.110000000e+02  }
0x47: {  	v2 =	vadd.f32 $8.388608000e+06, v2;
	v1 =	vadd.f32 $-8.388608000e+06, v1;
	_ =	sdelay $0x1  }
0x48: {  	v2 =	vadd.f32 $-8.388608000e+06, v2;
	v1 =	vmul.f32 $5.120000000e+02, v1;
	_ =	sdelay $0x1  }
.Ltmp2:
0x49: {  	v1 =	vadd.f32 v1, v2;
	(pc) =	sbr.rel @p0 .LBB2_6-.Ltmp2, $4  }
0x4a: {  	_ = 	snop  }
0x4b: {  	s1 =	sadd.s32 $0x10, s1;
	s17 =	sand.u32 $0x3E00, s0;
	s0 =	smov.u32 s7;
	v1 =	vtrunc.f32 v1  }
0x4c: {  	s6 =	sadd.s32 $0x20, s6;
	s8 =	sand.u32 $0x70, s1;
	s20 =	sshrl.u32 s17, $0x2;
	v1 =	vcvt.f32.s32 v1  }
0x4d: {  	s7 =	sadd.s32 $0x40, s7;
	s17 =	sand.u32 $0x1F00, s6;
	s19 =	sor.u32 s19, s20  }
0x4e: {  	s1 =	sor.u32 s8, s17;
	[tilespmem:s19+$0x0] =	vst v1  }
0x4f: {  	v1 =	vld [tilespmem:s1+$0x4080];
	_ =	sdelay $0x1  }
0x50: {  	v2 =	vld [tilespmem:s1+$0x4000];
	_ =	sdelay $0x2  }
0x51: {  	v1 =	vmax.f32 v1, $0.0e+00  }
0x52: {  	v1 =	vmin.f32 v1, $5.110000000e+02  }
0x53: {  	v2 =	vmax.f32 v2, $0.0e+00;
	v1 =	vadd.f32 $8.388608000e+06, v1  }
0x54: {  	v2 =	vmin.f32 v2, $5.110000000e+02  }
0x55: {  	v2 =	vadd.f32 $8.388608000e+06, v2;
	v1 =	vadd.f32 $-8.388608000e+06, v1;
	_ =	sdelay $0x1  }
0x56: {  	v2 =	vadd.f32 $-8.388608000e+06, v2;
	v1 =	vmul.f32 $5.120000000e+02, v1;
	_ =	sdelay $0x1  }
0x57: {  	v1 =	vadd.f32 v1, v2;
	_ =	sdelay $0x1  }
0x58: {  	s0 =	sand.u32 $0x3E00, s0;
	v1 =	vtrunc.f32 v1  }
0x59: {  	s0 =	sshrl.u32 s0, $0x2;
	v1 =	vcvt.f32.s32 v1  }
0x5a: {  	s7 =	sadd.s32 $0x0, s11;
	s31 =	sor.u32 s8, s0  }
0x5b: {  	s6 =	simm.s32 $0x4100;
	s1 =	simm.s32 $0x40;
	s0 =	simm.s32 $0x4000;
	[tilespmem:s31+$0x0] =	vst v1  }
.LBB2_8:
0x5c: {  	[tilespmem:s0], [sflag:$0x8] =	stream.linear.gather [hbm4b:s7+s5], $0x80, $0x38;
	[tilespmem:$0x19000] =	vst v63  }
0x5d: {  	s7 =	smov.u32 s1;
	s0 =	smov.u32 s6;
	p0 =	sne.s32 s1, $0x7C0  }
.Ltmp3:
0x5e: {  	s1 =	sadd.s32 $0x40, s1;
	(pc) =	sbr.rel @p0 .LBB2_8-.Ltmp3, $2  }
0x5f: {  	_ =	sdelay $0x2  }
0x60: {  	s6 =	sadd.s32 $0x100, s6;
	s7 =	sadd.s32 s7, s11  }
0x61: {  	[tilespmem:s0], [sflag:$0x8] =	stream.linear.gather [hbm4b:s7+s5], $0x80, $0x38;
	[tilespmem:$0x19000] =	vst v63  }
0x62: {  	s31 =	simm.s32 $0x8  }
0x63: {  	_ =	swait.ge [sflag:s31], $0x1000  }
0x64: {  	s0 =	simm.s32 $0x4080;
	s1 =	simm.s32 $0x40;
	[sflag:s31] =	ssyncset.done $0x0  }
0x65: {  	s7 =	sadd.s32 $0x0, s12;
	s6 =	simm.s32 $0x4180;
	[sflag:s31] =	ssyncadd.s32 $0xFFFFF000  }
.LBB2_10:
0x66: {  	[tilespmem:s0], [sflag:$0x8] =	stream.linear.gather [hbm4b:s7+s5], $0x80, $0x38;
	[tilespmem:$0x19000] =	vst v63  }
0x67: {  	s7 =	smov.u32 s1;
	s0 =	smov.u32 s6;
	p0 =	sne.s32 s1, $0x7C0  }
.Ltmp4:
0x68: {  	s1 =	sadd.s32 $0x40, s1;
	(pc) =	sbr.rel @p0 .LBB2_10-.Ltmp4, $2  }
0x69: {  	_ =	sdelay $0x2  }
0x6a: {  	s6 =	sadd.s32 $0x100, s6;
	s7 =	sadd.s32 s7, s12  }
0x6b: {  	[tilespmem:s0], [sflag:$0x8] =	stream.linear.gather [hbm4b:s7+s5], $0x80, $0x38;
	[tilespmem:$0x19000] =	vst v63  }
0x6c: {  	s6 =	simm.s32 $0x8  }
0x6d: {  	s1 =	simm.s32 $0x0;
	_ =	swait.ge [sflag:s6], $0x1000  }
0x6e: {  	s19 =	sand.u32 $0x70, s1;
	s28 =	sand.u32 $0x1F00, s1;
	[sflag:s6] =	ssyncset.done $0x0  }
0x6f: {  	s0 =	sor.u32 s19, s28;
	[sflag:s6] =	ssyncadd.s32 $0xFFFFF000  }
0x70: {  	v1 =	vld [tilespmem:s0+$0x4080];
	_ =	sdelay $0x1  }
0x71: {  	v2 =	vld [tilespmem:s0+$0x4000];
	_ =	sdelay $0x2  }
0x72: {  	v1 =	vmax.f32 v1, $0.0e+00  }
0x73: {  	v1 =	vmin.f32 v1, $5.110000000e+02  }
0x74: {  	v2 =	vmax.f32 v2, $0.0e+00;
	v1 =	vadd.f32 $8.388608000e+06, v1  }
0x75: {  	v2 =	vmin.f32 v2, $5.110000000e+02  }
0x76: {  	v2 =	vadd.f32 $8.388608000e+06, v2;
	v1 =	vadd.f32 $-8.388608000e+06, v1;
	_ =	sdelay $0x1  }
0x77: {  	v2 =	vadd.f32 $-8.388608000e+06, v2;
	v1 =	vmul.f32 $5.120000000e+02, v1;
	_ =	sdelay $0x1  }
0x78: {  	v1 =	vadd.f32 v1, v2;
	_ =	sdelay $0x1  }
0x79: {  	s7 =	simm.s32 $0x80;
	s31 =	sand.u32 $0x3E00, s1;
	s1 =	simm.s32 $0x10;
	v1 =	vtrunc.f32 v1  }
0x7a: {  	s8 =	sand.u32 $0x70, s1;
	s20 =	sshrl.u32 s31, $0x2;
	s6 =	simm.s32 $0x20;
	v1 =	vcvt.f32.s32 v1  }
0x7b: {  	s19 =	sor.u32 s19, s20;
	s0 =	simm.s32 $0x40;
	s17 =	sand.u32 $0x1F00, s6  }
.LBB2_12:
0x7c: {  	p0 =	sne.s32 s7, $0x3FC0;
	s17 =	sor.u32 s8, s17;
	[tilespmem:s19+$0x1000] =	vst v1;
	s19 =	smov.u32 s8  }
0x7d: {  	v1 =	vld [tilespmem:s17+$0x4080];
	_ =	sdelay $0x1  }
0x7e: {  	v2 =	vld [tilespmem:s17+$0x4000];
	_ =	sdelay $0x2  }
0x7f: {  	v1 =	vmax.f32 v1, $0.0e+00  }
0x80: {  	v1 =	vmin.f32 v1, $5.110000000e+02  }
0x81: {  	v2 =	vmax.f32 v2, $0.0e+00;
	v1 =	vadd.f32 $8.388608000e+06, v1  }
0x82: {  	v2 =	vmin.f32 v2, $5.110000000e+02  }
0x83: {  	v2 =	vadd.f32 $8.388608000e+06, v2;
	v1 =	vadd.f32 $-8.388608000e+06, v1;
	_ =	sdelay $0x1  }
0x84: {  	v2 =	vadd.f32 $-8.388608000e+06, v2;
	v1 =	vmul.f32 $5.120000000e+02, v1;
	_ =	sdelay $0x1  }
.Ltmp5:
0x85: {  	v1 =	vadd.f32 v1, v2;
	(pc) =	sbr.rel @p0 .LBB2_12-.Ltmp5, $4  }
0x86: {  	_ = 	snop  }
0x87: {  	s1 =	sadd.s32 $0x10, s1;
	s17 =	sand.u32 $0x3E00, s0;
	s0 =	smov.u32 s7;
	v1 =	vtrunc.f32 v1  }
0x88: {  	s6 =	sadd.s32 $0x20, s6;
	s8 =	sand.u32 $0x70, s1;
	s20 =	sshrl.u32 s17, $0x2;
	v1 =	vcvt.f32.s32 v1  }
0x89: {  	s7 =	sadd.s32 $0x40, s7;
	s17 =	sand.u32 $0x1F00, s6;
	s19 =	sor.u32 s19, s20  }
0x8a: {  	s1 =	sor.u32 s8, s17;
	[tilespmem:s19+$0x1000] =	vst v1  }
0x8b: {  	v1 =	vld [tilespmem:s1+$0x4080];
	_ =	sdelay $0x1  }
0x8c: {  	v2 =	vld [tilespmem:s1+$0x4000];
	_ =	sdelay $0x2  }
0x8d: {  	v1 =	vmax.f32 v1, $0.0e+00  }
0x8e: {  	v1 =	vmin.f32 v1, $5.110000000e+02  }
0x8f: {  	v2 =	vmax.f32 v2, $0.0e+00;
	v1 =	vadd.f32 $8.388608000e+06, v1  }
0x90: {  	v2 =	vmin.f32 v2, $5.110000000e+02  }
0x91: {  	v2 =	vadd.f32 $8.388608000e+06, v2;
	v1 =	vadd.f32 $-8.388608000e+06, v1;
	_ =	sdelay $0x1  }
0x92: {  	v2 =	vadd.f32 $-8.388608000e+06, v2;
	v1 =	vmul.f32 $5.120000000e+02, v1;
	_ =	sdelay $0x1  }
0x93: {  	v1 =	vadd.f32 v1, v2;
	_ =	sdelay $0x1  }
0x94: {  	s0 =	sand.u32 $0x3E00, s0;
	v1 =	vtrunc.f32 v1  }
0x95: {  	s0 =	sshrl.u32 s0, $0x2;
	v1 =	vcvt.f32.s32 v1  }
0x96: {  	s7 =	sadd.s32 $0x0, s13;
	s31 =	sor.u32 s8, s0  }
0x97: {  	s6 =	simm.s32 $0x4100;
	s1 =	simm.s32 $0x40;
	s0 =	simm.s32 $0x4000;
	[tilespmem:s31+$0x1000] =	vst v1  }
.LBB2_14:
0x98: {  	[tilespmem:s0], [sflag:$0x8] =	stream.linear.gather [hbm4b:s7+s5], $0x80, $0x38;
	[tilespmem:$0x19000] =	vst v63  }
0x99: {  	s7 =	smov.u32 s1;
	s0 =	smov.u32 s6;
	p0 =	sne.s32 s1, $0x7C0  }
.Ltmp6:
0x9a: {  	s1 =	sadd.s32 $0x40, s1;
	(pc) =	sbr.rel @p0 .LBB2_14-.Ltmp6, $2  }
0x9b: {  	_ =	sdelay $0x2  }
0x9c: {  	s6 =	sadd.s32 $0x100, s6;
	s7 =	sadd.s32 s7, s13  }
0x9d: {  	[tilespmem:s0], [sflag:$0x8] =	stream.linear.gather [hbm4b:s7+s5], $0x80, $0x38;
	[tilespmem:$0x19000] =	vst v63  }
0x9e: {  	s31 =	simm.s32 $0x8  }
0x9f: {  	_ =	swait.ge [sflag:s31], $0x1000  }
0xa0: {  	s0 =	simm.s32 $0x4080;
	s1 =	simm.s32 $0x40;
	[sflag:s31] =	ssyncset.done $0x0  }
0xa1: {  	s7 =	sadd.s32 $0x0, s14;
	s6 =	simm.s32 $0x4180;
	[sflag:s31] =	ssyncadd.s32 $0xFFFFF000  }
.LBB2_16:
0xa2: {  	[tilespmem:s0], [sflag:$0x8] =	stream.linear.gather [hbm4b:s7+s5], $0x80, $0x38;
	[tilespmem:$0x19000] =	vst v63  }
0xa3: {  	s7 =	smov.u32 s1;
	s0 =	smov.u32 s6;
	p0 =	sne.s32 s1, $0x7C0  }
.Ltmp7:
0xa4: {  	s1 =	sadd.s32 $0x40, s1;
	(pc) =	sbr.rel @p0 .LBB2_16-.Ltmp7, $2  }
0xa5: {  	_ =	sdelay $0x2  }
0xa6: {  	s6 =	sadd.s32 $0x100, s6;
	s7 =	sadd.s32 s7, s14  }
0xa7: {  	[tilespmem:s0], [sflag:$0x8] =	stream.linear.gather [hbm4b:s7+s5], $0x80, $0x38;
	[tilespmem:$0x19000] =	vst v63  }
0xa8: {  	s6 =	simm.s32 $0x8  }
0xa9: {  	s1 =	simm.s32 $0x0;
	_ =	swait.ge [sflag:s6], $0x1000  }
0xaa: {  	s19 =	sand.u32 $0x70, s1;
	s28 =	sand.u32 $0x1F00, s1;
	[sflag:s6] =	ssyncset.done $0x0  }
0xab: {  	s0 =	sor.u32 s19, s28;
	[sflag:s6] =	ssyncadd.s32 $0xFFFFF000  }
0xac: {  	v1 =	vld [tilespmem:s0+$0x4080];
	_ =	sdelay $0x1  }
0xad: {  	v2 =	vld [tilespmem:s0+$0x4000];
	_ =	sdelay $0x2  }
0xae: {  	v1 =	vmax.f32 v1, $0.0e+00  }
0xaf: {  	v1 =	vmin.f32 v1, $5.110000000e+02  }
0xb0: {  	v2 =	vmax.f32 v2, $0.0e+00;
	v1 =	vadd.f32 $8.388608000e+06, v1  }
0xb1: {  	v2 =	vmin.f32 v2, $5.110000000e+02  }
0xb2: {  	v2 =	vadd.f32 $8.388608000e+06, v2;
	v1 =	vadd.f32 $-8.388608000e+06, v1;
	_ =	sdelay $0x1  }
0xb3: {  	v2 =	vadd.f32 $-8.388608000e+06, v2;
	v1 =	vmul.f32 $5.120000000e+02, v1;
	_ =	sdelay $0x1  }
0xb4: {  	v1 =	vadd.f32 v1, v2;
	_ =	sdelay $0x1  }
0xb5: {  	s7 =	simm.s32 $0x80;
	s31 =	sand.u32 $0x3E00, s1;
	s1 =	simm.s32 $0x10;
	v1 =	vtrunc.f32 v1  }
0xb6: {  	s8 =	sand.u32 $0x70, s1;
	s20 =	sshrl.u32 s31, $0x2;
	s6 =	simm.s32 $0x20;
	v1 =	vcvt.f32.s32 v1  }
0xb7: {  	s19 =	sor.u32 s19, s20;
	s0 =	simm.s32 $0x40;
	s17 =	sand.u32 $0x1F00, s6  }
.LBB2_18:
0xb8: {  	p0 =	sne.s32 s7, $0x3FC0;
	s17 =	sor.u32 s8, s17;
	[tilespmem:s19+$0x2000] =	vst v1;
	s19 =	smov.u32 s8  }
0xb9: {  	v1 =	vld [tilespmem:s17+$0x4080];
	_ =	sdelay $0x1  }
0xba: {  	v2 =	vld [tilespmem:s17+$0x4000];
	_ =	sdelay $0x2  }
0xbb: {  	v1 =	vmax.f32 v1, $0.0e+00  }
0xbc: {  	v1 =	vmin.f32 v1, $5.110000000e+02  }
0xbd: {  	v2 =	vmax.f32 v2, $0.0e+00;
	v1 =	vadd.f32 $8.388608000e+06, v1  }
0xbe: {  	v2 =	vmin.f32 v2, $5.110000000e+02  }
0xbf: {  	v2 =	vadd.f32 $8.388608000e+06, v2;
	v1 =	vadd.f32 $-8.388608000e+06, v1;
	_ =	sdelay $0x1  }
0xc0: {  	v2 =	vadd.f32 $-8.388608000e+06, v2;
	v1 =	vmul.f32 $5.120000000e+02, v1;
	_ =	sdelay $0x1  }
.Ltmp8:
0xc1: {  	v1 =	vadd.f32 v1, v2;
	(pc) =	sbr.rel @p0 .LBB2_18-.Ltmp8, $4  }
0xc2: {  	_ = 	snop  }
0xc3: {  	s1 =	sadd.s32 $0x10, s1;
	s17 =	sand.u32 $0x3E00, s0;
	s0 =	smov.u32 s7;
	v1 =	vtrunc.f32 v1  }
0xc4: {  	s6 =	sadd.s32 $0x20, s6;
	s8 =	sand.u32 $0x70, s1;
	s20 =	sshrl.u32 s17, $0x2;
	v1 =	vcvt.f32.s32 v1  }
0xc5: {  	s7 =	sadd.s32 $0x40, s7;
	s17 =	sand.u32 $0x1F00, s6;
	s19 =	sor.u32 s19, s20  }
0xc6: {  	s1 =	sor.u32 s8, s17;
	[tilespmem:s19+$0x2000] =	vst v1  }
0xc7: {  	v1 =	vld [tilespmem:s1+$0x4080];
	_ =	sdelay $0x1  }
0xc8: {  	v2 =	vld [tilespmem:s1+$0x4000];
	_ =	sdelay $0x2  }
0xc9: {  	v1 =	vmax.f32 v1, $0.0e+00  }
0xca: {  	v1 =	vmin.f32 v1, $5.110000000e+02  }
0xcb: {  	v2 =	vmax.f32 v2, $0.0e+00;
	v1 =	vadd.f32 $8.388608000e+06, v1  }
0xcc: {  	v2 =	vmin.f32 v2, $5.110000000e+02  }
0xcd: {  	v2 =	vadd.f32 $8.388608000e+06, v2;
	v1 =	vadd.f32 $-8.388608000e+06, v1;
	_ =	sdelay $0x1  }
0xce: {  	v2 =	vadd.f32 $-8.388608000e+06, v2;
	v1 =	vmul.f32 $5.120000000e+02, v1;
	_ =	sdelay $0x1  }
0xcf: {  	v1 =	vadd.f32 v1, v2;
	_ =	sdelay $0x1  }
0xd0: {  	s0 =	sand.u32 $0x3E00, s0;
	v1 =	vtrunc.f32 v1  }
0xd1: {  	s0 =	sshrl.u32 s0, $0x2;
	v1 =	vcvt.f32.s32 v1  }
0xd2: {  	s7 =	sadd.s32 $0x0, s15;
	s31 =	sor.u32 s8, s0  }
0xd3: {  	s6 =	simm.s32 $0x4100;
	s1 =	simm.s32 $0x40;
	s0 =	simm.s32 $0x4000;
	[tilespmem:s31+$0x2000] =	vst v1  }
.LBB2_20:
0xd4: {  	[tilespmem:s0], [sflag:$0x8] =	stream.linear.gather [hbm4b:s7+s5], $0x80, $0x38;
	[tilespmem:$0x19000] =	vst v63  }
0xd5: {  	s7 =	smov.u32 s1;
	s0 =	smov.u32 s6;
	p0 =	sne.s32 s1, $0x7C0  }
.Ltmp9:
0xd6: {  	s1 =	sadd.s32 $0x40, s1;
	(pc) =	sbr.rel @p0 .LBB2_20-.Ltmp9, $2  }
0xd7: {  	_ =	sdelay $0x2  }
0xd8: {  	s6 =	sadd.s32 $0x100, s6;
	s7 =	sadd.s32 s7, s15  }
0xd9: {  	[tilespmem:s0], [sflag:$0x8] =	stream.linear.gather [hbm4b:s7+s5], $0x80, $0x38;
	[tilespmem:$0x19000] =	vst v63  }
0xda: {  	s31 =	simm.s32 $0x8  }
0xdb: {  	_ =	swait.ge [sflag:s31], $0x1000  }
0xdc: {  	s0 =	simm.s32 $0x4080;
	s1 =	simm.s32 $0x40;
	[sflag:s31] =	ssyncset.done $0x0  }
0xdd: {  	s7 =	sadd.s32 $0x0, s16;
	s6 =	simm.s32 $0x4180;
	[sflag:s31] =	ssyncadd.s32 $0xFFFFF000  }
.LBB2_22:
0xde: {  	[tilespmem:s0], [sflag:$0x8] =	stream.linear.gather [hbm4b:s7+s5], $0x80, $0x38;
	[tilespmem:$0x19000] =	vst v63  }
0xdf: {  	s7 =	smov.u32 s1;
	s0 =	smov.u32 s6;
	p0 =	sne.s32 s1, $0x7C0  }
.Ltmp10:
0xe0: {  	s1 =	sadd.s32 $0x40, s1;
	(pc) =	sbr.rel @p0 .LBB2_22-.Ltmp10, $2  }
0xe1: {  	_ =	sdelay $0x2  }
0xe2: {  	s6 =	sadd.s32 $0x100, s6;
	s7 =	sadd.s32 s7, s16  }
0xe3: {  	[tilespmem:s0], [sflag:$0x8] =	stream.linear.gather [hbm4b:s7+s5], $0x80, $0x38;
	[tilespmem:$0x19000] =	vst v63  }
0xe4: {  	s6 =	simm.s32 $0x8  }
0xe5: {  	s1 =	simm.s32 $0x0;
	_ =	swait.ge [sflag:s6], $0x1000  }
0xe6: {  	s20 =	sand.u32 $0x70, s1;
	s31 =	sand.u32 $0x1F00, s1;
	[sflag:s6] =	ssyncset.done $0x0  }
0xe7: {  	s0 =	sor.u32 s20, s31;
	[sflag:s6] =	ssyncadd.s32 $0xFFFFF000  }
0xe8: {  	v1 =	vld [tilespmem:s0+$0x4080];
	_ =	sdelay $0x1  }
0xe9: {  	v2 =	vld [tilespmem:s0+$0x4000];
	_ =	sdelay $0x2  }
0xea: {  	v1 =	vmax.f32 v1, $0.0e+00  }
0xeb: {  	v1 =	vmin.f32 v1, $5.110000000e+02  }
0xec: {  	v2 =	vmax.f32 v2, $0.0e+00;
	v1 =	vadd.f32 $8.388608000e+06, v1  }
0xed: {  	v2 =	vmin.f32 v2, $5.110000000e+02  }
0xee: {  	v2 =	vadd.f32 $8.388608000e+06, v2;
	v1 =	vadd.f32 $-8.388608000e+06, v1;
	_ =	sdelay $0x1  }
0xef: {  	v2 =	vadd.f32 $-8.388608000e+06, v2;
	v1 =	vmul.f32 $5.120000000e+02, v1;
	_ =	sdelay $0x1  }
0xf0: {  	v1 =	vadd.f32 v1, v2  }
0xf1: {  	s1 =	sand.u32 $0x3E00, s1  }
0xf2: {  	s7 =	simm.s32 $0x20;
	s8 =	simm.s32 $0x80;
	s1 =	sshrl.u32 s1, $0x2;
	v1 =	vtrunc.f32 v1  }
0xf3: {  	s19 =	sand.u32 $0x1F00, s7;
	s6 =	simm.s32 $0x10;
	s20 =	sor.u32 s20, s1;
	v1 =	vcvt.f32.s32 v1  }
0xf4: {  	s1 =	simm.s32 $0x40;
	s0 =	simm.s32 $0x40;
	s17 =	sand.u32 $0x70, s6  }
.LBB2_24:
0xf5: {  	p0 =	sne.s32 s8, $0x3FC0;
	s19 =	sor.u32 s17, s19;
	[tilespmem:s20+$0x3000] =	vst v1;
	s20 =	smov.u32 s17  }
0xf6: {  	v1 =	vld [tilespmem:s19+$0x4080];
	_ =	sdelay $0x1  }
0xf7: {  	v2 =	vld [tilespmem:s19+$0x4000];
	_ =	sdelay $0x2  }
0xf8: {  	v1 =	vmax.f32 v1, $0.0e+00  }
0xf9: {  	v1 =	vmin.f32 v1, $5.110000000e+02  }
0xfa: {  	v2 =	vmax.f32 v2, $0.0e+00;
	v1 =	vadd.f32 $8.388608000e+06, v1  }
0xfb: {  	v2 =	vmin.f32 v2, $5.110000000e+02  }
0xfc: {  	v2 =	vadd.f32 $8.388608000e+06, v2;
	v1 =	vadd.f32 $-8.388608000e+06, v1;
	_ =	sdelay $0x1  }
0xfd: {  	v2 =	vadd.f32 $-8.388608000e+06, v2;
	v1 =	vmul.f32 $5.120000000e+02, v1;
	_ =	sdelay $0x1  }
.Ltmp11:
0xfe: {  	v1 =	vadd.f32 v1, v2;
	(pc) =	sbr.rel @p0 .LBB2_24-.Ltmp11, $4  }
0xff: {  	_ = 	snop  }
0x100: {  	s6 =	sadd.s32 $0x10, s6;
	s19 =	sand.u32 $0x3E00, s1;
	s1 =	smov.u32 s8;
	v1 =	vtrunc.f32 v1  }
0x101: {  	s7 =	sadd.s32 $0x20, s7;
	s17 =	sand.u32 $0x70, s6;
	s21 =	sshrl.u32 s19, $0x2;
	v1 =	vcvt.f32.s32 v1  }
0x102: {  	s8 =	sadd.s32 $0x40, s8;
	s19 =	sand.u32 $0x1F00, s7;
	s20 =	sor.u32 s20, s21  }
0x103: {  	s6 =	sor.u32 s17, s19;
	[tilespmem:s20+$0x3000] =	vst v1  }
0x104: {  	v1 =	vld [tilespmem:s6+$0x4080];
	_ =	sdelay $0x1  }
0x105: {  	v2 =	vld [tilespmem:s6+$0x4000];
	_ =	sdelay $0x2  }
0x106: {  	v1 =	vmax.f32 v1, $0.0e+00  }
0x107: {  	v1 =	vmin.f32 v1, $5.110000000e+02  }
0x108: {  	v2 =	vmax.f32 v2, $0.0e+00;
	v1 =	vadd.f32 $8.388608000e+06, v1  }
0x109: {  	v2 =	vmin.f32 v2, $5.110000000e+02  }
0x10a: {  	v2 =	vadd.f32 $8.388608000e+06, v2;
	v1 =	vadd.f32 $-8.388608000e+06, v1;
	_ =	sdelay $0x1  }
0x10b: {  	v2 =	vadd.f32 $-8.388608000e+06, v2;
	v1 =	vmul.f32 $5.120000000e+02, v1;
	_ =	sdelay $0x1  }
0x10c: {  	v1 =	vadd.f32 v1, v2;
	_ =	sdelay $0x1  }
0x10d: {  	s1 =	sand.u32 $0x3E00, s1;
	v1 =	vtrunc.f32 v1  }
0x10e: {  	s1 =	sshrl.u32 s1, $0x2;
	v1 =	vcvt.f32.s32 v1  }
0x10f: {  	s1 =	sor.u32 s17, s1  }
0x110: {  	[tilespmem:s1+$0x3000] =	vst v1;
	s1 =	simm.s32 $0x0  }
.LBB2_26:
0x111: {  	p0 =	sne.s32 s0, $0xFFC0;
	[tilespmem:s1+$0x9000] =	vst v0;
	s1 =	smov.u32 s0;
	s0 =	sadd.s32 $0x40, s0  }
.Ltmp12:
0x112: {  	(pc) =	sbr.rel @p0 .LBB2_26-.Ltmp12, $2  }
0x113: {  	_ =	sdelay $0x2  }
0x114: {  	s1 =	sshra.s32 s1, $0x2  }
0x115: {  	[tilespmem:s1+$0x9000] =	vst v0;
	s0 =	rddreg [dreg:$0x9];
	s6 =	simm.s32 $0x9000;
	s21 =	simm.s32 $0x8  }
0x116: {  	[spmem:s0] =	stream.linear.scatter [tilespmem:s6], [sflag:$0x8], $0x4000, $0x38;
	[tilespmem:$0x19000] =	vst v63  }
0x117: {  	_ =	swait.ge [sflag:s21], $0x4000  }
0x118: {  	[sflag:s21] =	ssyncset.done $0x0  }
0x119: {  	s28 =	rddreg [dreg:$0xa];
	[sflag:s21] =	ssyncadd.s32 $0xFFFFC000  }
0x11a: {  	[spmem:s28] =	stream.linear.scatter [tilespmem:s6], [sflag:$0x8], $0x4000, $0x38;
	[tilespmem:$0x19000] =	vst v63  }
0x11b: {  	_ =	swait.ge [sflag:s21], $0x4000  }
0x11c: {  	[sflag:s21] =	ssyncset.done $0x0  }
0x11d: {  	s31 =	rddreg [dreg:$0xc];
	[sflag:s21] =	ssyncadd.s32 $0xFFFFC000  }
0x11e: {  	[spmem:s31] =	stream.linear.scatter [tilespmem:s6], [sflag:$0x8], $0x4000, $0x38;
	[tilespmem:$0x19000] =	vst v63  }
0x11f: {  	_ =	swait.ge [sflag:s21], $0x4000  }
0x120: {  	[sflag:s21] =	ssyncset.done $0x0  }
0x121: {  	s1 =	simm.s32 $0x80;
	s7 =	sadd.s32 $0x0, s22;
	[sflag:s21] =	ssyncadd.s32 $0xFFFFC000  }
0x122: {  	s0 =	simm.s32 $0x4000;
	s6 =	simm.s32 $0x4100;
	[bflag:$0x0] =	sbarrier.arrive $0xFFFF  }
.LBB2_28:
0x123: {  	[tilespmem:s0], [sflag:$0x7] =	stream.linear.gather [hbm4b:s7+s5], $0x80, $0x38;
	[tilespmem:$0x19000] =	vst v63  }
0x124: {  	s7 =	smov.u32 s1;
	s0 =	smov.u32 s6;
	p0 =	sne.s32 s1, $0xF80  }
.Ltmp13:
0x125: {  	s1 =	sadd.s32 $0x80, s1;
	(pc) =	sbr.rel @p0 .LBB2_28-.Ltmp13, $2  }
0x126: {  	_ =	sdelay $0x2  }
0x127: {  	s6 =	sadd.s32 $0x100, s6;
	s7 =	sadd.s32 s7, s22  }
0x128: {  	[tilespmem:s0], [sflag:$0x7] =	stream.linear.gather [hbm4b:s7+s5], $0x80, $0x38;
	[tilespmem:$0x19000] =	vst v63  }
0x129: {  	s31 =	simm.s32 $0x0;
	s6 =	simm.s32 $0x7  }
0x12a: {  	_ =	swait.ge [sflag:s6], $0x1000;
	s1 =	sand.u32 $0x7C00, s31  }
0x12b: {  	s0 =	sand.u32 $0x70, s31;
	[sflag:s6] =	ssyncset.done $0x0;
	s1 =	sshrl.u32 s1, $0x2  }
0x12c: {  	[sflag:s6] =	ssyncadd.s32 $0xFFFFF000;
	s0 =	sor.u32 s0, s1  }
0x12d: {  	v1 =	vld [tilespmem:s0+$0x4000];
	_ =	sdelay $0x3  }
0x12e: {  	s7 =	simm.s32 $0x10;
	s1 =	simm.s32 $0x80  }
0x12f: {  	s6 =	simm.s32 $0x20;
	s0 =	simm.s32 $0x6000;
	s8 =	sand.u32 $0x7C00, s1;
	v1 =	vmul.f32 $2.500000000e-01, v1  }
.LBB2_30:
0x130: {  	p0 =	sne.s32 s6, $0xFF0;
	s7 =	sand.u32 $0x70, s7;
	s8 =	sshrl.u32 s8, $0x2  }
0x131: {  	s8 =	sor.u32 s7, s8;
	[tilespmem:s0+$0x0] =	vst v1;
	s7 =	smov.u32 s6  }
0x132: {  	v1 =	vld [tilespmem:s8+$0x4000]  }
.Ltmp14:
0x133: {  	(pc) =	sbr.rel @p0 .LBB2_30-.Ltmp14, $3  }
0x134: {  	_ =	sdelay $0x1  }
0x135: {  	s1 =	sadd.s32 $0x80, s1  }
0x136: {  	s6 =	sadd.s32 $0x10, s6;
	s0 =	sadd.s32 $0x10, s0;
	s8 =	sand.u32 $0x7C00, s1;
	v1 =	vmul.f32 $2.500000000e-01, v1  }
0x137: {  	s1 =	sand.u32 $0x70, s7;
	s6 =	sshrl.u32 s8, $0x2  }
0x138: {  	s1 =	sor.u32 s1, s6;
	[tilespmem:s0+$0x0] =	vst v1  }
0x139: {  	v1 =	vld [tilespmem:s1+$0x4000];
	_ =	sdelay $0x2  }
0x13a: {  	s31 =	simm.s32 $0x0  }
0x13b: {  	s7 =	simm.s32 $0x200;
	s8 =	simm.s32 $0x0;
	s17 =	simm.s32 $0x400  }
0x13c: {  	s19 =	simm.s32 $0x80;
	s20 =	simm.s32 $0x600;
	s1 =	sand.u32 $0x3800, s31;
	v1 =	vmul.f32 $2.500000000e-01, v1  }
0x13d: {  	s6 =	sadd.s32 $0x10, s0;
	s0 =	sand.u32 $0x3A00, s7;
	s1 =	sshrl.u32 s1, $0x2  }
0x13e: {  	s28 =	simm.s32 $0x100;
	s0 =	sshrl.u32 s0, $0x2;
	s1 =	sor.u32 $0x6000, s1;
	[tilespmem:s6+$0x0] =	vst v1  }
0x13f: {  	[spmem:s2] =	stream.indirect.scatter.add.f32 [tilespmem:s1], [sflag:$0x1], $0x1, s8, s23, $0xb8;
	[tilespmem:$0x19000] =	vst v63  }
0x140: {  	s31 =	sand.u32 $0x3E00, s20;
	s0 =	sor.u32 $0x6000, s0;
	s1 =	sand.u32 $0x3C00, s17  }
0x141: {  	s7 =	sshrl.u32 s31, $0x2;
	s6 =	simm.s32 $0xE00;
	s1 =	sshrl.u32 s1, $0x2  }
0x142: {  	[spmem:s2] =	stream.indirect.scatter.add.f32 [tilespmem:s0], [sflag:$0x1], $0x1, s19, s23, $0xb8;
	[tilespmem:$0x19000] =	vst v63  }
0x143: {  	s21 =	sor.u32 $0x6000, s1;
	s0 =	simm.s32 $0x180;
	s1 =	simm.s32 $0x0  }
0x144: {  	[spmem:s2] =	stream.indirect.scatter.add.f32 [tilespmem:s21], [sflag:$0x1], $0x1, s28, s23, $0xb8;
	[tilespmem:$0x19000] =	vst v63  }
.LBB2_32:
0x145: {  	s8 =	sadd.s32 $0xFFFFFA00, s6;
	s7 =	sor.u32 $0x6000, s7;
	s17 =	smov.u32 s6  }
0x146: {  	[spmem:s2] =	stream.indirect.scatter.add.f32 [tilespmem:s7], [sflag:$0x1], $0x1, s0, s23, $0xb8;
	[tilespmem:$0x19000] =	vst v63  }
0x147: {  	s1 =	sadd.s32 $0x4, s1;
	s7 =	sand.u32 $0x3800, s8;
	s0 =	sshra.s32 s6, $0x2  }
0x148: {  	s8 =	sadd.s32 $0xFFFFFC00, s6;
	p0 =	slt.u32 s1, $0x7C;
	s7 =	sshrl.u32 s7, $0x2  }
0x149: {  	s6 =	sadd.s32 $0x800, s6;
	s19 =	sadd.s32 $0xFFFFFE80, s0;
	s7 =	sor.u32 $0x6000, s7  }
0x14a: {  	[spmem:s2] =	stream.indirect.scatter.add.f32 [tilespmem:s7], [sflag:$0x1], $0x1, s19, s23, $0xb8;
	[tilespmem:$0x19000] =	vst v63  }
0x14b: {  	s7 =	sand.u32 $0x3A00, s8;
	s8 =	sadd.s32 $0xFFFFFE00, s17;
	s17 =	sand.u32 $0x3E00, s17  }
.Ltmp15:
0x14c: {  	s7 =	sshrl.u32 s7, $0x2;
	s8 =	sand.u32 $0x3C00, s8;
	(pc) =	sbr.rel @p0 .LBB2_32-.Ltmp15, $4  }
0x14d: {  	s19 =	sadd.s32 $0xFFFFFF00, s0;
	s7 =	sor.u32 $0x6000, s7;
	s8 =	sshrl.u32 s8, $0x2  }
0x14e: {  	[spmem:s2] =	stream.indirect.scatter.add.f32 [tilespmem:s7], [sflag:$0x1], $0x1, s19, s23, $0xb8;
	[tilespmem:$0x19000] =	vst v63  }
0x14f: {  	s8 =	sor.u32 $0x6000, s8;
	s19 =	sadd.s32 $0xFFFFFF80, s0;
	s7 =	sshrl.u32 s17, $0x2  }
0x150: {  	[spmem:s2] =	stream.indirect.scatter.add.f32 [tilespmem:s8], [sflag:$0x1], $0x1, s19, s23, $0xb8;
	[tilespmem:$0x19000] =	vst v63  }
0x151: {  	s1 =	sor.u32 $0x6000, s7;
	s7 =	sadd.s32 $0x0, s29  }
0x152: {  	[spmem:s2] =	stream.indirect.scatter.add.f32 [tilespmem:s1], [sflag:$0x1], $0x1, s0, s23, $0xb8;
	[tilespmem:$0x19000] =	vst v63  }
0x153: {  	s6 =	simm.s32 $0x4100;
	s0 =	simm.s32 $0x4000;
	s1 =	simm.s32 $0x80  }
.LBB2_34:
0x154: {  	[tilespmem:s0], [sflag:$0x7] =	stream.linear.gather [hbm4b:s7+s5], $0x80, $0x38;
	[tilespmem:$0x19000] =	vst v63  }
0x155: {  	s7 =	smov.u32 s1;
	s0 =	smov.u32 s6;
	p0 =	sne.s32 s1, $0xF80  }
.Ltmp16:
0x156: {  	s1 =	sadd.s32 $0x80, s1;
	(pc) =	sbr.rel @p0 .LBB2_34-.Ltmp16, $2  }
0x157: {  	_ =	sdelay $0x2  }
0x158: {  	s6 =	sadd.s32 $0x100, s6;
	s7 =	sadd.s32 s7, s29  }
0x159: {  	[tilespmem:s0], [sflag:$0x7] =	stream.linear.gather [hbm4b:s7+s5], $0x80, $0x38;
	[tilespmem:$0x19000] =	vst v63  }
0x15a: {  	s31 =	simm.s32 $0x0;
	s6 =	simm.s32 $0x7  }
0x15b: {  	_ =	swait.ge [sflag:s6], $0x1000;
	s1 =	sand.u32 $0x7C00, s31  }
0x15c: {  	s0 =	sand.u32 $0x70, s31;
	[sflag:s6] =	ssyncset.done $0x0;
	s1 =	sshrl.u32 s1, $0x2  }
0x15d: {  	[sflag:s6] =	ssyncadd.s32 $0xFFFFF000;
	s0 =	sor.u32 s0, s1  }
0x15e: {  	v1 =	vld [tilespmem:s0+$0x4000];
	_ =	sdelay $0x3  }
0x15f: {  	s7 =	simm.s32 $0x10;
	s1 =	simm.s32 $0x80  }
0x160: {  	s6 =	simm.s32 $0x20;
	s0 =	simm.s32 $0x7000;
	s8 =	sand.u32 $0x7C00, s1;
	v1 =	vmul.f32 $2.500000000e-01, v1  }
.LBB2_36:
0x161: {  	p0 =	sne.s32 s6, $0xFF0;
	s7 =	sand.u32 $0x70, s7;
	s8 =	sshrl.u32 s8, $0x2  }
0x162: {  	s8 =	sor.u32 s7, s8;
	[tilespmem:s0+$0x0] =	vst v1;
	s7 =	smov.u32 s6  }
0x163: {  	v1 =	vld [tilespmem:s8+$0x4000]  }
.Ltmp17:
0x164: {  	(pc) =	sbr.rel @p0 .LBB2_36-.Ltmp17, $3  }
0x165: {  	_ =	sdelay $0x1  }
0x166: {  	s1 =	sadd.s32 $0x80, s1  }
0x167: {  	s6 =	sadd.s32 $0x10, s6;
	s0 =	sadd.s32 $0x10, s0;
	s8 =	sand.u32 $0x7C00, s1;
	v1 =	vmul.f32 $2.500000000e-01, v1  }
0x168: {  	s1 =	sand.u32 $0x70, s7;
	s6 =	sshrl.u32 s8, $0x2  }
0x169: {  	s1 =	sor.u32 s1, s6;
	[tilespmem:s0+$0x0] =	vst v1  }
0x16a: {  	v1 =	vld [tilespmem:s1+$0x4000];
	_ =	sdelay $0x4  }
0x16b: {  	v1 =	vmul.f32 $2.500000000e-01, v1  }
0x16c: {  	s31 =	sadd.s32 $0x10, s0  }
0x16d: {  	[tilespmem:s31+$0x0] =	vst v1  }
0x16e: {  	_ =	swait.ge [sflag:s24], $0x80  }
0x16f: {  	[sflag:s24] =	ssyncset.done $0x0  }
0x170: {  	[sflag:s24] =	ssyncadd.s32 $0xFFFFFF80  }
0x171: {  	_ =	swait.ge [sflag:s24], $0x80  }
0x172: {  	[sflag:s24] =	ssyncset.done $0x0  }
0x173: {  	[sflag:s24] =	ssyncadd.s32 $0xFFFFFF80  }
0x174: {  	_ =	swait.ge [sflag:s24], $0x80  }
0x175: {  	[sflag:s24] =	ssyncset.done $0x0  }
0x176: {  	[sflag:s24] =	ssyncadd.s32 $0xFFFFFF80  }
0x177: {  	_ =	swait.ge [sflag:s24], $0x80  }
0x178: {  	s0 =	simm.s32 $0x0;
	[sflag:s24] =	ssyncset.done $0x0  }
.LBB2_38:
0x179: {  	s0 =	sadd.s32 $0x4, s0;
	[sflag:s24] =	ssyncadd.s32 $0xFFFFFF80  }
0x17a: {  	_ =	swait.ge [sflag:s24], $0x80;
	p0 =	slt.u32 s0, $0x7C  }
0x17b: {  	[sflag:s24] =	ssyncset.done $0x0  }
0x17c: {  	[sflag:s24] =	ssyncadd.s32 $0xFFFFFF80  }
0x17d: {  	_ =	swait.ge [sflag:s24], $0x80  }
0x17e: {  	[sflag:s24] =	ssyncset.done $0x0  }
0x17f: {  	[sflag:s24] =	ssyncadd.s32 $0xFFFFFF80  }
.Ltmp18:
0x180: {  	_ =	swait.ge [sflag:s24], $0x80;
	(pc) =	sbr.rel @p0 .LBB2_38-.Ltmp18, $4  }
0x181: {  	[sflag:s24] =	ssyncset.done $0x0  }
0x182: {  	[sflag:s24] =	ssyncadd.s32 $0xFFFFFF80  }
0x183: {  	_ =	swait.ge [sflag:s24], $0x80  }
0x184: {  	[sflag:s24] =	ssyncset.done $0x0  }
0x185: {  	[sflag:s24] =	ssyncadd.s32 $0xFFFFFF80;
	s0 =	stileid.u32;
	s1 =	simm.s32 $0x10  }
0x186: {  	s28 =	simm.s32 $0x0;
	s0 =	sshll.u32 s0, $0x6;
	[bflag:$0x0] =	sbarrier.arrive $0xFFFF  }
0x187: {  	s31 =	simm.s32 $0x200;
	s17 =	simm.s32 $0x400;
	[dreg:$0x12] =	wrdreg s0  }
0x188: {  	s19 =	simm.s32 $0x80;
	s8 =	sand.u32 $0x3A00, s31;
	s20 =	rddreg [dreg:$0x9]  }
0x189: {  	s6 =	sor.u32 $0x1C04, s0;
	s21 =	rddreg [dreg:$0xd];
	s0 =	sand.u32 $0x3800, s28  }
0x18a: {  	s28 =	simm.s32 $0x100;
	s7 =	sshrl.u32 s20, $0x3;
	[dreg:$0x13] =	wrdreg s6  }
0x18b: {  	s0 =	sshrl.u32 s0, $0x2;
	s20 =	simm.s32 $0x600;
	[dreg:$0x14] =	wrdreg s7  }
0x18c: {  	[hbm:s21@s23], [sflag:s6] =	dma.strided [spmem:s7@s1], $0x800, s24, $0x10   }
0x18d: {  	s0 =	sor.u32 $0x7000, s0;
	s31 =	sand.u32 $0x3E00, s20;
	s7 =	simm.s32 $0x0  }
0x18e: {  	[spmem:s3] =	stream.indirect.scatter.add.f32 [tilespmem:s0], [sflag:$0x2], $0x1, s7, s23, $0xb8;
	[tilespmem:$0x19000] =	vst v63  }
0x18f: {  	s1 =	sand.u32 $0x3C00, s17;
	s6 =	simm.s32 $0x0;
	s0 =	sshrl.u32 s8, $0x2  }
0x190: {  	s1 =	sshrl.u32 s1, $0x2;
	s7 =	sshrl.u32 s31, $0x2;
	s0 =	sor.u32 $0x7000, s0  }
0x191: {  	[spmem:s3] =	stream.indirect.scatter.add.f32 [tilespmem:s0], [sflag:$0x2], $0x1, s19, s23, $0xb8;
	[tilespmem:$0x19000] =	vst v63  }
0x192: {  	s21 =	sor.u32 $0x7000, s1;
	s1 =	simm.s32 $0xE00;
	s0 =	simm.s32 $0x180  }
0x193: {  	[spmem:s3] =	stream.indirect.scatter.add.f32 [tilespmem:s21], [sflag:$0x2], $0x1, s28, s23, $0xb8;
	[tilespmem:$0x19000] =	vst v63  }
.LBB2_40:
0x194: {  	s8 =	sadd.s32 $0xFFFFFA00, s1;
	s7 =	sor.u32 $0x7000, s7;
	s17 =	smov.u32 s1  }
0x195: {  	[spmem:s3] =	stream.indirect.scatter.add.f32 [tilespmem:s7], [sflag:$0x2], $0x1, s0, s23, $0xb8;
	[tilespmem:$0x19000] =	vst v63  }
0x196: {  	s6 =	sadd.s32 $0x4, s6;
	s7 =	sand.u32 $0x3800, s8;
	s0 =	sshra.s32 s1, $0x2  }
0x197: {  	s8 =	sadd.s32 $0xFFFFFC00, s1;
	p0 =	slt.u32 s6, $0x7C;
	s7 =	sshrl.u32 s7, $0x2  }
0x198: {  	s1 =	sadd.s32 $0x800, s1;
	s19 =	sadd.s32 $0xFFFFFE80, s0;
	s7 =	sor.u32 $0x7000, s7  }
0x199: {  	[spmem:s3] =	stream.indirect.scatter.add.f32 [tilespmem:s7], [sflag:$0x2], $0x1, s19, s23, $0xb8;
	[tilespmem:$0x19000] =	vst v63  }
0x19a: {  	s7 =	sand.u32 $0x3A00, s8;
	s8 =	sadd.s32 $0xFFFFFE00, s17;
	s17 =	sand.u32 $0x3E00, s17  }
.Ltmp19:
0x19b: {  	s7 =	sshrl.u32 s7, $0x2;
	s8 =	sand.u32 $0x3C00, s8;
	(pc) =	sbr.rel @p0 .LBB2_40-.Ltmp19, $4  }
0x19c: {  	s19 =	sadd.s32 $0xFFFFFF00, s0;
	s7 =	sor.u32 $0x7000, s7;
	s8 =	sshrl.u32 s8, $0x2  }
0x19d: {  	[spmem:s3] =	stream.indirect.scatter.add.f32 [tilespmem:s7], [sflag:$0x2], $0x1, s19, s23, $0xb8;
	[tilespmem:$0x19000] =	vst v63  }
0x19e: {  	s8 =	sor.u32 $0x7000, s8;
	s19 =	sadd.s32 $0xFFFFFF80, s0;
	s7 =	sshrl.u32 s17, $0x2  }
0x19f: {  	[spmem:s3] =	stream.indirect.scatter.add.f32 [tilespmem:s8], [sflag:$0x2], $0x1, s19, s23, $0xb8;
	[tilespmem:$0x19000] =	vst v63  }
0x1a0: {  	s1 =	sor.u32 $0x7000, s7;
	s7 =	sadd.s32 $0x0, s30  }
0x1a1: {  	[spmem:s3] =	stream.indirect.scatter.add.f32 [tilespmem:s1], [sflag:$0x2], $0x1, s0, s23, $0xb8;
	[tilespmem:$0x19000] =	vst v63  }
0x1a2: {  	s6 =	simm.s32 $0x4100;
	s0 =	simm.s32 $0x4000;
	s1 =	simm.s32 $0x80  }
.LBB2_42:
0x1a3: {  	[tilespmem:s0], [sflag:$0x7] =	stream.linear.gather [hbm4b:s7+s5], $0x80, $0x38;
	[tilespmem:$0x19000] =	vst v63  }
0x1a4: {  	s7 =	smov.u32 s1;
	s0 =	smov.u32 s6;
	p0 =	sne.s32 s1, $0xF80  }
.Ltmp20:
0x1a5: {  	s1 =	sadd.s32 $0x80, s1;
	(pc) =	sbr.rel @p0 .LBB2_42-.Ltmp20, $2  }
0x1a6: {  	_ =	sdelay $0x2  }
0x1a7: {  	s6 =	sadd.s32 $0x100, s6;
	s7 =	sadd.s32 s7, s30  }
0x1a8: {  	[tilespmem:s0], [sflag:$0x7] =	stream.linear.gather [hbm4b:s7+s5], $0x80, $0x38;
	[tilespmem:$0x19000] =	vst v63  }
0x1a9: {  	s19 =	simm.s32 $0x0;
	s6 =	simm.s32 $0x7  }
0x1aa: {  	_ =	swait.ge [sflag:s6], $0x1000;
	s31 =	sand.u32 $0x7C00, s19  }
0x1ab: {  	s1 =	sand.u32 $0x70, s19;
	[sflag:s6] =	ssyncset.done $0x0;
	s0 =	sshrl.u32 s31, $0x2  }
0x1ac: {  	[sflag:s6] =	ssyncadd.s32 $0xFFFFF000;
	s0 =	sor.u32 s1, s0  }
0x1ad: {  	v1 =	vld [tilespmem:s0+$0x4000];
	_ =	sdelay $0x3  }
0x1ae: {  	s7 =	simm.s32 $0x10;
	s1 =	simm.s32 $0x80  }
0x1af: {  	s6 =	simm.s32 $0x20;
	s0 =	simm.s32 $0x8000;
	s8 =	sand.u32 $0x7C00, s1;
	v1 =	vmul.f32 $2.500000000e-01, v1  }
.LBB2_44:
0x1b0: {  	p0 =	sne.s32 s6, $0xFF0;
	s7 =	sand.u32 $0x70, s7;
	s8 =	sshrl.u32 s8, $0x2  }
0x1b1: {  	s8 =	sor.u32 s7, s8;
	[tilespmem:s0+$0x0] =	vst v1;
	s7 =	smov.u32 s6  }
0x1b2: {  	v1 =	vld [tilespmem:s8+$0x4000]  }
.Ltmp21:
0x1b3: {  	(pc) =	sbr.rel @p0 .LBB2_44-.Ltmp21, $3  }
0x1b4: {  	_ =	sdelay $0x1  }
0x1b5: {  	s1 =	sadd.s32 $0x80, s1  }
0x1b6: {  	s6 =	sadd.s32 $0x10, s6;
	s0 =	sadd.s32 $0x10, s0;
	s8 =	sand.u32 $0x7C00, s1;
	v1 =	vmul.f32 $2.500000000e-01, v1  }
0x1b7: {  	s1 =	sand.u32 $0x70, s7;
	s6 =	sshrl.u32 s8, $0x2  }
0x1b8: {  	s1 =	sor.u32 s1, s6;
	[tilespmem:s0+$0x0] =	vst v1  }
0x1b9: {  	v1 =	vld [tilespmem:s1+$0x4000];
	_ =	sdelay $0x4  }
0x1ba: {  	v1 =	vmul.f32 $2.500000000e-01, v1  }
0x1bb: {  	s31 =	sadd.s32 $0x10, s0  }
0x1bc: {  	[tilespmem:s31+$0x0] =	vst v1  }
.LBB2_46:
0x1bd: {  	s0 =	simm.s32 $0x0;
	s1 =	simm.s32 $0x200;
	s6 =	simm.s32 $0x0  }
0x1be: {  	s17 =	simm.s32 $0x400;
	s20 =	simm.s32 $0x80;
	s0 =	sand.u32 $0x3800, s0  }
0x1bf: {  	s21 =	simm.s32 $0x600;
	s31 =	simm.s32 $0x100;
	s0 =	sshrl.u32 s0, $0x2  }
0x1c0: {  	s8 =	sand.u32 $0x3A00, s1;
	s1 =	sand.u32 $0x3C00, s17;
	s0 =	sor.u32 $0x8000, s0  }
0x1c1: {  	[spmem:s4] =	stream.indirect.scatter.add.f32 [tilespmem:s0], [sflag:$0x3], $0x1, s6, s23, $0xb8;
	[tilespmem:$0x19000] =	vst v63  }
0x1c2: {  	s7 =	sand.u32 $0x3E00, s21;
	s1 =	sshrl.u32 s1, $0x2;
	s0 =	sshrl.u32 s8, $0x2  }
0x1c3: {  	s7 =	sshrl.u32 s7, $0x2;
	s28 =	sor.u32 $0x8000, s1;
	s0 =	sor.u32 $0x8000, s0  }
0x1c4: {  	[spmem:s4] =	stream.indirect.scatter.add.f32 [tilespmem:s0], [sflag:$0x3], $0x1, s20, s23, $0xb8;
	[tilespmem:$0x19000] =	vst v63  }
0x1c5: {  	s1 =	simm.s32 $0xE00;
	s6 =	simm.s32 $0x0;
	s0 =	simm.s32 $0x180  }
0x1c6: {  	[spmem:s4] =	stream.indirect.scatter.add.f32 [tilespmem:s28], [sflag:$0x3], $0x1, s31, s23, $0xb8;
	[tilespmem:$0x19000] =	vst v63  }
.LBB2_47:
0x1c7: {  	s8 =	sadd.s32 $0xFFFFFA00, s1;
	s7 =	sor.u32 $0x8000, s7;
	s17 =	smov.u32 s1  }
0x1c8: {  	[spmem:s4] =	stream.indirect.scatter.add.f32 [tilespmem:s7], [sflag:$0x3], $0x1, s0, s23, $0xb8;
	[tilespmem:$0x19000] =	vst v63  }
0x1c9: {  	s6 =	sadd.s32 $0x4, s6;
	s7 =	sand.u32 $0x3800, s8;
	s0 =	sshra.s32 s1, $0x2  }
0x1ca: {  	s8 =	sadd.s32 $0xFFFFFC00, s1;
	p0 =	slt.u32 s6, $0x7C;
	s7 =	sshrl.u32 s7, $0x2  }
0x1cb: {  	s1 =	sadd.s32 $0x800, s1;
	s20 =	sadd.s32 $0xFFFFFE80, s0;
	s7 =	sor.u32 $0x8000, s7  }
0x1cc: {  	[spmem:s4] =	stream.indirect.scatter.add.f32 [tilespmem:s7], [sflag:$0x3], $0x1, s20, s23, $0xb8;
	[tilespmem:$0x19000] =	vst v63  }
0x1cd: {  	s7 =	sand.u32 $0x3A00, s8;
	s8 =	sadd.s32 $0xFFFFFE00, s17;
	s17 =	sand.u32 $0x3E00, s17  }
.Ltmp22:
0x1ce: {  	s7 =	sshrl.u32 s7, $0x2;
	s8 =	sand.u32 $0x3C00, s8;
	(pc) =	sbr.rel @p0 .LBB2_47-.Ltmp22, $4  }
0x1cf: {  	s20 =	sadd.s32 $0xFFFFFF00, s0;
	s7 =	sor.u32 $0x8000, s7;
	s8 =	sshrl.u32 s8, $0x2  }
0x1d0: {  	[spmem:s4] =	stream.indirect.scatter.add.f32 [tilespmem:s7], [sflag:$0x3], $0x1, s20, s23, $0xb8;
	[tilespmem:$0x19000] =	vst v63  }
0x1d1: {  	s8 =	sor.u32 $0x8000, s8;
	s20 =	sadd.s32 $0xFFFFFF80, s0;
	s7 =	sshrl.u32 s17, $0x2  }
0x1d2: {  	[spmem:s4] =	stream.indirect.scatter.add.f32 [tilespmem:s8], [sflag:$0x3], $0x1, s20, s23, $0xb8;
	[tilespmem:$0x19000] =	vst v63  }
0x1d3: {  	s1 =	sor.u32 $0x8000, s7;
	s20 =	simm.s32 $0x4  }
0x1d4: {  	[spmem:s4] =	stream.indirect.scatter.add.f32 [tilespmem:s1], [sflag:$0x3], $0x1, s0, s23, $0xb8;
	[tilespmem:$0x19000] =	vst v63  }
0x1d5: {  	_ =	swait.ge [sflag:s20], $0x800  }
0x1d6: {  	s28 =	simm.s32 $0x9000;
	[sflag:s20] =	ssyncset.done $0x0  }
0x1d7: {  	s31 =	simm.s32 $0x8;
	s21 =	rddreg [dreg:$0x9];
	[sflag:s20] =	ssyncadd.s32 $0xFFFFF800  }
0x1d8: {  	[spmem:s21] =	stream.linear.scatter [tilespmem:s28], [sflag:$0x8], $0x4000, $0x38;
	[tilespmem:$0x19000] =	vst v63  }
0x1d9: {  	_ =	swait.ge [sflag:s31], $0x4000  }
0x1da: {  	[sflag:s31] =	ssyncset.done $0x0  }
0x1db: {  	[sflag:s31] =	ssyncadd.s32 $0xFFFFC000  }
0x1dc: {  	_ =	swait.ge [sflag:s18], $0x80  }
0x1dd: {  	[sflag:s18] =	ssyncset.done $0x0  }
0x1de: {  	[sflag:s18] =	ssyncadd.s32 $0xFFFFFF80  }
0x1df: {  	_ =	swait.ge [sflag:s18], $0x80  }
0x1e0: {  	[sflag:s18] =	ssyncset.done $0x0  }
0x1e1: {  	[sflag:s18] =	ssyncadd.s32 $0xFFFFFF80  }
0x1e2: {  	_ =	swait.ge [sflag:s18], $0x80  }
0x1e3: {  	[sflag:s18] =	ssyncset.done $0x0  }
0x1e4: {  	[sflag:s18] =	ssyncadd.s32 $0xFFFFFF80  }
0x1e5: {  	_ =	swait.ge [sflag:s18], $0x80  }
0x1e6: {  	s0 =	simm.s32 $0x0;
	[sflag:s18] =	ssyncset.done $0x0  }
.LBB2_49:
0x1e7: {  	s0 =	sadd.s32 $0x4, s0;
	[sflag:s18] =	ssyncadd.s32 $0xFFFFFF80  }
0x1e8: {  	_ =	swait.ge [sflag:s18], $0x80;
	p0 =	slt.u32 s0, $0x7C  }
0x1e9: {  	[sflag:s18] =	ssyncset.done $0x0  }
0x1ea: {  	[sflag:s18] =	ssyncadd.s32 $0xFFFFFF80  }
0x1eb: {  	_ =	swait.ge [sflag:s18], $0x80  }
0x1ec: {  	[sflag:s18] =	ssyncset.done $0x0  }
0x1ed: {  	[sflag:s18] =	ssyncadd.s32 $0xFFFFFF80  }
.Ltmp23:
0x1ee: {  	_ =	swait.ge [sflag:s18], $0x80;
	(pc) =	sbr.rel @p0 .LBB2_49-.Ltmp23, $4  }
0x1ef: {  	[sflag:s18] =	ssyncset.done $0x0  }
0x1f0: {  	[sflag:s18] =	ssyncadd.s32 $0xFFFFFF80  }
0x1f1: {  	_ =	swait.ge [sflag:s18], $0x80  }
0x1f2: {  	[sflag:s18] =	ssyncset.done $0x0  }
0x1f3: {  	s8 =	smul.u32 $0x3, s19;
	_ =	sdelay $0x1  }
0x1f4: {  	s6 =	rddreg [dreg:$0xb];
	s0 =	sadd.s32 $0x1, s8  }
0x1f5: {  	[sflag:s18] =	ssyncadd.s32 $0xFFFFFF80;
	s17 =	rddreg [dreg:$0x8];
	s1 =	sadd.s32 s6, s0  }
0x1f6: {  	[bflag:$0x0] =	sbarrier.arrive $0xFFFF;
	s0 =	sshll.u32 s0, $0x7;
	s1 =	sshll.u32 s1, $0x12  }
0x1f7: {  	s20 =	rddreg [dreg:$0x6];
	s0 =	sand.u32 $0x380, s0;
	s1 =	sand.u32 $0x7E00000, s1  }
0x1f8: {  	s21 =	rddreg [dreg:$0x12];
	s0 =	sor.u32 s1, s0  }
0x1f9: {  	s28 =	rddreg [dreg:$0xa];
	s7 =	sor.u32 $0x1C05, s21;
	s0 =	sor.u32 s17, s0  }
0x1fa: {  	[dreg:$0x15] =	wrdreg s7;
	s17 =	sshrl.u32 s28, $0x3;
	s0 =	sshrl.u32 s0, $0x3  }
0x1fb: {  	s31 =	simm.s32 $0x10;
	[dreg:$0x16] =	wrdreg s17;
	s0 =	sadd.s32 s20, s0  }
0x1fc: {  	[hbm:s0@s23], [sflag:s7] =	dma.strided [spmem:s17@s31], $0x800, s24, $0x10   }
0x1fd: {  	s7 =	sadd.s32 $0x3, s8  }
0x1fe: {  	s17 =	sadd.s32 s6, s7  }
0x1ff: {  	s0 =	sshll.u32 s7, $0x7;
	s20 =	sshll.u32 s17, $0x10  }
0x200: {  	s6 =	sand.u32 $0x380, s0;
	s21 =	sand.u32 $0xF80000, s20  }
0x201: {  	s28 =	rddreg [dreg:$0x7];
	s0 =	sor.u32 s21, s6  }
0x202: {  	s0 =	sor.u32 s28, s0  }
0x203: {  	s31 =	rddreg [dreg:$0x0];
	s0 =	sshrl.u32 s0, $0x3  }
0x204: {  	s1 =	simm.s32 $0x4000;
	s0 =	sadd.s32 s31, s0  }
0x205: {  	s7 =	simm.s32 $0x80;
	s20 =	simm.s32 $0x4100;
	s21 =	sadd.s32 $0x0, s0  }
.LBB2_51:
0x206: {  	[tilespmem:s1], [sflag:$0x7] =	stream.linear.gather [hbm4b:s21+s5], $0x80, $0x38;
	[tilespmem:$0x19000] =	vst v63  }
0x207: {  	s21 =	smov.u32 s7;
	s1 =	smov.u32 s20;
	p0 =	sne.s32 s7, $0xF80  }
.Ltmp24:
0x208: {  	s7 =	sadd.s32 $0x80, s7;
	(pc) =	sbr.rel @p0 .LBB2_51-.Ltmp24, $2  }
0x209: {  	_ =	sdelay $0x2  }
0x20a: {  	s20 =	sadd.s32 $0x100, s20;
	s21 =	sadd.s32 s21, s0  }
0x20b: {  	[tilespmem:s1], [sflag:$0x7] =	stream.linear.gather [hbm4b:s21+s5], $0x80, $0x38;
	[tilespmem:$0x19000] =	vst v63  }
0x20c: {  	s0 =	simm.s32 $0x0;
	s7 =	simm.s32 $0x7  }
0x20d: {  	_ =	swait.ge [sflag:s7], $0x1000;
	s31 =	sand.u32 $0x7C00, s0  }
0x20e: {  	s0 =	sand.u32 $0x70, s0;
	[sflag:s7] =	ssyncset.done $0x0;
	s1 =	sshrl.u32 s31, $0x2  }
0x20f: {  	[sflag:s7] =	ssyncadd.s32 $0xFFFFF000;
	s0 =	sor.u32 s0, s1  }
0x210: {  	v1 =	vld [tilespmem:s0+$0x4000];
	_ =	sdelay $0x3  }
0x211: {  	s20 =	simm.s32 $0x10;
	s1 =	simm.s32 $0x80  }
0x212: {  	s7 =	simm.s32 $0x20;
	s0 =	simm.s32 $0x6000;
	s21 =	sand.u32 $0x7C00, s1;
	v1 =	vmul.f32 $2.500000000e-01, v1  }
.LBB2_53:
0x213: {  	p0 =	sne.s32 s7, $0xFF0;
	s20 =	sand.u32 $0x70, s20;
	s21 =	sshrl.u32 s21, $0x2  }
0x214: {  	s21 =	sor.u32 s20, s21;
	[tilespmem:s0+$0x0] =	vst v1;
	s20 =	smov.u32 s7  }
0x215: {  	v1 =	vld [tilespmem:s21+$0x4000]  }
.Ltmp25:
0x216: {  	(pc) =	sbr.rel @p0 .LBB2_53-.Ltmp25, $3  }
0x217: {  	_ =	sdelay $0x1  }
0x218: {  	s1 =	sadd.s32 $0x80, s1  }
0x219: {  	s7 =	sadd.s32 $0x10, s7;
	s0 =	sadd.s32 $0x10, s0;
	s21 =	sand.u32 $0x7C00, s1;
	v1 =	vmul.f32 $2.500000000e-01, v1  }
0x21a: {  	s1 =	sand.u32 $0x70, s20;
	s7 =	sshrl.u32 s21, $0x2  }
0x21b: {  	s1 =	sor.u32 s1, s7;
	[tilespmem:s0+$0x0] =	vst v1  }
0x21c: {  	v1 =	vld [tilespmem:s1+$0x4000];
	_ =	sdelay $0x3  }
0x21d: {  	s31 =	simm.s32 $0x0  }
0x21e: {  	s20 =	simm.s32 $0x200;
	s21 =	simm.s32 $0x0;
	s1 =	sand.u32 $0x3800, s31;
	v1 =	vmul.f32 $2.500000000e-01, v1  }
0x21f: {  	s28 =	simm.s32 $0x400;
	s7 =	sadd.s32 $0x10, s0;
	s1 =	sshrl.u32 s1, $0x2  }
0x220: {  	s0 =	sand.u32 $0x3A00, s20;
	s20 =	simm.s32 $0x600;
	s1 =	sor.u32 $0x6000, s1;
	[tilespmem:s7+$0x0] =	vst v1  }
0x221: {  	[spmem:s2] =	stream.indirect.scatter.add.f32 [tilespmem:s1], [sflag:$0x1], $0x1, s21, s23, $0xb8;
	[tilespmem:$0x19000] =	vst v63  }
0x222: {  	s0 =	sshrl.u32 s0, $0x2;
	s31 =	simm.s32 $0x80;
	s1 =	sand.u32 $0x3C00, s28  }
0x223: {  	s0 =	sor.u32 $0x6000, s0;
	s7 =	simm.s32 $0x0;
	s1 =	sshrl.u32 s1, $0x2  }
0x224: {  	[spmem:s2] =	stream.indirect.scatter.add.f32 [tilespmem:s0], [sflag:$0x1], $0x1, s31, s23, $0xb8;
	[tilespmem:$0x19000] =	vst v63  }
0x225: {  	s28 =	simm.s32 $0x100;
	s21 =	sor.u32 $0x6000, s1;
	s31 =	sand.u32 $0x3E00, s20  }
0x226: {  	s0 =	simm.s32 $0x180;
	s1 =	simm.s32 $0xE00;
	s20 =	sshrl.u32 s31, $0x2  }
0x227: {  	[spmem:s2] =	stream.indirect.scatter.add.f32 [tilespmem:s21], [sflag:$0x1], $0x1, s28, s23, $0xb8;
	[tilespmem:$0x19000] =	vst v63  }
.LBB2_55:
0x228: {  	s21 =	sadd.s32 $0xFFFFFA00, s1;
	s20 =	sor.u32 $0x6000, s20;
	s28 =	smov.u32 s1  }
0x229: {  	[spmem:s2] =	stream.indirect.scatter.add.f32 [tilespmem:s20], [sflag:$0x1], $0x1, s0, s23, $0xb8;
	[tilespmem:$0x19000] =	vst v63  }
0x22a: {  	s7 =	sadd.s32 $0x4, s7;
	s20 =	sand.u32 $0x3800, s21;
	s0 =	sshra.s32 s1, $0x2  }
0x22b: {  	s21 =	sadd.s32 $0xFFFFFC00, s1;
	p0 =	slt.u32 s7, $0x7C;
	s20 =	sshrl.u32 s20, $0x2  }
0x22c: {  	s1 =	sadd.s32 $0x800, s1;
	s31 =	sadd.s32 $0xFFFFFE80, s0;
	s20 =	sor.u32 $0x6000, s20  }
0x22d: {  	[spmem:s2] =	stream.indirect.scatter.add.f32 [tilespmem:s20], [sflag:$0x1], $0x1, s31, s23, $0xb8;
	[tilespmem:$0x19000] =	vst v63  }
0x22e: {  	s20 =	sand.u32 $0x3A00, s21;
	s21 =	sadd.s32 $0xFFFFFE00, s28;
	s28 =	sand.u32 $0x3E00, s28  }
.Ltmp26:
0x22f: {  	s20 =	sshrl.u32 s20, $0x2;
	s21 =	sand.u32 $0x3C00, s21;
	(pc) =	sbr.rel @p0 .LBB2_55-.Ltmp26, $4  }
0x230: {  	s31 =	sadd.s32 $0xFFFFFF00, s0;
	s20 =	sor.u32 $0x6000, s20;
	s21 =	sshrl.u32 s21, $0x2  }
0x231: {  	[spmem:s2] =	stream.indirect.scatter.add.f32 [tilespmem:s20], [sflag:$0x1], $0x1, s31, s23, $0xb8;
	[tilespmem:$0x19000] =	vst v63  }
0x232: {  	s21 =	sor.u32 $0x6000, s21;
	s31 =	sadd.s32 $0xFFFFFF80, s0;
	s20 =	sshrl.u32 s28, $0x2  }
0x233: {  	[spmem:s2] =	stream.indirect.scatter.add.f32 [tilespmem:s21], [sflag:$0x1], $0x1, s31, s23, $0xb8;
	[tilespmem:$0x19000] =	vst v63  }
0x234: {  	s1 =	sor.u32 $0x6000, s20;
	s20 =	simm.s32 $0x5  }
0x235: {  	[spmem:s2] =	stream.indirect.scatter.add.f32 [tilespmem:s1], [sflag:$0x1], $0x1, s0, s23, $0xb8;
	[tilespmem:$0x19000] =	vst v63  }
0x236: {  	_ =	swait.ge [sflag:s20], $0x800  }
0x237: {  	s28 =	simm.s32 $0x9000;
	[sflag:s20] =	ssyncset.done $0x0  }
0x238: {  	s31 =	simm.s32 $0x8;
	s21 =	rddreg [dreg:$0xa];
	[sflag:s20] =	ssyncadd.s32 $0xFFFFF800  }
0x239: {  	[spmem:s21] =	stream.linear.scatter [tilespmem:s28], [sflag:$0x8], $0x4000, $0x38;
	[tilespmem:$0x19000] =	vst v63  }
0x23a: {  	_ =	swait.ge [sflag:s31], $0x4000  }
0x23b: {  	[sflag:s31] =	ssyncset.done $0x0  }
0x23c: {  	[sflag:s31] =	ssyncadd.s32 $0xFFFFC000  }
0x23d: {  	_ =	swait.ge [sflag:s26], $0x80  }
0x23e: {  	[sflag:s26] =	ssyncset.done $0x0  }
0x23f: {  	[sflag:s26] =	ssyncadd.s32 $0xFFFFFF80  }
0x240: {  	_ =	swait.ge [sflag:s26], $0x80  }
0x241: {  	[sflag:s26] =	ssyncset.done $0x0  }
0x242: {  	[sflag:s26] =	ssyncadd.s32 $0xFFFFFF80  }
0x243: {  	_ =	swait.ge [sflag:s26], $0x80  }
0x244: {  	[sflag:s26] =	ssyncset.done $0x0  }
0x245: {  	[sflag:s26] =	ssyncadd.s32 $0xFFFFFF80  }
0x246: {  	_ =	swait.ge [sflag:s26], $0x80  }
0x247: {  	s0 =	simm.s32 $0x0;
	[sflag:s26] =	ssyncset.done $0x0  }
.LBB2_57:
0x248: {  	s0 =	sadd.s32 $0x4, s0;
	[sflag:s26] =	ssyncadd.s32 $0xFFFFFF80  }
0x249: {  	_ =	swait.ge [sflag:s26], $0x80;
	p0 =	slt.u32 s0, $0x7C  }
0x24a: {  	[sflag:s26] =	ssyncset.done $0x0  }
0x24b: {  	[sflag:s26] =	ssyncadd.s32 $0xFFFFFF80  }
0x24c: {  	_ =	swait.ge [sflag:s26], $0x80  }
0x24d: {  	[sflag:s26] =	ssyncset.done $0x0  }
0x24e: {  	[sflag:s26] =	ssyncadd.s32 $0xFFFFFF80  }
.Ltmp27:
0x24f: {  	_ =	swait.ge [sflag:s26], $0x80;
	(pc) =	sbr.rel @p0 .LBB2_57-.Ltmp27, $4  }
0x250: {  	[sflag:s26] =	ssyncset.done $0x0  }
0x251: {  	[sflag:s26] =	ssyncadd.s32 $0xFFFFFF80  }
0x252: {  	_ =	swait.ge [sflag:s26], $0x80  }
0x253: {  	[sflag:s26] =	ssyncset.done $0x0  }
0x254: {  	s0 =	sadd.s32 $0x2, s8;
	s7 =	rddreg [dreg:$0xb]  }
0x255: {  	s1 =	sadd.s32 s7, s0  }
0x256: {  	s0 =	sshll.u32 s0, $0x7;
	s1 =	sshll.u32 s1, $0x12  }
0x257: {  	[sflag:s26] =	ssyncadd.s32 $0xFFFFFF80;
	s0 =	sand.u32 $0x380, s0;
	s1 =	sand.u32 $0x7E00000, s1  }
0x258: {  	s20 =	rddreg [dreg:$0x8];
	[bflag:$0x0] =	sbarrier.arrive $0xFFFF;
	s0 =	sor.u32 s1, s0  }
0x259: {  	s21 =	rddreg [dreg:$0x6];
	s0 =	sor.u32 s20, s0  }
0x25a: {  	s20 =	rddreg [dreg:$0x12];
	s0 =	sshrl.u32 s0, $0x3  }
0x25b: {  	s20 =	sor.u32 $0x1C06, s20;
	s1 =	sadd.s32 s21, s0;
	s21 =	rddreg [dreg:$0xc]  }
0x25c: {  	[dreg:$0x17] =	wrdreg s20;
	s21 =	sshrl.u32 s21, $0x3  }
0x25d: {  	s0 =	simm.s32 $0x10;
	[dreg:$0x18] =	wrdreg s21  }
0x25e: {  	[hbm:s1@s23], [sflag:s20] =	dma.strided [spmem:s21@s0], $0x800, s24, $0x10   }
0x25f: {  	s0 =	sadd.s32 $0x4, s8  }
0x260: {  	s7 =	sadd.s32 s7, s0  }
0x261: {  	s1 =	sshll.u32 s0, $0x7;
	s20 =	sshll.u32 s7, $0x10  }
0x262: {  	s1 =	sand.u32 $0x380, s1;
	s20 =	sand.u32 $0x1F80000, s20  }
0x263: {  	s0 =	rddreg [dreg:$0x7];
	s1 =	sor.u32 s20, s1  }
0x264: {  	s1 =	sor.u32 s0, s1  }
0x265: {  	s21 =	rddreg [dreg:$0x0];
	s1 =	sshrl.u32 s1, $0x3  }
0x266: {  	s31 =	simm.s32 $0x4100;
	s1 =	sadd.s32 s21, s1  }
0x267: {  	s20 =	simm.s32 $0x4000;
	s21 =	simm.s32 $0x80;
	s28 =	sadd.s32 $0x0, s1  }
.LBB2_59:
0x268: {  	[tilespmem:s20], [sflag:$0x7] =	stream.linear.gather [hbm4b:s28+s5], $0x80, $0x38;
	[tilespmem:$0x19000] =	vst v63  }
0x269: {  	s28 =	smov.u32 s21;
	s20 =	smov.u32 s31;
	p0 =	sne.s32 s21, $0xF80  }
.Ltmp28:
0x26a: {  	s21 =	sadd.s32 $0x80, s21;
	(pc) =	sbr.rel @p0 .LBB2_59-.Ltmp28, $2  }
0x26b: {  	_ =	sdelay $0x2  }
0x26c: {  	s31 =	sadd.s32 $0x100, s31;
	s28 =	sadd.s32 s28, s1  }
0x26d: {  	[tilespmem:s20], [sflag:$0x7] =	stream.linear.gather [hbm4b:s28+s5], $0x80, $0x38;
	[tilespmem:$0x19000] =	vst v63  }
0x26e: {  	s1 =	simm.s32 $0x0;
	s0 =	simm.s32 $0x7  }
0x26f: {  	_ =	swait.ge [sflag:s0], $0x1000;
	s21 =	sand.u32 $0x7C00, s1  }
0x270: {  	s1 =	sand.u32 $0x70, s1;
	[sflag:s0] =	ssyncset.done $0x0;
	s20 =	sshrl.u32 s21, $0x2  }
0x271: {  	[sflag:s0] =	ssyncadd.s32 $0xFFFFF000;
	s1 =	sor.u32 s1, s20  }
0x272: {  	v1 =	vld [tilespmem:s1+$0x4000];
	_ =	sdelay $0x3  }
0x273: {  	s31 =	simm.s32 $0x20;
	s20 =	simm.s32 $0x80  }
0x274: {  	s21 =	simm.s32 $0x10;
	s1 =	simm.s32 $0x7000;
	s28 =	sand.u32 $0x7C00, s20;
	v1 =	vmul.f32 $2.500000000e-01, v1  }
.LBB2_61:
0x275: {  	p0 =	sne.s32 s31, $0xFF0;
	s21 =	sand.u32 $0x70, s21;
	s28 =	sshrl.u32 s28, $0x2  }
0x276: {  	s28 =	sor.u32 s21, s28;
	[tilespmem:s1+$0x0] =	vst v1;
	s21 =	smov.u32 s31  }
0x277: {  	v1 =	vld [tilespmem:s28+$0x4000]  }
.Ltmp29:
0x278: {  	(pc) =	sbr.rel @p0 .LBB2_61-.Ltmp29, $3  }
0x279: {  	_ =	sdelay $0x1  }
0x27a: {  	s20 =	sadd.s32 $0x80, s20  }
0x27b: {  	s31 =	sadd.s32 $0x10, s31;
	s1 =	sadd.s32 $0x10, s1;
	s28 =	sand.u32 $0x7C00, s20;
	v1 =	vmul.f32 $2.500000000e-01, v1  }
0x27c: {  	s20 =	sand.u32 $0x70, s21;
	s7 =	sshrl.u32 s28, $0x2  }
0x27d: {  	s20 =	sor.u32 s20, s7;
	[tilespmem:s1+$0x0] =	vst v1  }
0x27e: {  	v1 =	vld [tilespmem:s20+$0x4000];
	_ =	sdelay $0x3  }
0x27f: {  	s21 =	simm.s32 $0x0  }
0x280: {  	s28 =	sadd.s32 $0x10, s1;
	s0 =	simm.s32 $0x200;
	s20 =	sand.u32 $0x3800, s21;
	v1 =	vmul.f32 $2.500000000e-01, v1  }
0x281: {  	s31 =	simm.s32 $0xE00;
	s7 =	simm.s32 $0x0;
	s20 =	sshrl.u32 s20, $0x2  }
0x282: {  	s1 =	sand.u32 $0x3A00, s0;
	s21 =	simm.s32 $0x400;
	s20 =	sor.u32 $0x7000, s20;
	[tilespmem:s28+$0x0] =	vst v1  }
0x283: {  	[spmem:s3] =	stream.indirect.scatter.add.f32 [tilespmem:s20], [sflag:$0x2], $0x1, s7, s23, $0xb8;
	[tilespmem:$0x19000] =	vst v63  }
0x284: {  	s0 =	simm.s32 $0x600;
	s1 =	sshrl.u32 s1, $0x2;
	s20 =	sand.u32 $0x3C00, s21  }
0x285: {  	s1 =	sor.u32 $0x7000, s1;
	s28 =	simm.s32 $0x80;
	s20 =	sshrl.u32 s20, $0x2  }
0x286: {  	[spmem:s3] =	stream.indirect.scatter.add.f32 [tilespmem:s1], [sflag:$0x2], $0x1, s28, s23, $0xb8;
	[tilespmem:$0x19000] =	vst v63  }
0x287: {  	s7 =	simm.s32 $0x100;
	s20 =	sor.u32 $0x7000, s20;
	s28 =	sand.u32 $0x3E00, s0  }
0x288: {  	[spmem:s3] =	stream.indirect.scatter.add.f32 [tilespmem:s20], [sflag:$0x2], $0x1, s7, s23, $0xb8;
	[tilespmem:$0x19000] =	vst v63  }
0x289: {  	s1 =	simm.s32 $0x0;
	s21 =	sshrl.u32 s28, $0x2;
	s20 =	simm.s32 $0x180  }
.LBB2_63:
0x28a: {  	s28 =	sadd.s32 $0xFFFFFA00, s31;
	s21 =	sor.u32 $0x7000, s21;
	s0 =	smov.u32 s31  }
0x28b: {  	[spmem:s3] =	stream.indirect.scatter.add.f32 [tilespmem:s21], [sflag:$0x2], $0x1, s20, s23, $0xb8;
	[tilespmem:$0x19000] =	vst v63  }
0x28c: {  	s1 =	sadd.s32 $0x4, s1;
	s21 =	sand.u32 $0x3800, s28;
	s20 =	sshra.s32 s31, $0x2  }
0x28d: {  	s28 =	sadd.s32 $0xFFFFFC00, s31;
	p0 =	slt.u32 s1, $0x7C;
	s21 =	sshrl.u32 s21, $0x2  }
0x28e: {  	s31 =	sadd.s32 $0x800, s31;
	s7 =	sadd.s32 $0xFFFFFE80, s20;
	s21 =	sor.u32 $0x7000, s21  }
0x28f: {  	[spmem:s3] =	stream.indirect.scatter.add.f32 [tilespmem:s21], [sflag:$0x2], $0x1, s7, s23, $0xb8;
	[tilespmem:$0x19000] =	vst v63  }
0x290: {  	s7 =	sand.u32 $0x3A00, s28;
	s21 =	sadd.s32 $0xFFFFFE00, s0;
	s0 =	sand.u32 $0x3E00, s0  }
.Ltmp30:
0x291: {  	s7 =	sshrl.u32 s7, $0x2;
	s21 =	sand.u32 $0x3C00, s21;
	(pc) =	sbr.rel @p0 .LBB2_63-.Ltmp30, $4  }
0x292: {  	s28 =	sadd.s32 $0xFFFFFF00, s20;
	s7 =	sor.u32 $0x7000, s7;
	s21 =	sshrl.u32 s21, $0x2  }
0x293: {  	[spmem:s3] =	stream.indirect.scatter.add.f32 [tilespmem:s7], [sflag:$0x2], $0x1, s28, s23, $0xb8;
	[tilespmem:$0x19000] =	vst v63  }
0x294: {  	s7 =	sor.u32 $0x7000, s21;
	s28 =	sadd.s32 $0xFFFFFF80, s20;
	s21 =	sshrl.u32 s0, $0x2  }
0x295: {  	[spmem:s3] =	stream.indirect.scatter.add.f32 [tilespmem:s7], [sflag:$0x2], $0x1, s28, s23, $0xb8;
	[tilespmem:$0x19000] =	vst v63  }
0x296: {  	s0 =	sor.u32 $0x7000, s21;
	s21 =	simm.s32 $0x6  }
0x297: {  	[spmem:s3] =	stream.indirect.scatter.add.f32 [tilespmem:s0], [sflag:$0x2], $0x1, s20, s23, $0xb8;
	[tilespmem:$0x19000] =	vst v63  }
0x298: {  	_ =	swait.ge [sflag:s21], $0x800  }
0x299: {  	s1 =	simm.s32 $0x9000;
	[sflag:s21] =	ssyncset.done $0x0  }
0x29a: {  	s31 =	simm.s32 $0x8;
	s28 =	rddreg [dreg:$0xc];
	[sflag:s21] =	ssyncadd.s32 $0xFFFFF800  }
0x29b: {  	[spmem:s28] =	stream.linear.scatter [tilespmem:s1], [sflag:$0x8], $0x4000, $0x38;
	[tilespmem:$0x19000] =	vst v63  }
0x29c: {  	_ =	swait.ge [sflag:s31], $0x4000  }
0x29d: {  	[sflag:s31] =	ssyncset.done $0x0  }
0x29e: {  	[sflag:s31] =	ssyncadd.s32 $0xFFFFC000  }
0x29f: {  	_ =	swait.ge [sflag:s24], $0x80  }
0x2a0: {  	[sflag:s24] =	ssyncset.done $0x0  }
0x2a1: {  	[sflag:s24] =	ssyncadd.s32 $0xFFFFFF80  }
0x2a2: {  	_ =	swait.ge [sflag:s24], $0x80  }
0x2a3: {  	[sflag:s24] =	ssyncset.done $0x0  }
0x2a4: {  	[sflag:s24] =	ssyncadd.s32 $0xFFFFFF80  }
0x2a5: {  	_ =	swait.ge [sflag:s24], $0x80  }
0x2a6: {  	[sflag:s24] =	ssyncset.done $0x0  }
0x2a7: {  	[sflag:s24] =	ssyncadd.s32 $0xFFFFFF80  }
0x2a8: {  	_ =	swait.ge [sflag:s24], $0x80  }
0x2a9: {  	s1 =	simm.s32 $0x0;
	[sflag:s24] =	ssyncset.done $0x0  }
.LBB2_65:
0x2aa: {  	s1 =	sadd.s32 $0x4, s1;
	[sflag:s24] =	ssyncadd.s32 $0xFFFFFF80  }
0x2ab: {  	_ =	swait.ge [sflag:s24], $0x80;
	p0 =	slt.u32 s1, $0x7C  }
0x2ac: {  	[sflag:s24] =	ssyncset.done $0x0  }
0x2ad: {  	[sflag:s24] =	ssyncadd.s32 $0xFFFFFF80  }
0x2ae: {  	_ =	swait.ge [sflag:s24], $0x80  }
0x2af: {  	[sflag:s24] =	ssyncset.done $0x0  }
0x2b0: {  	[sflag:s24] =	ssyncadd.s32 $0xFFFFFF80  }
.Ltmp31:
0x2b1: {  	_ =	swait.ge [sflag:s24], $0x80;
	(pc) =	sbr.rel @p0 .LBB2_65-.Ltmp31, $4  }
0x2b2: {  	[sflag:s24] =	ssyncset.done $0x0  }
0x2b3: {  	[sflag:s24] =	ssyncadd.s32 $0xFFFFFF80  }
0x2b4: {  	_ =	swait.ge [sflag:s24], $0x80  }
0x2b5: {  	[sflag:s24] =	ssyncset.done $0x0  }
0x2b6: {  	s0 =	sshll.u32 s17, $0x12  }
0x2b7: {  	[sflag:s24] =	ssyncadd.s32 $0xFFFFFF80;
	s0 =	sand.u32 $0x7E00000, s0  }
0x2b8: {  	s1 =	rddreg [dreg:$0x8];
	[bflag:$0x0] =	sbarrier.arrive $0xFFFF;
	s0 =	sor.u32 s0, s6  }
0x2b9: {  	s7 =	rddreg [dreg:$0x6];
	s0 =	sor.u32 s1, s0  }
0x2ba: {  	s20 =	rddreg [dreg:$0x13];
	s0 =	sshrl.u32 s0, $0x3  }
0x2bb: {  	s17 =	simm.s32 $0x10;
	s0 =	sadd.s32 s7, s0;
	s7 =	rddreg [dreg:$0x14]  }
0x2bc: {  	[hbm:s0@s23], [sflag:s20] =	dma.strided [spmem:s7@s17], $0x800, s24, $0x10   }
0x2bd: {  	s21 =	sadd.s32 $0x5, s8;
	s1 =	rddreg [dreg:$0xb]  }
0x2be: {  	s1 =	sadd.s32 s1, s21  }
0x2bf: {  	s0 =	sshll.u32 s21, $0x7;
	s1 =	sshll.u32 s1, $0x10  }
0x2c0: {  	s0 =	sand.u32 $0x380, s0;
	s1 =	sand.u32 $0x1F80000, s1  }
0x2c1: {  	s28 =	rddreg [dreg:$0x7];
	s0 =	sor.u32 s1, s0  }
0x2c2: {  	s0 =	sor.u32 s28, s0  }
0x2c3: {  	s31 =	rddreg [dreg:$0x0];
	s0 =	sshrl.u32 s0, $0x3  }
0x2c4: {  	s8 =	simm.s32 $0x80;
	s1 =	sadd.s32 s31, s0  }
0x2c5: {  	s6 =	simm.s32 $0x4000;
	s17 =	simm.s32 $0x4100;
	s20 =	sadd.s32 $0x0, s1  }
.LBB2_67:
0x2c6: {  	[tilespmem:s6], [sflag:$0x7] =	stream.linear.gather [hbm4b:s20+s5], $0x80, $0x38;
	[tilespmem:$0x19000] =	vst v63  }
0x2c7: {  	s0 =	smov.u32 s8;
	s6 =	smov.u32 s17;
	p0 =	sne.s32 s8, $0xF80  }
.Ltmp32:
0x2c8: {  	s8 =	sadd.s32 $0x80, s8;
	(pc) =	sbr.rel @p0 .LBB2_67-.Ltmp32, $2  }
0x2c9: {  	_ =	sdelay $0x2  }
0x2ca: {  	s17 =	sadd.s32 $0x100, s17;
	s20 =	sadd.s32 s0, s1  }
0x2cb: {  	[tilespmem:s6], [sflag:$0x7] =	stream.linear.gather [hbm4b:s20+s5], $0x80, $0x38;
	[tilespmem:$0x19000] =	vst v63  }
0x2cc: {  	s0 =	simm.s32 $0x0;
	s31 =	simm.s32 $0x7  }
0x2cd: {  	_ =	swait.ge [sflag:s31], $0x1000;
	s1 =	sand.u32 $0x7C00, s0  }
0x2ce: {  	s0 =	sand.u32 $0x70, s0;
	[sflag:s31] =	ssyncset.done $0x0;
	s1 =	sshrl.u32 s1, $0x2  }
0x2cf: {  	[sflag:s31] =	ssyncadd.s32 $0xFFFFF000;
	s0 =	sor.u32 s0, s1  }
0x2d0: {  	v1 =	vld [tilespmem:s0+$0x4000];
	_ =	sdelay $0x3  }
0x2d1: {  	s6 =	simm.s32 $0x80;
	s17 =	simm.s32 $0x10  }
0x2d2: {  	s8 =	simm.s32 $0x20;
	s20 =	sand.u32 $0x7C00, s6;
	s1 =	simm.s32 $0x8000;
	v1 =	vmul.f32 $2.500000000e-01, v1  }
.LBB2_69:
0x2d3: {  	p0 =	sne.s32 s8, $0xFF0;
	s0 =	sand.u32 $0x70, s17;
	s7 =	sshrl.u32 s20, $0x2  }
0x2d4: {  	s17 =	smov.u32 s8;
	s0 =	sor.u32 s0, s7;
	[tilespmem:s1+$0x0] =	vst v1  }
0x2d5: {  	v1 =	vld [tilespmem:s0+$0x4000]  }
.Ltmp33:
0x2d6: {  	(pc) =	sbr.rel @p0 .LBB2_69-.Ltmp33, $3  }
0x2d7: {  	_ =	sdelay $0x1  }
0x2d8: {  	s6 =	sadd.s32 $0x80, s6  }
0x2d9: {  	s8 =	sadd.s32 $0x10, s8;
	s20 =	sand.u32 $0x7C00, s6;
	s1 =	sadd.s32 $0x10, s1;
	v1 =	vmul.f32 $2.500000000e-01, v1  }
0x2da: {  	s0 =	sand.u32 $0x70, s17;
	s6 =	sshrl.u32 s20, $0x2  }
0x2db: {  	s0 =	sor.u32 s0, s6;
	[tilespmem:s1+$0x0] =	vst v1  }
0x2dc: {  	v1 =	vld [tilespmem:s0+$0x4000]  }
0x2dd: {  	s19 =	sadd.s32 $0x1, s19  }
0x2de: {  	p0 =	sne.s32 s19, $0x1F  }
.Ltmp34:
0x2df: {  	_ = 	snop;
	(pc) =	sbr.rel @p0 .LBB2_46-.Ltmp34, $4  }
0x2e0: {  	_ = 	snop  }
0x2e1: {  	v1 =	vmul.f32 $2.500000000e-01, v1  }
0x2e2: {  	s31 =	sadd.s32 $0x10, s1  }
0x2e3: {  	[tilespmem:s31+$0x0] =	vst v1  }
0x2e4: {  	s0 =	simm.s32 $0x0  }
0x2e5: {  	s1 =	simm.s32 $0x200;
	s0 =	sand.u32 $0x3800, s0  }
0x2e6: {  	s6 =	simm.s32 $0x0;
	s20 =	simm.s32 $0x400;
	s0 =	sshrl.u32 s0, $0x2  }
0x2e7: {  	s21 =	simm.s32 $0x80;
	s19 =	sand.u32 $0x3A00, s1;
	s0 =	sor.u32 $0x8000, s0  }
0x2e8: {  	[spmem:s4] =	stream.indirect.scatter.add.f32 [tilespmem:s0], [sflag:$0x3], $0x1, s6, s23, $0xb8;
	[tilespmem:$0x19000] =	vst v63  }
0x2e9: {  	s28 =	simm.s32 $0x600;
	s1 =	sand.u32 $0x3C00, s20;
	s0 =	sshrl.u32 s19, $0x2  }
0x2ea: {  	s31 =	simm.s32 $0x100;
	s1 =	sshrl.u32 s1, $0x2;
	s0 =	sor.u32 $0x8000, s0  }
0x2eb: {  	[spmem:s4] =	stream.indirect.scatter.add.f32 [tilespmem:s0], [sflag:$0x3], $0x1, s21, s23, $0xb8;
	[tilespmem:$0x19000] =	vst v63  }
0x2ec: {  	s8 =	simm.s32 $0xE00;
	s1 =	sor.u32 $0x8000, s1;
	s0 =	sand.u32 $0x3E00, s28  }
0x2ed: {  	[spmem:s4] =	stream.indirect.scatter.add.f32 [tilespmem:s1], [sflag:$0x3], $0x1, s31, s23, $0xb8;
	[tilespmem:$0x19000] =	vst v63  }
0x2ee: {  	s6 =	simm.s32 $0x0;
	s17 =	sshrl.u32 s0, $0x2;
	s1 =	simm.s32 $0x180  }
.LBB2_72:
0x2ef: {  	s0 =	sadd.s32 $0xFFFFFA00, s8;
	s7 =	sor.u32 $0x8000, s17;
	s17 =	smov.u32 s8  }
0x2f0: {  	[spmem:s4] =	stream.indirect.scatter.add.f32 [tilespmem:s7], [sflag:$0x3], $0x1, s1, s23, $0xb8;
	[tilespmem:$0x19000] =	vst v63  }
0x2f1: {  	s6 =	sadd.s32 $0x4, s6;
	s0 =	sand.u32 $0x3800, s0;
	s1 =	sshra.s32 s8, $0x2  }
0x2f2: {  	s7 =	sadd.s32 $0xFFFFFC00, s8;
	p0 =	slt.u32 s6, $0x7C;
	s0 =	sshrl.u32 s0, $0x2  }
0x2f3: {  	s8 =	sadd.s32 $0x800, s8;
	s19 =	sadd.s32 $0xFFFFFE80, s1;
	s0 =	sor.u32 $0x8000, s0  }
0x2f4: {  	[spmem:s4] =	stream.indirect.scatter.add.f32 [tilespmem:s0], [sflag:$0x3], $0x1, s19, s23, $0xb8;
	[tilespmem:$0x19000] =	vst v63  }
0x2f5: {  	s0 =	sand.u32 $0x3A00, s7;
	s7 =	sadd.s32 $0xFFFFFE00, s17;
	s17 =	sand.u32 $0x3E00, s17  }
.Ltmp35:
0x2f6: {  	s0 =	sshrl.u32 s0, $0x2;
	s7 =	sand.u32 $0x3C00, s7;
	(pc) =	sbr.rel @p0 .LBB2_72-.Ltmp35, $4  }
0x2f7: {  	s19 =	sadd.s32 $0xFFFFFF00, s1;
	s0 =	sor.u32 $0x8000, s0;
	s7 =	sshrl.u32 s7, $0x2  }
0x2f8: {  	[spmem:s4] =	stream.indirect.scatter.add.f32 [tilespmem:s0], [sflag:$0x3], $0x1, s19, s23, $0xb8;
	[tilespmem:$0x19000] =	vst v63  }
0x2f9: {  	s17 =	sshrl.u32 s17, $0x2;
	s0 =	sor.u32 $0x8000, s7;
	s7 =	sadd.s32 $0xFFFFFF80, s1  }
0x2fa: {  	[spmem:s4] =	stream.indirect.scatter.add.f32 [tilespmem:s0], [sflag:$0x3], $0x1, s7, s23, $0xb8;
	[tilespmem:$0x19000] =	vst v63  }
0x2fb: {  	s0 =	sor.u32 $0x8000, s17;
	s20 =	simm.s32 $0x4  }
0x2fc: {  	[spmem:s4] =	stream.indirect.scatter.add.f32 [tilespmem:s0], [sflag:$0x3], $0x1, s1, s23, $0xb8;
	[tilespmem:$0x19000] =	vst v63  }
0x2fd: {  	_ =	swait.ge [sflag:s20], $0x800  }
0x2fe: {  	s28 =	simm.s32 $0x9000;
	[sflag:s20] =	ssyncset.done $0x0  }
0x2ff: {  	s31 =	simm.s32 $0x8;
	s21 =	rddreg [dreg:$0x9];
	[sflag:s20] =	ssyncadd.s32 $0xFFFFF800  }
0x300: {  	[spmem:s21] =	stream.linear.scatter [tilespmem:s28], [sflag:$0x8], $0x4000, $0x38;
	[tilespmem:$0x19000] =	vst v63  }
0x301: {  	_ =	swait.ge [sflag:s31], $0x4000  }
0x302: {  	[sflag:s31] =	ssyncset.done $0x0  }
0x303: {  	[sflag:s31] =	ssyncadd.s32 $0xFFFFC000  }
0x304: {  	_ =	swait.ge [sflag:s18], $0x80  }
0x305: {  	[sflag:s18] =	ssyncset.done $0x0  }
0x306: {  	[sflag:s18] =	ssyncadd.s32 $0xFFFFFF80  }
0x307: {  	_ =	swait.ge [sflag:s18], $0x80  }
0x308: {  	[sflag:s18] =	ssyncset.done $0x0  }
0x309: {  	[sflag:s18] =	ssyncadd.s32 $0xFFFFFF80  }
0x30a: {  	_ =	swait.ge [sflag:s18], $0x80  }
0x30b: {  	[sflag:s18] =	ssyncset.done $0x0  }
0x30c: {  	[sflag:s18] =	ssyncadd.s32 $0xFFFFFF80  }
0x30d: {  	_ =	swait.ge [sflag:s18], $0x80  }
0x30e: {  	s1 =	simm.s32 $0x0;
	[sflag:s18] =	ssyncset.done $0x0  }
.LBB2_74:
0x30f: {  	s1 =	sadd.s32 $0x4, s1;
	[sflag:s18] =	ssyncadd.s32 $0xFFFFFF80  }
0x310: {  	_ =	swait.ge [sflag:s18], $0x80;
	p0 =	slt.u32 s1, $0x7C  }
0x311: {  	[sflag:s18] =	ssyncset.done $0x0  }
0x312: {  	[sflag:s18] =	ssyncadd.s32 $0xFFFFFF80  }
0x313: {  	_ =	swait.ge [sflag:s18], $0x80  }
0x314: {  	[sflag:s18] =	ssyncset.done $0x0  }
0x315: {  	[sflag:s18] =	ssyncadd.s32 $0xFFFFFF80  }
.Ltmp36:
0x316: {  	_ =	swait.ge [sflag:s18], $0x80;
	(pc) =	sbr.rel @p0 .LBB2_74-.Ltmp36, $4  }
0x317: {  	[sflag:s18] =	ssyncset.done $0x0  }
0x318: {  	[sflag:s18] =	ssyncadd.s32 $0xFFFFFF80  }
0x319: {  	_ =	swait.ge [sflag:s18], $0x80  }
0x31a: {  	[sflag:s18] =	ssyncset.done $0x0  }
0x31b: {  	[sflag:s18] =	ssyncadd.s32 $0xFFFFFF80  }
0x31c: {  	[bflag:$0x0] =	sbarrier.arrive $0xFFFF  }
0x31d: {  	s0 =	rddreg [dreg:$0xe]  }
0x31e: {  	s6 =	rddreg [dreg:$0x15]  }
0x31f: {  	s1 =	simm.s32 $0x10;
	s17 =	sadd.s32 $0x0, s25;
	s7 =	rddreg [dreg:$0x16]  }
0x320: {  	[hbm:s0@s23], [sflag:s6] =	dma.strided [spmem:s7@s1], $0x800, s24, $0x10   }
0x321: {  	s8 =	simm.s32 $0x4100;
	s1 =	simm.s32 $0x4000;
	s6 =	simm.s32 $0x80  }
.LBB2_76:
0x322: {  	[tilespmem:s1], [sflag:$0x7] =	stream.linear.gather [hbm4b:s17+s5], $0x80, $0x38;
	[tilespmem:$0x19000] =	vst v63  }
0x323: {  	s0 =	smov.u32 s6;
	s1 =	smov.u32 s8;
	p0 =	sne.s32 s6, $0xF80  }
.Ltmp37:
0x324: {  	s6 =	sadd.s32 $0x80, s6;
	(pc) =	sbr.rel @p0 .LBB2_76-.Ltmp37, $2  }
0x325: {  	_ =	sdelay $0x2  }
0x326: {  	s8 =	sadd.s32 $0x100, s8;
	s17 =	sadd.s32 s0, s25  }
0x327: {  	[tilespmem:s1], [sflag:$0x7] =	stream.linear.gather [hbm4b:s17+s5], $0x80, $0x38;
	[tilespmem:$0x19000] =	vst v63  }
0x328: {  	s0 =	simm.s32 $0x0;
	s6 =	simm.s32 $0x7  }
0x329: {  	_ =	swait.ge [sflag:s6], $0x1000;
	s31 =	sand.u32 $0x7C00, s0  }
0x32a: {  	s0 =	sand.u32 $0x70, s0;
	[sflag:s6] =	ssyncset.done $0x0;
	s1 =	sshrl.u32 s31, $0x2  }
0x32b: {  	[sflag:s6] =	ssyncadd.s32 $0xFFFFF000;
	s0 =	sor.u32 s0, s1  }
0x32c: {  	v1 =	vld [tilespmem:s0+$0x4000];
	_ =	sdelay $0x3  }
0x32d: {  	s17 =	simm.s32 $0x10;
	s6 =	simm.s32 $0x80  }
0x32e: {  	s8 =	simm.s32 $0x20;
	s1 =	simm.s32 $0x6000;
	s19 =	sand.u32 $0x7C00, s6;
	v1 =	vmul.f32 $2.500000000e-01, v1  }
.LBB2_78:
0x32f: {  	p0 =	sne.s32 s8, $0xFF0;
	s0 =	sand.u32 $0x70, s17;
	s7 =	sshrl.u32 s19, $0x2  }
0x330: {  	s17 =	smov.u32 s8;
	s0 =	sor.u32 s0, s7;
	[tilespmem:s1+$0x0] =	vst v1  }
0x331: {  	v1 =	vld [tilespmem:s0+$0x4000]  }
.Ltmp38:
0x332: {  	(pc) =	sbr.rel @p0 .LBB2_78-.Ltmp38, $3  }
0x333: {  	_ =	sdelay $0x1  }
0x334: {  	s6 =	sadd.s32 $0x80, s6  }
0x335: {  	s8 =	sadd.s32 $0x10, s8;
	s19 =	sand.u32 $0x7C00, s6;
	s1 =	sadd.s32 $0x10, s1;
	v1 =	vmul.f32 $2.500000000e-01, v1  }
0x336: {  	s0 =	sand.u32 $0x70, s17;
	s6 =	sshrl.u32 s19, $0x2  }
0x337: {  	s0 =	sor.u32 s0, s6;
	[tilespmem:s1+$0x0] =	vst v1  }
0x338: {  	v1 =	vld [tilespmem:s0+$0x4000];
	_ =	sdelay $0x4  }
0x339: {  	v1 =	vmul.f32 $2.500000000e-01, v1  }
0x33a: {  	s31 =	sadd.s32 $0x10, s1  }
0x33b: {  	[tilespmem:s31+$0x0] =	vst v1  }
0x33c: {  	_ =	swait.ge [sflag:s26], $0x80  }
0x33d: {  	[sflag:s26] =	ssyncset.done $0x0  }
0x33e: {  	[sflag:s26] =	ssyncadd.s32 $0xFFFFFF80  }
0x33f: {  	_ =	swait.ge [sflag:s26], $0x80  }
0x340: {  	[sflag:s26] =	ssyncset.done $0x0  }
0x341: {  	[sflag:s26] =	ssyncadd.s32 $0xFFFFFF80  }
0x342: {  	_ =	swait.ge [sflag:s26], $0x80  }
0x343: {  	[sflag:s26] =	ssyncset.done $0x0  }
0x344: {  	[sflag:s26] =	ssyncadd.s32 $0xFFFFFF80  }
0x345: {  	_ =	swait.ge [sflag:s26], $0x80  }
0x346: {  	s1 =	simm.s32 $0x0;
	[sflag:s26] =	ssyncset.done $0x0  }
.LBB2_80:
0x347: {  	s1 =	sadd.s32 $0x4, s1;
	[sflag:s26] =	ssyncadd.s32 $0xFFFFFF80  }
0x348: {  	_ =	swait.ge [sflag:s26], $0x80;
	p0 =	slt.u32 s1, $0x7C  }
0x349: {  	[sflag:s26] =	ssyncset.done $0x0  }
0x34a: {  	[sflag:s26] =	ssyncadd.s32 $0xFFFFFF80  }
0x34b: {  	_ =	swait.ge [sflag:s26], $0x80  }
0x34c: {  	[sflag:s26] =	ssyncset.done $0x0  }
0x34d: {  	[sflag:s26] =	ssyncadd.s32 $0xFFFFFF80  }
.Ltmp39:
0x34e: {  	_ =	swait.ge [sflag:s26], $0x80;
	(pc) =	sbr.rel @p0 .LBB2_80-.Ltmp39, $4  }
0x34f: {  	[sflag:s26] =	ssyncset.done $0x0  }
0x350: {  	[sflag:s26] =	ssyncadd.s32 $0xFFFFFF80  }
0x351: {  	_ =	swait.ge [sflag:s26], $0x80  }
0x352: {  	[sflag:s26] =	ssyncset.done $0x0  }
0x353: {  	[sflag:s26] =	ssyncadd.s32 $0xFFFFFF80  }
0x354: {  	[bflag:$0x0] =	sbarrier.arrive $0xFFFF  }
0x355: {  	s0 =	rddreg [dreg:$0xf]  }
0x356: {  	s6 =	rddreg [dreg:$0x17]  }
0x357: {  	s1 =	simm.s32 $0x10;
	s20 =	simm.s32 $0x5;
	s7 =	rddreg [dreg:$0x18]  }
0x358: {  	[hbm:s0@s23], [sflag:s6] =	dma.strided [spmem:s7@s1], $0x800, s24, $0x10   }
0x359: {  	_ =	swait.ge [sflag:s20], $0x800  }
0x35a: {  	[sflag:s20] =	ssyncset.done $0x0  }
0x35b: {  	s21 =	simm.s32 $0x6;
	[sflag:s20] =	ssyncadd.s32 $0xFFFFF800  }
0x35c: {  	_ =	swait.ge [sflag:s21], $0x800  }
0x35d: {  	s28 =	rddreg [dreg:$0x11]  }
0x35e: {  	s31 =	rddreg [dreg:$0x10];
	s6 =	sadd.s32 $0x1, s28  }
0x35f: {  	p0 =	sne.s32 s6, s31  }
.Ltmp40:
0x360: {  	_ = 	snop;
	(pc) =	sbr.rel @p0 .LBB2_1-.Ltmp40, $3  }
0x361: {  	_ =	sdelay $0x1  }
0x362: {  	[sflag:s21] =	ssyncset.done $0x0  }
0x363: {  	[sflag:s21] =	ssyncadd.s32 $0xFFFFF800  }
0x364: {  	_ =	sfence.sel $0x180000  }
0x365: {  	[bflag:$0x0] =	sbarrier.arrive $0xFFFF  }
0x366: {  	_ =	strace $0x9000004A  }
0x367: {  	s0 =	stileid.u32;
	[bflag:$0x2] =	sbarrier.arrive $0xFFFF  }
0x368: {  	p0 =	sne.s32 s0, $0x0;
	s0 =	rddreg [dreg:$0x5]  }
0x369: {  	s0 =	sadd.s32 @!p0 $0x100000, s0  }
0x36a: {  	[sflag:s0] =	ssyncadd.tile.s32 @!p0 $0x1;
	_ =	shalt  }
.Lfunc_end2:
_tile_overlayer_lowered:
.L_overlay_start_2:
0x36b: {  	(tag) =	ssettag $0x2  }
0x36c: {  	s0 =	rddreg [dreg:$0x0];
	s2 =	stileid.u32  }
0x36d: {  	s1 =	rddreg [dreg:$0x1];
	p0 =	sne.s32 s2, $0x0  }
0x36e: {  	s3 =	rddreg [dreg:$0x2];
	[bflag:$0x3] =	sbarrier.arrive $0xFFFF;
	s2 =	simm.s32 @!p0 $0x1C08  }
0x36f: {  	[timem:s3], [sflag:s2] =	dma.local @!p0 [hbm:s0], s1  }
0x370: {  	s0 =	simm.s32 @!p0 $0x8  }
0x371: {  	_ =	swait.ge @!p0 [sflag:s0], s1  }
0x372: {  	s1 =	ssub.s32 @!p0 $0x0, s1;
	[sflag:s0] =	ssyncset.done @!p0 $0x0  }
0x373: {  	[sflag:s0] =	ssyncadd.s32 @!p0 s1  }
0x374: {  	[bflag:$0x3] =	sbarrier.arrive $0xFFFF  }
0x375: {  	_ =	shalt  }

// kernel: sparse-core-data-format-call.1.cloned.1.call-start
scs
called_computation.1_lowered:
.L_overlay_start_0:
0x0: {  	s2 =	sld [smem:$0x3FD9]  }
0x1: {  	s3 =	sld [smem:$0x3FFE];
	_ =	sdelay $0x1  }
0x2: {  	s1 =	srdreg.scid  }
0x3: {  	s0 =	sand.u32 $0x1, s1  }
0x4: {  	s19 =	sshll.u32 s0, $0xA;
	s2 =	sadd.s32 s3, s2  }
0x5: {  	s2 =	sadd.s32 s2, s19  }
0x6: {  	[smem:$0x3FC6] =	sst s2  }
0x7: {  	_ = 	snop  }
0x8: {  	s2 =	sld [smem:$0x3FC9]  }
0x9: {  	s20 =	sld [smem:$0x3FD0];
	(tm) =	ssettm $0x1  }
0xa: {  	s4 =	sld [smem:$0x3FFB];
	_ =	sdelay $0x3  }
0xb: {  	_ =	strace s4  }
0xc: {  	s4 =	sld [smem:$0x3FFC];
	_ =	sdelay $0x3  }
0xd: {  	_ =	strace s4  }
0xe: {  	s4 =	sld [smem:$0x3FFD];
	_ =	sdelay $0x3  }
0xf: {  	_ =	strace s4  }
0x10: {  	_ =	strace $0x8FFFFFFF  }
0x11: {  	s21 =	sld [smem:$0x3FDB];
	_ =	sdelay $0x1  }
0x12: {  	s5 =	simm.s32 $_scs_section_size  }
0x13: {  	s6 =	simm.s32 $_size__tile_overlayer_lowered;
	s7 =	simm.s32 $_tile_overlayer_lowered  }
0x14: {  	s24 =	simm.s32 $0x1BFF;
	s23 =	sshll.u32 s7, $0x1;
	s4 =	sadd.s32 s5, s21  }
0x15: {  	s8 =	simm.s32 $0x0;
	s22 =	sshll.u32 s6, $0x1;
	s6 =	sadd.s32 s23, s4  }
0x16: {  	[timem:s8], [sflag:s24] =	dma.local [hbm:s6], s22  }
0x17: {  	_ =	swait.ge [sflag:s24], s22  }
0x18: {  	s5 =	ssub.s32 $0x0, s22;
	[sflag:s24] =	ssyncset.done $0x0  }
0x19: {  	[sflag:s24] =	ssyncadd.s32 s5;
	_ =	sdelay $0x1  }
0x1a: {  	s25 =	simm.s32 $0x1B8B  }
0x1b: {  	_ =	swait.ge [sflag:s25], $0x1  }
0x1c: {  	[sflag:s25] =	ssyncset.done $0x0  }
0x1d: {  	s26 =	simm.s32 $0x1B8E;
	[sflag:s25] =	ssyncadd.s32 $0xFFFFFFFF  }
0x1e: {  	s27 =	simm.s32 $execute0_lowered;
	[smem:$0x3FD2] =	sst s26  }
0x1f: {  	s5 =	sshll.u32 s27, $0x1;
	_ =	strace $0x80000046;
	[dreg:$0x1] =	wrdreg $0xFFFFFFFF  }
0x20: {  	s28 =	simm.s32 $_size_execute0_lowered;
	s4 =	sadd.s32 s4, s5;
	[dreg:$0x0] =	wrdreg $0x0  }
0x21: {  	s5 =	sshll.u32 s28, $0x1;
	[dreg:$0x2] =	wrdreg s4  }
0x22: {  	[dreg:$0x3] =	wrdreg s5  }
0x23: {  	[dreg:$0x4] =	wrdreg $0xC0  }
0x24: {  	_ =	task [dreg:s8], $0x5FFFF  }
0x25: {  	[dreg:$0x1] =	wrdreg $0xFFFFFFFF  }
0x26: {  	[dreg:$0x0] =	wrdreg $0x60  }
0x27: {  	[dreg:$0x2] =	wrdreg s2  }
0x28: {  	[dreg:$0x3] =	wrdreg s20  }
0x29: {  	[dreg:$0x4] =	wrdreg $0x9  }
0x2a: {  	_ =	task.clear_ibuf [dreg:s8], $0x5FFFF;
	_ =	strace $0x90000046  }
0x2b: {  	s29 =	simm.s32 $0x9;
	_ =	strace $0x80000048  }
0x2c: {  	_ =	swait.ge [sflag:s29], $0x1  }
0x2d: {  	[sflag:s29] =	ssyncadd.s32 $0xFFFFFFFF  }
0x2e: {  	_ =	strace $0x90000048  }
0x2f: {  	_ =	sfence  }
0x30: {  	s30 =	sld [smem:$0x0];
	_ =	sdelay $0x2  }
0x31: {  	s31 =	sshll.u32 s1, $0xD;
	s1 =	sshrl.u32 s1, $0x2  }
0x32: {  	s3 =	sand.u32 $0x4000, s31;
	s1 =	sadd.s32 s1, s30  }
0x33: {  	s0 =	sor.u32 s3, s0;
	s1 =	sshll.u32 s1, $0x11  }
0x34: {  	s0 =	sor.u32 s1, s0  }
0x35: {  	s0 =	sadd.s32 $0x8F2B, s0  }
0x36: {  	[sflag:s0] =	ssyncadd.remote.s32 $0x1  }
0x37: {  	_ =	sfence.sel $0xFFFF  }
0x38: {  	[dreg:$0x0] =	wrdreg $0xFFFFFFFF;
	(pc) =	sbr.abs _section_cstart, $3  }
0x39: {  	[dreg:$0x1] =	wrdreg $0xFFFFFFFF  }
0x3a: {  	_ =	task.clear_ibuf [dreg:s8], $0x2FFFF;
	_ =	strace $0x9FFFFFFF  }
0x3b: {  	(tm) =	ssettm $0x7FFFFFFF  }
tec
execute0_lowered:
.L_overlay_start_1:
0x0: {  	(tag) =	ssettag $0x1  }
0x1: {  	s0 =	stileid.u32;
	s8 =	rddreg [dreg:$0x0]  }
0x2: {  	s1 =	srdreg.scid;
	s4 =	rddreg [dreg:$0x1]  }
0x3: {  	s10 =	simm.s32 $0x2;
	s15 =	simm.s32 $0x0;
	s12 =	simm.s32 $0x0  }
0x4: {  	s16 =	simm.s32 $0x0;
	s2 =	sshll.u32 s0, $0x4;
	s3 =	sshll.u32 s1, $0x7  }
0x5: {  	s18 =	simm.s32 $0x0;
	s1 =	sand.u32 $0x80, s2;
	s3 =	sand.u32 $0x80, s3  }
0x6: {  	s17 =	simm.s32 $0x0;
	s2 =	ssub.s32 $0x100, s1;
	s5 =	ssub.s32 $0x100, s3  }
0x7: {  	s6 =	sshrl.u32 s2, $0x8;
	s2 =	sshrl.u32 s2, $0x7;
	s7 =	sshrl.u32 s5, $0x7  }
0x8: {  	s5 =	sshrl.u32 s5, $0x8;
	s9 =	sand.u32 $0x1, s2;
	s7 =	sand.u32 $0x1, s7  }
0x9: {  	s13 =	simm.s32 $0x0;
	s6 =	sadd.s32 s6, s9;
	s7 =	sadd.s32 s5, s7  }
0xa: {  	s14 =	simm.s32 $0x0;
	s8 =	sadd.s32 s3, s8;
	s7 =	smul.u32 s7, s6  }
.Ltmp0:
0xb: {  	s11 =	sshll.u32 s1, $0x5;
	s2 =	rddreg [dreg:$0x2];
	(pc) =	sbr.rel .LBB1_1-.Ltmp0, $4  }
0xc: {  	_ =	strace $0x80000047;
	s5 =	simm.s32 $0x1;
	s6 =	sand.u32 $0x7, s0  }
0xd: {  	[sflag:s5] =	ssyncpa.u1 $0x0;
	s31 =	sshll.u32 s6, $0xD;
	s7 =	smul.u32 $0x18, s7  }
0xe: {  	[sflag:s10] =	ssyncpa.u1 $0x0;
	s10 =	simm.s32 $0x80;
	s8 =	sadd.s32 s8, s31  }
0xf: {  	s8 =	sadd.s32 s11, s8;
	s11 =	simm.s32 $0x800;
	s9 =	sor.u32 $0x1, s7  }
.LBB1_4:
0x10: {  	_ =	sdelay $0x3  }
0x11: {  	[tilespmem:v0+s20+$0xFFFFFFA0 ss:$0x1] =	vst.idx.msk $0xffff, v6  }
0x12: {  	v56 =	vld.idx.msk [tilespmem:v1+s21+$0x30 ss:$0x1], $0xffff;
	[tilespmem:v0+s20+$0xFFFFFFB0 ss:$0x1] =	vst.idx.msk $0xffff, v4  }
0x13: {  	v57 =	vld.idx.msk [tilespmem:v1+s21+$0xFFFFFFC0 ss:$0x1], $0xffff;
	[tilespmem:v0+s20+$0xFFFFFFC0 ss:$0x1] =	vst.idx.msk $0xffff, v2  }
0x14: {  	v58 =	vld.idx.msk [tilespmem:v1+s21+$0xFFFFFFD0 ss:$0x1], $0xffff;
	[tilespmem:v0+s20+$0xFFFFFFD0 ss:$0x1] =	vst.idx.msk $0xffff, v3  }
0x15: {  	v59 =	vld.idx.msk [tilespmem:v1+s21+$0xFFFFFFE0 ss:$0x1], $0xffff;
	[tilespmem:v0+s20+$0xFFFFFFE0 ss:$0x1] =	vst.idx.msk $0xffff, v5  }
0x16: {  	v60 =	vld.idx.msk [tilespmem:v1+s21+$0xFFFFFFF0 ss:$0x1], $0xffff;
	[tilespmem:v0+s20+$0xFFFFFFF0 ss:$0x1] =	vst.idx.msk $0xffff, v7  }
0x17: {  	v61 =	vld.idx.msk [tilespmem:v1+s21+$0x0 ss:$0x1], $0xffff;
	[tilespmem:v0+s21+$0x0 ss:$0x1] =	vst.idx.msk $0xffff, v56  }
0x18: {  	v62 =	vld.idx.msk [tilespmem:v1+s21+$0x10 ss:$0x1], $0xffff;
	[tilespmem:v0+s21+$0xFFFFFF90 ss:$0x1] =	vst.idx.msk $0xffff, v57  }
0x19: {  	v63 =	vld.idx.msk [tilespmem:v1+s21+$0x20 ss:$0x1], $0xffff;
	[tilespmem:v0+s21+$0xFFFFFFA0 ss:$0x1] =	vst.idx.msk $0xffff, v58  }
0x1a: {  	s17 =	sshll.u32 s17, $0x10;
	[tilespmem:v0+s21+$0xFFFFFFB0 ss:$0x1] =	vst.idx.msk $0xffff, v59  }
0x1b: {  	s18 =	sshll.u32 s18, $0x4;
	s17 =	sadd.s32 s4, s17;
	[tilespmem:v0+s21+$0xFFFFFFC0 ss:$0x1] =	vst.idx.msk $0xffff, v60  }
0x1c: {  	s17 =	sadd.s32 s18, s17;
	[tilespmem:v0+s21+$0xFFFFFFD0 ss:$0x1] =	vst.idx.msk $0xffff, v61  }
0x1d: {  	s16 =	sshll.u32 s16, $0x8;
	s15 =	sadd.s32 s15, s17;
	[tilespmem:v0+s21+$0xFFFFFFE0 ss:$0x1] =	vst.idx.msk $0xffff, v62  }
0x1e: {  	s15 =	sadd.s32 s16, s15;
	[tilespmem:v0+s21+$0xFFFFFFF0 ss:$0x1] =	vst.idx.msk $0xffff, v63  }
0x1f: {  	[hbm4b:s15+s10] =	stream.strided.scatter [tilespmem:s19], [sflag:$0x2], $0x4000, s11, s10, $0x38;
	[tilespmem:$0x10000] =	vst v63  }
.LBB1_5:
0x20: {  	s19 =	sadd.s32 $0x1, s13  }
0x21: {  	p1 =	sgt.s32 s19, $0x17  }
0x22: {  	s19 =	simm.s32 @p1 $0x0;
	p1 =	sne.s32 s14, s9  }
.Ltmp1:
0x23: {  	p0 =	slt.u32 s14, $0x2;
	(pc) =	sbr.rel @!p1 .LBB1_6-.Ltmp1, $4  }
0x24: {  	s20 =	sadd.s32 $0x1, s14;
	s17 =	smov.u32 s13;
	s15 =	simm.s32 @!p0 $0x2  }
0x25: {  	s12 =	sadd.s32 $0x4000, s12;
	s16 =	smov.u32 s1;
	_ =	swait.ge @!p0 [sflag:s15], $0x4000  }
0x26: {  	s18 =	smov.u32 s6;
	s14 =	smov.u32 s20;
	[sflag:s15] =	ssyncset.done @!p0 $0x0  }
0x27: {  	s13 =	smov.u32 s19;
	[sflag:s15] =	ssyncadd.s32 @!p0 $0xFFFFC000;
	s15 =	smov.u32 s3  }
.LBB1_1:
0x28: {  	p0 =	sge.u32 s14, s7  }
0x29: {  	s31 =	sadd.s32 $0xFFFFFFFF, s14;
	s19 =	sxor.u32 @!p0 $0xFFFFFFFF, s14  }
0x2a: {  	s20 =	sshll.u32 @!p0 s13, $0x10;
	s21 =	simm.s32 @!p0 $0x400;
	s19 =	sshll.u32 @!p0 s19, $0xE  }
0x2b: {  	s22 =	simm.s32 @!p0 $0x800;
	s20 =	sadd.s32 @!p0 s20, s8;
	s19 =	sand.u32 @!p0 $0x4000, s19  }
0x2c: {  	[tilespmem:s19], [sflag:$0x1] =	stream.strided.gather @!p0 [hbm4b:s20+s21], $0x4000, s22, s21, $0x38;
	[tilespmem:$0x10000] =	vst v63  }
0x2d: {  	p0 =	sge.u32 s31, s7  }
.Ltmp2:
0x2e: {  	_ = 	snop;
	(pc) =	sbr.rel @p0 .LBB1_5-.Ltmp2, $1  }
0x2f: {  	_ =	sdelay $0x3  }
0x30: {  	s19 =	sand.u32 $0x4000, s12  }
0x31: {  	s20 =	sor.u32 $0x40, s19  }
0x32: {  	v1 =	vmov s20;
	_ =	sdelay $0x1  }
0x33: {  	_ =	swait.ge [sflag:s5], $0x4000  }
0x34: {  	[sflag:s5] =	ssyncset.done $0x0  }
0x35: {  	[sflag:s5] =	ssyncadd.s32 $0xFFFFC000;
	s20 =	simm.s32 $0x0  }
0x36: {  	s19 =	sor.u32 $0x8070, s19;
	v7 =	vld.idx.msk [tilespmem:v1+s20+$0x30 ss:$0x1], $0xffff  }
0x37: {  	v0 =	vmov s19;
	v8 =	vld.idx.msk [tilespmem:v1+s20+$0xFFFFFFC0 ss:$0x1], $0xffff  }
0x38: {  	v6 =	vld.idx.msk [tilespmem:v1+s20+$0xFFFFFFD0 ss:$0x1], $0xffff  }
0x39: {  	v4 =	vld.idx.msk [tilespmem:v1+s20+$0xFFFFFFE0 ss:$0x1], $0xffff  }
0x3a: {  	v2 =	vld.idx.msk [tilespmem:v1+s20+$0xFFFFFFF0 ss:$0x1], $0xffff  }
0x3b: {  	s31 =	sshll.u32 s14, $0xE;
	v3 =	vld.idx.msk [tilespmem:v1+s20+$0x0 ss:$0x1], $0xffff  }
0x3c: {  	s19 =	sand.u32 $0x4000, s31;
	v5 =	vld.idx.msk [tilespmem:v1+s20+$0x10 ss:$0x1], $0xffff;
	[tilespmem:v0+s20+$0x0 ss:$0x1] =	vst.idx.msk $0xffff, v7  }
0x3d: {  	s21 =	simm.s32 $0x80;
	s22 =	simm.s32 $0x400;
	s19 =	sor.u32 $0x8000, s19;
	[tilespmem:v0+s20+$0xFFFFFF90 ss:$0x1] =	vst.idx.msk $0xffff, v8;
	v7 =	vld.idx.msk [tilespmem:v1+s20+$0x20 ss:$0x1], $0xffff  }
.LBB1_3:
0x3e: {  	p0 =	sne.s32 s22, $0xFE00;
	v8 =	vld.idx.msk [tilespmem:v1+s21+$0x30 ss:$0x1], $0xffff;
	[tilespmem:v0+s20+$0xFFFFFFA0 ss:$0x1] =	vst.idx.msk $0xffff, v6  }
0x3f: {  	v9 =	vld.idx.msk [tilespmem:v1+s21+$0xFFFFFFC0 ss:$0x1], $0xffff;
	[tilespmem:v0+s20+$0xFFFFFFB0 ss:$0x1] =	vst.idx.msk $0xffff, v4  }
0x40: {  	v6 =	vld.idx.msk [tilespmem:v1+s21+$0xFFFFFFD0 ss:$0x1], $0xffff;
	[tilespmem:v0+s20+$0xFFFFFFC0 ss:$0x1] =	vst.idx.msk $0xffff, v2  }
.Ltmp3:
0x41: {  	v4 =	vld.idx.msk [tilespmem:v1+s21+$0xFFFFFFE0 ss:$0x1], $0xffff;
	[tilespmem:v0+s20+$0xFFFFFFD0 ss:$0x1] =	vst.idx.msk $0xffff, v3;
	(pc) =	sbr.rel @p0 .LBB1_3-.Ltmp3, $4  }
0x42: {  	v2 =	vld.idx.msk [tilespmem:v1+s21+$0xFFFFFFF0 ss:$0x1], $0xffff;
	[tilespmem:v0+s20+$0xFFFFFFE0 ss:$0x1] =	vst.idx.msk $0xffff, v5  }
0x43: {  	v3 =	vld.idx.msk [tilespmem:v1+s21+$0x0 ss:$0x1], $0xffff;
	[tilespmem:v0+s20+$0xFFFFFFF0 ss:$0x1] =	vst.idx.msk $0xffff, v7;
	s20 =	smov.u32 s21  }
0x44: {  	v5 =	vld.idx.msk [tilespmem:v1+s20+$0x10 ss:$0x1], $0xffff;
	[tilespmem:v0+s20+$0x0 ss:$0x1] =	vst.idx.msk $0xffff, v8  }
0x45: {  	s21 =	sshra.s32 s22, $0x2;
	s22 =	sadd.s32 $0x200, s22;
	[tilespmem:v0+s20+$0xFFFFFF90 ss:$0x1] =	vst.idx.msk $0xffff, v9;
	v7 =	vld.idx.msk [tilespmem:v1+s20+$0x20 ss:$0x1], $0xffff  }
.Ltmp4:
0x46: {  	_ = 	snop;
	(pc) =	sbr.rel .LBB1_4-.Ltmp4, $1  }
0x47: {  	_ =	sdelay $0x3  }
.LBB1_6:
0x48: {  	_ =	sfence.sel $0x180000  }
0x49: {  	s1 =	simm.s32 $0x1;
	[bflag:$0x0] =	sbarrier.arrive $0xFFFF  }
0x4a: {  	s31 =	simm.s32 $0x2;
	[sflag:s1] =	ssyncpa.u1 $0x1  }
0x4b: {  	[sflag:s31] =	ssyncpa.u1 $0x1  }
0x4c: {  	p0 =	sne.s32 s0, $0x0;
	_ =	strace $0x90000047  }
0x4d: {  	s0 =	sadd.s32 @!p0 $0x100000, s2;
	[bflag:$0x2] =	sbarrier.arrive $0xFFFF  }
0x4e: {  	[sflag:s0] =	ssyncadd.tile.s32 @!p0 $0x1;
	_ =	shalt  }
.Lfunc_end1:
_tile_overlayer_lowered:
.L_overlay_start_2:
0x4f: {  	(tag) =	ssettag $0x2  }
0x50: {  	s0 =	rddreg [dreg:$0x0];
	s2 =	stileid.u32  }
0x51: {  	s1 =	rddreg [dreg:$0x1];
	p0 =	sne.s32 s2, $0x0  }
0x52: {  	s3 =	rddreg [dreg:$0x2];
	[bflag:$0x3] =	sbarrier.arrive $0xFFFF;
	s2 =	simm.s32 @!p0 $0x1C01  }
0x53: {  	[timem:s3], [sflag:s2] =	dma.local @!p0 [hbm:s0], s1  }
0x54: {  	s0 =	simm.s32 @!p0 $0x1  }
0x55: {  	_ =	swait.ge @!p0 [sflag:s0], s1  }
0x56: {  	s1 =	ssub.s32 @!p0 $0x0, s1;
	[sflag:s0] =	ssyncset.done @!p0 $0x0  }
0x57: {  	[sflag:s0] =	ssyncadd.s32 @!p0 s1  }
0x58: {  	[bflag:$0x3] =	sbarrier.arrive $0xFFFF  }
0x59: {  	_ =	shalt  }

// kernel: sparse-core-data-format-call.cloned.1.call-start
scs
called_computation_lowered:
.L_overlay_start_0:
0x0: {  	s2 =	sld [smem:$0x3FD9]  }
0x1: {  	s3 =	sld [smem:$0x3FFE];
	_ =	sdelay $0x1  }
0x2: {  	s1 =	srdreg.scid  }
0x3: {  	s0 =	sand.u32 $0x1, s1  }
0x4: {  	s18 =	sshll.u32 s0, $0xA;
	s2 =	sadd.s32 s3, s2  }
0x5: {  	s2 =	sadd.s32 s2, s18  }
0x6: {  	[smem:$0x3FC6] =	sst s2  }
0x7: {  	_ = 	snop  }
0x8: {  	s2 =	sld [smem:$0x3FD0];
	(tm) =	ssettm $0x1  }
0x9: {  	s19 =	sld [smem:$0x3FFB];
	_ =	sdelay $0x3  }
0xa: {  	_ =	strace s19  }
0xb: {  	s3 =	sld [smem:$0x3FFC];
	_ =	sdelay $0x3  }
0xc: {  	_ =	strace s3  }
0xd: {  	s3 =	sld [smem:$0x3FFD];
	_ =	sdelay $0x3  }
0xe: {  	_ =	strace s3  }
0xf: {  	_ =	strace $0x8FFFFFFF  }
0x10: {  	s20 =	sld [smem:$0x3FDB];
	_ =	sdelay $0x1  }
0x11: {  	s4 =	simm.s32 $_scs_section_size  }
0x12: {  	s5 =	simm.s32 $_size__tile_overlayer_lowered;
	s6 =	simm.s32 $_tile_overlayer_lowered  }
0x13: {  	s23 =	simm.s32 $0x1BFF;
	s22 =	sshll.u32 s6, $0x1;
	s3 =	sadd.s32 s4, s20  }
0x14: {  	s7 =	simm.s32 $0x0;
	s21 =	sshll.u32 s5, $0x1;
	s5 =	sadd.s32 s22, s3  }
0x15: {  	[timem:s7], [sflag:s23] =	dma.local [hbm:s5], s21  }
0x16: {  	_ =	swait.ge [sflag:s23], s21  }
0x17: {  	s4 =	ssub.s32 $0x0, s21;
	[sflag:s23] =	ssyncset.done $0x0  }
0x18: {  	[sflag:s23] =	ssyncadd.s32 s4;
	_ =	sdelay $0x1  }
0x19: {  	s24 =	simm.s32 $0x1B8B  }
0x1a: {  	_ =	swait.ge [sflag:s24], $0x1  }
0x1b: {  	[sflag:s24] =	ssyncset.done $0x0  }
0x1c: {  	s26 =	simm.s32 $0x1B8E;
	s25 =	sld [smem:$0x3FFE];
	[sflag:s24] =	ssyncadd.s32 $0xFFFFFFFF  }
0x1d: {  	s27 =	simm.s32 $execute0_lowered;
	[smem:$0x3FD2] =	sst s26  }
0x1e: {  	s5 =	sshll.u32 s27, $0x1;
	_ =	strace $0x8000004C;
	[dreg:$0x1] =	wrdreg $0xFFFFFFFF  }
0x1f: {  	s28 =	simm.s32 $_size_execute0_lowered;
	s3 =	sadd.s32 s3, s5;
	[dreg:$0x0] =	wrdreg $0x0  }
0x20: {  	s5 =	sshll.u32 s28, $0x1;
	[dreg:$0x2] =	wrdreg s3  }
0x21: {  	[dreg:$0x3] =	wrdreg s5  }
0x22: {  	[dreg:$0x4] =	wrdreg $0xC0  }
0x23: {  	_ =	task [dreg:s7], $0x5FFFF  }
0x24: {  	[dreg:$0x1] =	wrdreg $0xFFFFFFFF  }
0x25: {  	[dreg:$0x0] =	wrdreg $0x60  }
0x26: {  	[dreg:$0x2] =	wrdreg s25  }
0x27: {  	[dreg:$0x3] =	wrdreg s2  }
0x28: {  	[dreg:$0x4] =	wrdreg $0x9  }
0x29: {  	_ =	task.clear_ibuf [dreg:s7], $0x5FFFF;
	_ =	strace $0x9000004C  }
0x2a: {  	s29 =	simm.s32 $0x9;
	_ =	strace $0x8000004E  }
0x2b: {  	_ =	swait.ge [sflag:s29], $0x1  }
0x2c: {  	[sflag:s29] =	ssyncadd.s32 $0xFFFFFFFF  }
0x2d: {  	_ =	strace $0x9000004E  }
0x2e: {  	_ =	sfence  }
0x2f: {  	s30 =	sld [smem:$0x0];
	_ =	sdelay $0x2  }
0x30: {  	s31 =	sshll.u32 s1, $0xD;
	s1 =	sshrl.u32 s1, $0x2  }
0x31: {  	s3 =	sand.u32 $0x4000, s31;
	s1 =	sadd.s32 s1, s30  }
0x32: {  	s0 =	sor.u32 s3, s0;
	s1 =	sshll.u32 s1, $0x11  }
0x33: {  	s0 =	sor.u32 s1, s0  }
0x34: {  	s0 =	sadd.s32 $0x8F2B, s0  }
0x35: {  	[sflag:s0] =	ssyncadd.remote.s32 $0x1  }
0x36: {  	_ =	sfence.sel $0xFFFF  }
0x37: {  	[dreg:$0x0] =	wrdreg $0xFFFFFFFF;
	(pc) =	sbr.abs _section_cstart, $3  }
0x38: {  	[dreg:$0x1] =	wrdreg $0xFFFFFFFF  }
0x39: {  	_ =	task.clear_ibuf [dreg:s7], $0x2FFFF;
	_ =	strace $0x9FFFFFFF  }
0x3a: {  	(tm) =	ssettm $0x7FFFFFFF  }
0x3b: {  	_ =	shalt  }
tec
execute0_lowered:
.L_overlay_start_1:
0x0: {  	(tag) =	ssettag $0x1  }
0x1: {  	s0 =	srdreg.scid  }
0x2: {  	s6 =	rddreg [dreg:$0x0];
	s1 =	sshll.u32 s0, $0x4  }
0x3: {  	s4 =	simm.s32 $0x1;
	s0 =	stileid.u32;
	s1 =	sand.u32 $0x10, s1  }
0x4: {  	s31 =	simm.s32 $0x2;
	s15 =	simm.s32 $0x0;
	s1 =	sor.u32 s0, s1  }
0x5: {  	s8 =	simm.s32 $0x40000;
	s9 =	simm.s32 $0x0;
	s2 =	sshll.u32 s1, $0x3  }
0x6: {  	s16 =	simm.s32 $0x0;
	s18 =	simm.s32 $0x0;
	s1 =	ssub.s32 $0x200, s2  }
0x7: {  	s17 =	simm.s32 $0x0;
	s10 =	simm.s32 $0x0;
	s3 =	sand.u32 $0xF8, s1  }
0x8: {  	s11 =	simm.s32 $0x0;
	s13 =	simm.s32 $0x0;
	p0 =	sne.s32 s3, $0x0  }
.Ltmp0:
0x9: {  	s1 =	sshrl.u32 s1, $0x8;
	s4 =	simm.s32 @!p0 $0x0;
	(pc) =	sbr.rel .LBB1_1-.Ltmp0, $4  }
0xa: {  	s14 =	simm.s32 $0x0;
	s3 =	rddreg [dreg:$0x1];
	s1 =	sadd.s32 s4, s1  }
0xb: {  	_ =	strace $0x8000004D;
	s4 =	simm.s32 $0x1;
	s5 =	smul.u32 $0x30, s1  }
0xc: {  	s24 =	simm.s32 $0x0;
	s6 =	sadd.s32 $0x11000, s6;
	[sflag:s4] =	ssyncpa.u1 $0x0  }
0xd: {  	s12 =	smov.u32 s2;
	[sflag:s31] =	ssyncpa.u1 $0x0;
	s7 =	sor.u32 $0x1, s5  }
.LBB1_7:
0xe: {  	s1 =	sadd.s32 $0x100, s10  }
0xf: {  	s15 =	sadd.s32 $0x8, s11;
	s19 =	smov.u32 s11;
	p1 =	sgt.s32 s1, $0x1FF  }
0x10: {  	s19 =	smov.u32 @p1 s15  }
0x11: {  	s20 =	smov.u32 s12;
	s15 =	sadd.s32 $0x100, s12;
	p2 =	sgt.s32 s19, $0x7  }
0x12: {  	s20 =	smov.u32 @p2 s15  }
0x13: {  	s15 =	simm.s32 $0x1;
	p3 =	sgt.s32 s20, $0x1FF  }
0x14: {  	s15 =	simm.s32 @!p3 $0x0  }
0x15: {  	p0 =	slt.u32 s14, $0x2;
	s22 =	sadd.s32 s15, s13  }
0x16: {  	s16 =	smov.u32 s11;
	s1 =	simm.s32 @p1 $0x0;
	p1 =	sgt.s32 s22, $0x17  }
0x17: {  	s21 =	simm.s32 @!p0 $0x2;
	s22 =	simm.s32 @p1 $0x0;
	p1 =	sne.s32 s14, s7  }
.Ltmp1:
0x18: {  	s18 =	smov.u32 s12;
	_ =	swait.ge @!p0 [sflag:s21], $0x4000;
	(pc) =	sbr.rel @!p1 .LBB1_8-.Ltmp1, $4  }
0x19: {  	s17 =	smov.u32 s13;
	[sflag:s21] =	ssyncset.done @!p0 $0x0;
	s19 =	simm.s32 @p2 $0x0  }
0x1a: {  	s9 =	sadd.s32 $0x4000, s9;
	[sflag:s21] =	ssyncadd.s32 @!p0 $0xFFFFC000;
	s11 =	smov.u32 s19  }
0x1b: {  	s20 =	smov.u32 @p3 s2;
	s15 =	smov.u32 s10;
	s10 =	smov.u32 s1  }
0x1c: {  	s12 =	smov.u32 s20;
	s14 =	sadd.s32 $0x1, s14;
	s13 =	smov.u32 s22  }
.LBB1_1:
0x1d: {  	p0 =	sge.u32 s14, s5  }
0x1e: {  	s31 =	sadd.s32 $0xFFFFFFFF, s14;
	s1 =	sxor.u32 @!p0 $0xFFFFFFFF, s14;
	s19 =	sshll.u32 @!p0 s10, $0x3  }
0x1f: {  	s20 =	sshll.u32 @!p0 s11, $0x7;
	s21 =	sand.u32 @!p0 $0x78, s10;
	s22 =	sshll.u32 @!p0 s13, $0x12  }
0x20: {  	s23 =	sshll.u32 @!p0 s12, $0x9;
	s1 =	sshll.u32 @!p0 s1, $0xE;
	s20 =	sand.u32 @!p0 $0x380, s20  }
0x21: {  	s19 =	sand.u32 @!p0 $0xC00, s19;
	s1 =	sand.u32 @!p0 $0x4000, s1;
	s20 =	sor.u32 @!p0 s21, s20  }
0x22: {  	s21 =	sand.u32 @!p0 $0x7, s10;
	s19 =	sor.u32 @!p0 s19, s20;
	s20 =	sadd.s32 @!p0 s6, s22  }
0x23: {  	s21 =	sshll.u32 @!p0 s21, $0x12;
	s19 =	sshrl.u32 @!p0 s19, $0x3;
	s20 =	sadd.s32 @!p0 s23, s20  }
0x24: {  	s19 =	sadd.s32 @!p0 s19, s20;
	s20 =	sor.u32 @!p0 $0x800, s21;
	s21 =	simm.s32 @!p0 $0x1000  }
0x25: {  	[tilespmem:s1], [sflag:$0x1] =	stream.strided.gather @!p0 [hbm4b:s19+s20], $0x4000, s21, s20, $0x38;
	[tilespmem:$0x10000] =	vst v63  }
0x26: {  	p0 =	sge.u32 s31, s5  }
.Ltmp2:
0x27: {  	_ = 	snop;
	(pc) =	sbr.rel @p0 .LBB1_7-.Ltmp2, $1  }
0x28: {  	_ =	sdelay $0x3  }
0x29: {  	s1 =	sshll.u32 s9, $0x2;
	_ =	swait.ge [sflag:s4], $0x4000;
	s19 =	sshll.u32 s14, $0xE  }
0x2a: {  	p0 =	por $0x0, $0x0;
	s25 =	simm.s32 $0x0;
	s26 =	simm.s32 $0x0  }
0x2b: {  	s1 =	sand.u32 $0x10000, s1;
	[sflag:s4] =	ssyncset.done $0x0;
	s22 =	sand.u32 $0x4000, s19  }
0x2c: {  	s1 =	sshrl.u32 s1, $0x2;
	[sflag:s4] =	ssyncadd.s32 $0xFFFFC000;
	s19 =	sor.u32 $0x8000, s22  }
0x2d: {  	s20 =	sor.u32 $0x40, s1;
	s21 =	sor.u32 $0x8410, s1;
	s23 =	sadd.s32 $0x8400, s1  }
.LBB1_3:
0x2e: {  	v1 =	vld [tilespmem:s20+$0xFFFFFFD0]  }
0x2f: {  	v2 =	vld [tilespmem:s20+$0x430]  }
0x30: {  	s1 =	sshll.u32 s26, $0xB;
	v4 =	vld [tilespmem:s20+$0xFFFFFFE0]  }
0x31: {  	v7 =	vld [tilespmem:s20+$0xFFFFFFF0];
	v0 =	vmov s1  }
0x32: {  	v8 =	vld [tilespmem:s20+$0x0]  }
0x33: {  	v9 =	vld [tilespmem:s20+$0x10];
	s1 =	sand.u32 $0x300, s24  }
0x34: {  	s27 =	sand.u32 $0x80, s24;
	v10 =	vld [tilespmem:s20+$0x20];
	s1 =	sadd.s32 s1, s22  }
0x35: {  	v11 =	vld [tilespmem:s20+$0x30];
	s1 =	sadd.s32 s27, s1;
	s27 =	simm.s32 $0x1;
	[tilespmem:s21+$0x60] =	vst v2  }
0x36: {  	s27 =	simm.s32 @!p0 $0x0;
	[tilespmem:s21+$0xFFFFFC00] =	vst v1;
	v3 =	vld.idx.msk [tilespmem:v0+s1+$0x400 ss:$0x1], $0xffff;
	s1 =	sshll.u32 s25, $0x2  }
0x37: {  	v6 =	vld [tilespmem:s20+$0x3D0];
	s27 =	sshll.u32 s27, $0x9;
	[tilespmem:s21+$0xFFFFFC10] =	vst v4;
	s1 =	sand.u32 $0xFFFFFC00, s1  }
0x38: {  	v5 =	vld [tilespmem:s20+$0x3E0];
	[tilespmem:s21+$0xFFFFFC20] =	vst v7;
	s1 =	sor.u32 s27, s1  }
0x39: {  	[tilespmem:s21+$0xFFFFFC30] =	vst v8;
	v4 =	vld [tilespmem:s20+$0x400];
	s1 =	sshrl.u32 s1, $0x2  }
0x3a: {  	[tilespmem:s21+$0xFFFFFC40] =	vst v9;
	v1 =	vld [tilespmem:s20+$0x410];
	s27 =	sadd.s32 s1, s23  }
0x3b: {  	[tilespmem:s27+$0x0] =	vst v3;
	v3 =	vld [tilespmem:s20+$0x3F0]  }
0x3c: {  	s31 =	simm.s32 $0x80;
	s30 =	simm.s32 $0x100;
	[tilespmem:s21+$0xFFFFFC50] =	vst v10;
	v2 =	vld [tilespmem:s20+$0x420]  }
0x3d: {  	s28 =	sadd.s32 $0x80, s20;
	s29 =	smov.u32 s21;
	v7 =	vld [tilespmem:s20+$0xFFFFFFC0];
	[tilespmem:s21+$0xFFFFFC60] =	vst v11;
	s1 =	sand.u32 $0x300, s31  }
.LBB1_4:
0x3e: {  	p1 =	sne.s32 s30, $0x380;
	v8 =	vld [tilespmem:s28+$0xFFFFFFD0];
	s31 =	sand.u32 $0x80, s31;
	s1 =	sadd.s32 s1, s22;
	[tilespmem:s29+$0x0] =	vst v6  }
0x3f: {  	s1 =	sadd.s32 s31, s1;
	v6 =	vld [tilespmem:s28+$0x430];
	[tilespmem:s29+$0x10] =	vst v5;
	s31 =	smov.u32 s30  }
0x40: {  	v5 =	vld.idx.msk [tilespmem:v0+s1+$0x400 ss:$0x1], $0xffff;
	[tilespmem:s29+$0x20] =	vst v3  }
0x41: {  	v3 =	vld [tilespmem:s28+$0xFFFFFFE0];
	[tilespmem:s29+$0x30] =	vst v4  }
0x42: {  	v4 =	vld [tilespmem:s28+$0xFFFFFFF0];
	[tilespmem:s29+$0xFFFFFBF0] =	vst v7  }
0x43: {  	v7 =	vld [tilespmem:s28+$0x0];
	[tilespmem:s29+$0x40] =	vst v1  }
0x44: {  	v1 =	vld [tilespmem:s28+$0x10];
	[tilespmem:s29+$0x50] =	vst v2;
	s29 =	sadd.s32 $0x800, s29  }
0x45: {  	s27 =	sadd.s32 $0x800, s27;
	v2 =	vld [tilespmem:s28+$0x20];
	[tilespmem:s29+$0x60] =	vst v6  }
0x46: {  	v9 =	vld [tilespmem:s28+$0x30];
	[tilespmem:s27+$0x0] =	vst v5  }
0x47: {  	[tilespmem:s29+$0xFFFFFC00] =	vst v8;
	v6 =	vld [tilespmem:s28+$0x3D0]  }
0x48: {  	[tilespmem:s29+$0xFFFFFC10] =	vst v3;
	v5 =	vld [tilespmem:s28+$0x3E0]  }
.Ltmp3:
0x49: {  	[tilespmem:s29+$0xFFFFFC20] =	vst v4;
	v3 =	vld [tilespmem:s28+$0x3F0];
	(pc) =	sbr.rel @p1 .LBB1_4-.Ltmp3, $4  }
0x4a: {  	[tilespmem:s29+$0xFFFFFC30] =	vst v7;
	v4 =	vld [tilespmem:s28+$0x400]  }
0x4b: {  	[tilespmem:s29+$0xFFFFFC40] =	vst v1;
	v1 =	vld [tilespmem:s28+$0x410]  }
0x4c: {  	[tilespmem:s29+$0xFFFFFC50] =	vst v2;
	v2 =	vld [tilespmem:s28+$0x420]  }
0x4d: {  	s30 =	sadd.s32 $0x80, s30;
	s1 =	sand.u32 $0x300, s31;
	v7 =	vld [tilespmem:s28+$0xFFFFFFC0];
	[tilespmem:s29+$0xFFFFFC60] =	vst v9;
	s28 =	sadd.s32 $0x80, s28  }
0x4e: {  	[tilespmem:s29+$0x0] =	vst v6  }
0x4f: {  	[tilespmem:s29+$0x10] =	vst v5  }
0x50: {  	v49 =	vld [tilespmem:s28+$0x430];
	[tilespmem:s29+$0x20] =	vst v3  }
0x51: {  	v50 =	vld [tilespmem:s28+$0xFFFFFFD0];
	[tilespmem:s29+$0x30] =	vst v4  }
0x52: {  	v51 =	vld [tilespmem:s28+$0xFFFFFFE0];
	[tilespmem:s29+$0x40] =	vst v1  }
0x53: {  	v52 =	vld [tilespmem:s28+$0xFFFFFFF0];
	[tilespmem:s29+$0x50] =	vst v2  }
0x54: {  	s30 =	sand.u32 $0x80, s31;
	s31 =	sadd.s32 $0x800, s29;
	v53 =	vld [tilespmem:s28+$0x0];
	[tilespmem:s29+$0xFFFFFBF0] =	vst v7  }
0x55: {  	v54 =	vld [tilespmem:s28+$0x10];
	[tilespmem:s31+$0x60] =	vst v49  }
0x56: {  	v55 =	vld [tilespmem:s28+$0x20];
	[tilespmem:s31+$0xFFFFFC00] =	vst v50  }
0x57: {  	v56 =	vld [tilespmem:s28+$0x30];
	[tilespmem:s31+$0xFFFFFC10] =	vst v51  }
0x58: {  	v57 =	vld [tilespmem:s28+$0x3D0];
	[tilespmem:s31+$0xFFFFFC20] =	vst v52  }
0x59: {  	v58 =	vld [tilespmem:s28+$0x3E0];
	[tilespmem:s31+$0xFFFFFC30] =	vst v53  }
0x5a: {  	v59 =	vld [tilespmem:s28+$0x3F0];
	[tilespmem:s31+$0xFFFFFC40] =	vst v54  }
0x5b: {  	v60 =	vld [tilespmem:s28+$0x400];
	[tilespmem:s31+$0xFFFFFC50] =	vst v55  }
0x5c: {  	v61 =	vld [tilespmem:s28+$0xFFFFFFC0];
	[tilespmem:s31+$0xFFFFFC60] =	vst v56  }
0x5d: {  	s1 =	sadd.s32 s1, s22;
	v62 =	vld [tilespmem:s28+$0x410];
	[tilespmem:s31+$0x0] =	vst v57  }
0x5e: {  	v63 =	vld [tilespmem:s28+$0x420];
	s26 =	sadd.s32 $0x1, s26;
	s1 =	sadd.s32 s30, s1;
	[tilespmem:s31+$0x10] =	vst v58  }
0x5f: {  	p1 =	sne.s32 s26, $0x8;
	v0 =	vld.idx.msk [tilespmem:v0+s1+$0x400 ss:$0x1], $0xffff;
	[tilespmem:s31+$0x20] =	vst v59  }
.Ltmp4:
0x60: {  	[tilespmem:s31+$0x30] =	vst v60;
	(pc) =	sbr.rel @p1 .LBB1_3-.Ltmp4, $4  }
0x61: {  	[tilespmem:s31+$0xFFFFFBF0] =	vst v61  }
0x62: {  	[tilespmem:s31+$0x40] =	vst v62  }
0x63: {  	s27 =	sadd.s32 $0x800, s27;
	s20 =	sadd.s32 $0x800, s20;
	[tilespmem:s31+$0x50] =	vst v63  }
0x64: {  	s25 =	sadd.s32 $0x80, s25;
	p0 =	por !p0, !p0;
	s21 =	sadd.s32 $0x80, s21;
	[tilespmem:s27+$0x0] =	vst v0  }
0x65: {  	s1 =	sand.u32 $0x78, s15  }
0x66: {  	s20 =	sshll.u32 s18, $0x9;
	s21 =	sshll.u32 s15, $0x3;
	s27 =	sshll.u32 s18, $0x7  }
0x67: {  	s17 =	sshll.u32 s17, $0x12;
	s16 =	sshll.u32 s16, $0xF;
	s30 =	sand.u32 $0x7, s15  }
0x68: {  	s20 =	sand.u32 $0x3F000, s20;
	s21 =	sand.u32 $0x3FC00, s21;
	s28 =	sand.u32 $0x200, s27  }
0x69: {  	s18 =	sand.u32 $0x180, s27;
	s17 =	sadd.s32 s3, s17;
	s20 =	sadd.s32 s20, s21  }
.Ltmp5:
0x6a: {  	s1 =	sor.u32 s18, s1;
	s20 =	sor.u32 s28, s20;
	(pc) =	sbr.rel .LBB1_7-.Ltmp5, $4  }
0x6b: {  	s16 =	sadd.s32 s16, s17;
	s1 =	sshrl.u32 s1, $0x3;
	s29 =	sshrl.u32 s20, $0x3  }
0x6c: {  	s15 =	sshll.u32 s30, $0x12;
	s1 =	sadd.s32 s1, s16;
	s31 =	sand.u32 $0x7FC0, s29  }
0x6d: {  	s15 =	sor.u32 $0x800, s15;
	s1 =	sadd.s32 s31, s1  }
0x6e: {  	[hbm4b:s1+s15] =	stream.strided.scatter [tilespmem:s19], [sflag:$0x2], $0x4000, s8, s15, $0x38;
	[tilespmem:$0x10000] =	vst v63  }
.LBB1_8:
0x6f: {  	_ =	sfence.sel $0x180000  }
0x70: {  	s1 =	simm.s32 $0x1;
	[bflag:$0x0] =	sbarrier.arrive $0xFFFF  }
0x71: {  	s31 =	simm.s32 $0x2;
	[sflag:s1] =	ssyncpa.u1 $0x1  }
0x72: {  	[sflag:s31] =	ssyncpa.u1 $0x1  }
0x73: {  	_ =	strace $0x9000004D  }
0x74: {  	[bflag:$0x2] =	sbarrier.arrive $0xFFFF  }
0x75: {  	p0 =	sne.s32 s0, $0x0;
	s0 =	rddreg [dreg:$0x2]  }
0x76: {  	s0 =	sadd.s32 @!p0 $0x100000, s0  }
0x77: {  	[sflag:s0] =	ssyncadd.tile.s32 @!p0 $0x1;
	_ =	shalt  }
.Lfunc_end1:
_tile_overlayer_lowered:
.L_overlay_start_2:
0x78: {  	(tag) =	ssettag $0x2  }
0x79: {  	s0 =	rddreg [dreg:$0x0];
	s2 =	stileid.u32  }
0x7a: {  	s1 =	rddreg [dreg:$0x1];
	p0 =	sne.s32 s2, $0x0  }
0x7b: {  	s3 =	rddreg [dreg:$0x2];
	[bflag:$0x3] =	sbarrier.arrive $0xFFFF;
	s2 =	simm.s32 @!p0 $0x1C01  }
0x7c: {  	[timem:s3], [sflag:s2] =	dma.local @!p0 [hbm:s0], s1  }
0x7d: {  	s0 =	simm.s32 @!p0 $0x1  }
0x7e: {  	_ =	swait.ge @!p0 [sflag:s0], s1  }
0x7f: {  	s1 =	ssub.s32 @!p0 $0x0, s1;
	[sflag:s0] =	ssyncset.done @!p0 $0x0  }
0x80: {  	[sflag:s0] =	ssyncadd.s32 @!p0 s1  }
0x81: {  	[bflag:$0x3] =	sbarrier.arrive $0xFFFF  }
0x82: {  	_ =	shalt  }

</sc_bundles>
